<compile_context>
chip_gen: v7x
topology: tpu7x:2x2x1
jax: 0.10.2.dev20260603
libtpu: 0.0.44.dev20260713+nightly
codegen_flags: <defaults>
</compile_context>

<pallas_src>
import jax
import jax.numpy as jnp
from jax import lax
from jax.experimental import pallas as pl
from jax.experimental.pallas import tpu as pltpu
from jax.experimental.pallas import tpu_sc as plsc

CODEBOOK_SIZE = 256
D = 1024
WORD_LEN = 3
B = 16
T = 3072
NUM_WORDS = (T // WORD_LEN) * B

NC = 2
NS = 16
NW = NC * NS

WPW = NUM_WORDS // NW
WCH = 16
NCHUNK = WPW // WCH
NBUF = 2
LANES = 16
ROWS = WCH * WORD_LEN
DP = D // 2


def _sc_body(idx_hbm, table_hbm, out_hbm, idx_v, rows_v, out_v, gsems, wsems):
  wid = lax.axis_index("s") * NC + lax.axis_index("c")
  word_base = wid * WPW

  pltpu.sync_copy(idx_hbm.at[pl.ds(word_base * WORD_LEN, WPW * WORD_LEN)],
                  idx_v)

  def start_gather(c, buf):
    idx_sl = idx_v.at[pl.ds(c * ROWS, ROWS)]
    pltpu.async_copy(table_hbm.at[idx_sl], rows_v.at[buf], gsems.at[buf])

  def wait_gather(buf):
    pltpu.make_async_copy(table_hbm.at[idx_v.at[pl.ds(0, ROWS)]],
                          rows_v.at[buf], gsems.at[buf]).wait()

  def start_write(c, buf):
    pltpu.async_copy(out_v.at[buf],
                     out_hbm.at[pl.ds(word_base + c * WCH, WCH)],
                     wsems.at[buf])

  def wait_write(c, buf):
    pltpu.make_async_copy(out_v.at[buf],
                          out_hbm.at[pl.ds(word_base + c * WCH, WCH)],
                          wsems.at[buf]).wait()

  def compute(buf):
    @plsc.parallel_loop(0, WCH, 1, unroll=2)
    def word_body(w):
      r = 3 * w
      for j in range(DP // LANES):
        sl = pl.ds(j * LANES, LANES)
        a = plsc.bitcast(rows_v[buf, r, sl], jnp.bfloat16)
        b = plsc.bitcast(rows_v[buf, r + 1, sl], jnp.bfloat16)
        cc = plsc.bitcast(rows_v[buf, r + 2, sl], jnp.bfloat16)
        s = plsc.bitcast((a + b) + cc, jnp.int32)
        lo = lax.bitcast_convert_type(lax.shift_left(s, 16), jnp.float32)
        hi = lax.bitcast_convert_type(s, jnp.float32)
        out_v[buf, w, pl.ds(j * 2 * LANES, LANES)] = lo
        out_v[buf, w, pl.ds((j * 2 + 1) * LANES, LANES)] = hi

  start_gather(0, 0)
  start_gather(1, 1)

  def chunk_body(c, carry):
    buf = lax.rem(c, NBUF)
    wait_gather(buf)
    @pl.when(c >= NBUF)
    def _():
      wait_write(c - NBUF, buf)
    compute(buf)
    start_write(c, buf)
    @pl.when(c + NBUF < NCHUNK)
    def _():
      start_gather(c + NBUF, buf)
    return carry

  lax.fori_loop(0, NCHUNK, chunk_body, 0, unroll=False)
  wait_write(NCHUNK - 2, lax.rem(NCHUNK - 2, NBUF))
  wait_write(NCHUNK - 1, lax.rem(NCHUNK - 1, NBUF))


@jax.jit
def _compose_words(idx_flat, table_packed):
  mesh = plsc.VectorSubcoreMesh(core_axis_name="c", subcore_axis_name="s")
  run = pl.kernel(
      _sc_body,
      out_type=jax.ShapeDtypeStruct((NUM_WORDS, D), jnp.float32),
      mesh=mesh,
      compiler_params=pltpu.CompilerParams(needs_layout_passes=False),
      scratch_types=[
          pltpu.VMEM((WPW * WORD_LEN,), jnp.int32),
          pltpu.VMEM((NBUF, ROWS, DP), jnp.int32),
          pltpu.VMEM((NBUF, WCH, D), jnp.float32),
          pltpu.SemaphoreType.DMA((NBUF,)),
          pltpu.SemaphoreType.DMA((NBUF,)),
      ],
  )
  return run(idx_flat, table_packed)


def _pack_table(table):
  tb = (table * (1.0 / 3.0)).astype(jnp.bfloat16)
  tb = tb.reshape(CODEBOOK_SIZE, D // 32, 2, 16)
  tb = jnp.transpose(tb, (0, 1, 3, 2))
  return lax.bitcast_convert_type(tb, jnp.int32).reshape(CODEBOOK_SIZE, DP)


def kernel(char_indices, char_codebook):
  idx_flat = jnp.reshape(char_indices.astype(jnp.int32), (-1,))
  words = _compose_words(idx_flat, _pack_table(char_codebook))
  return jnp.reshape(words, (B, NUM_WORDS // B, D))

# --- scband reference (transcript-rebuilt; emitter-appended) ---
"""Pipeline reference for scband-cra-14018773254242 (READ-ONLY COPY).

The authoritative reference and input builder live on the scoring server;
editing this copy changes nothing except your own understanding.
"""

import jax, jax.numpy as jnp
import numpy as np

CODEBOOK_SIZE = 256
CODEBOOK_DIM = 1024
WORD_LEN = 3


def setup_inputs(seed: int = 0) -> dict:
    key = jax.random.key(seed)
    k1, k2 = jax.random.split(key)
    char_indices = jax.random.randint(k1, (16, 3072), 0, CODEBOOK_SIZE)
    char_codebook = jax.random.normal(k2, (CODEBOOK_SIZE, CODEBOOK_DIM), dtype=jnp.float32) * 0.02
    return {"char_indices": char_indices, "char_codebook": char_codebook}


def reference(char_indices, char_codebook):
    # Faithful translation of CRA.compose_words:
    # group every WORD_LEN=3 consecutive char tokens, embed each via the
    # char codebook (gather), and mean-pool within each group to form word vectors.
    B, T = char_indices.shape
    num_words = T // WORD_LEN
    D = char_codebook.shape[1]
    idx = char_indices[:, : num_words * WORD_LEN]
    char_vecs = jnp.take(char_codebook, idx, axis=0)  # [B, num_words*3, D] embedding gather
    words = char_vecs.reshape(B, num_words, WORD_LEN, D).mean(axis=2)  # [B, num_words, D]
    return words

if __name__ == "__main__":
    import jax
    _d = setup_inputs()
    print(jax.jit(kernel)(*tuple(_d.values())))

</pallas_src>

<mosaic_0001>
#map = affine_map<(d0, d1) -> (0)>
#map1 = affine_map<(d0, d1) -> (0, 0)>
module attributes {stable_mosaic.version = 14 : i64} {
  func.func @_sc_body(%arg0: i32, %arg1: i32, %arg2: memref<49152xi32, #tpu.memory_space<hbm>>, %arg3: memref<256x512xi32, #tpu.memory_space<hbm>>, %arg4: memref<16384x1024xf32, #tpu.memory_space<hbm>>, %arg5: memref<1536xi32, #tpu.memory_space<vmem>>, %arg6: memref<2x48x512xi32, #tpu.memory_space<vmem>>, %arg7: memref<2x16x1024xf32, #tpu.memory_space<vmem>>, %arg8: memref<2x!tpu.dma_semaphore, #tpu.memory_space<semaphore_mem>>, %arg9: memref<2x!tpu.dma_semaphore, #tpu.memory_space<semaphore_mem>>) attributes {dimension_semantics = [#tpu.dimension_semantics<core_parallel>, #tpu.dimension_semantics<subcore_parallel>], iteration_bounds = array<i64: 2, 16>, scalar_prefetch = 0 : i64, scratch_operands = 5 : i64, tpu.core_type = #tpu.core_type<sc_vector_subcore>, window_params = [{transform_indices = #map}, {transform_indices = #map1}, {transform_indices = #map1}]} {
    %mul3A = arith.constant 2 : i32
    %mul3A_0 = arith.muli %arg1, %mul3A : i32
    %add3A = arith.addi %mul3A_0, %arg0 : i32
    %mul3A_1 = arith.constant 512 : i32
    %mul3A_2 = arith.muli %add3A, %mul3A_1 : i32
    %mul3A_3 = arith.constant 3 : i32
    %mul3A_4 = arith.muli %mul3A_2, %mul3A_3 : i32
    "tpu.region"() ({
      %run_scoped3A = tpu.sem_alloc : memref<!tpu.dma_semaphore, #tpu.memory_space<semaphore_mem>>
      %dma_start3A_71 = tpu.memref_slice %arg2[%mul3A_4] : memref<49152xi32, #tpu.memory_space<hbm>> -> memref<1536xi32, #tpu.memory_space<hbm>>
      %dma_start3A_72 = tpu.memref_slice %arg2[%mul3A_4] : memref<49152xi32, #tpu.memory_space<hbm>> -> memref<1536xi32, #tpu.memory_space<hbm>>
      tpu.enqueue_dma source(%dma_start3A_72 : memref<1536xi32, #tpu.memory_space<hbm>>) target(%arg5 : memref<1536xi32, #tpu.memory_space<vmem>>) target_semaphore(%run_scoped3A : memref<!tpu.dma_semaphore, #tpu.memory_space<semaphore_mem>>)
      %dma_wait3A_73 = tpu.memref_slice %arg2[%mul3A_4] : memref<49152xi32, #tpu.memory_space<hbm>> -> memref<1536xi32, #tpu.memory_space<hbm>>
      %dma_wait3A_74 = tpu.memref_slice %arg2[%mul3A_4] : memref<49152xi32, #tpu.memory_space<hbm>> -> memref<1536xi32, #tpu.memory_space<hbm>>
      tpu.wait_dma2 semaphore(%run_scoped3A : memref<!tpu.dma_semaphore, #tpu.memory_space<semaphore_mem>>) src(%dma_wait3A_74 : memref<1536xi32, #tpu.memory_space<hbm>>) dst(%arg5 : memref<1536xi32, #tpu.memory_space<vmem>>)
      tpu.yield
    }) : () -> ()
    %dma_start3A = arith.constant 0 : i32
    %dma_start3A_5 = arith.constant 0 : i32
    %dma_start3A_6 = arith.constant 0 : i32
    %dma_start3A_7 = arith.constant 0 : i32
    %dma_start3A_8 = tpu.memref_slice %arg6[%dma_start3A, %dma_start3A_6, %dma_start3A_7] : memref<2x48x512xi32, #tpu.memory_space<vmem>> -> memref<1x48x512xi32, #tpu.memory_space<vmem>>
    %dma_start3A_9 = tpu.memref_squeeze %dma_start3A_8 : memref<1x48x512xi32, #tpu.memory_space<vmem>> -> memref<48x512xi32, #tpu.memory_space<vmem>>
    %dma_start3A_10 = arith.constant 0 : i32
    %dma_start3A_11 = tpu.memref_slice %arg5[%dma_start3A_10] : memref<1536xi32, #tpu.memory_space<vmem>> -> memref<48xi32, #tpu.memory_space<vmem>>
    %dma_start3A_12 = arith.constant 0 : i32
    %dma_start3A_13 = arith.constant 0 : i32
    %dma_start3A_14 = tpu.memref_slice %arg3[%dma_start3A_12, %dma_start3A_13] : memref<256x512xi32, #tpu.memory_space<hbm>> -> memref<256x512xi32, #tpu.memory_space<hbm>>
    %dma_start3A_15 = tpu.memref_slice %arg8[%dma_start3A_5] : memref<2x!tpu.dma_semaphore, #tpu.memory_space<semaphore_mem>> -> memref<1x!tpu.dma_semaphore, #tpu.memory_space<semaphore_mem>>
    %dma_start3A_16 = tpu.memref_squeeze %dma_start3A_15 : memref<1x!tpu.dma_semaphore, #tpu.memory_space<semaphore_mem>> -> memref<!tpu.dma_semaphore, #tpu.memory_space<semaphore_mem>>
    tpu.enqueue_indirect_dma source(%dma_start3A_14 : memref<256x512xi32, #tpu.memory_space<hbm>>) target(%dma_start3A_9 : memref<48x512xi32, #tpu.memory_space<vmem>>) offsets(%dma_start3A_11 : memref<48xi32, #tpu.memory_space<vmem>>) semaphore(%dma_start3A_16 : memref<!tpu.dma_semaphore, #tpu.memory_space<semaphore_mem>>)
    %dma_start3A_17 = arith.constant 1 : i32
    %dma_start3A_18 = arith.constant 1 : i32
    %dma_start3A_19 = arith.constant 0 : i32
    %dma_start3A_20 = arith.constant 0 : i32
    %dma_start3A_21 = tpu.memref_slice %arg6[%dma_start3A_17, %dma_start3A_19, %dma_start3A_20] : memref<2x48x512xi32, #tpu.memory_space<vmem>> -> memref<1x48x512xi32, #tpu.memory_space<vmem>>
    %dma_start3A_22 = tpu.memref_squeeze %dma_start3A_21 : memref<1x48x512xi32, #tpu.memory_space<vmem>> -> memref<48x512xi32, #tpu.memory_space<vmem>>
    %dma_start3A_23 = arith.constant 48 : i32
    %dma_start3A_24 = tpu.memref_slice %arg5[%dma_start3A_23] : memref<1536xi32, #tpu.memory_space<vmem>> -> memref<48xi32, #tpu.memory_space<vmem>>
    %dma_start3A_25 = arith.constant 0 : i32
    %dma_start3A_26 = arith.constant 0 : i32
    %dma_start3A_27 = tpu.memref_slice %arg3[%dma_start3A_25, %dma_start3A_26] : memref<256x512xi32, #tpu.memory_space<hbm>> -> memref<256x512xi32, #tpu.memory_space<hbm>>
    %dma_start3A_28 = tpu.memref_slice %arg8[%dma_start3A_18] : memref<2x!tpu.dma_semaphore, #tpu.memory_space<semaphore_mem>> -> memref<1x!tpu.dma_semaphore, #tpu.memory_space<semaphore_mem>>
    %dma_start3A_29 = tpu.memref_squeeze %dma_start3A_28 : memref<1x!tpu.dma_semaphore, #tpu.memory_space<semaphore_mem>> -> memref<!tpu.dma_semaphore, #tpu.memory_space<semaphore_mem>>
    tpu.enqueue_indirect_dma source(%dma_start3A_27 : memref<256x512xi32, #tpu.memory_space<hbm>>) target(%dma_start3A_22 : memref<48x512xi32, #tpu.memory_space<vmem>>) offsets(%dma_start3A_24 : memref<48xi32, #tpu.memory_space<vmem>>) semaphore(%dma_start3A_29 : memref<!tpu.dma_semaphore, #tpu.memory_space<semaphore_mem>>)
    %scan3A = arith.constant 0 : i32
    %scan3A_30 = arith.constant 0 : i32
    %scan3A_31 = arith.constant 32 : i32
    %scan3A_32 = arith.addi %scan3A_30, %scan3A_31 : i32
    %scan3A_33 = arith.constant 1 : i32
    scf.for %scan3A_71 = %scan3A_30 to %scan3A_32 step %scan3A_33  : i32 {
      %rem3A_72 = arith.constant 2 : i32
      %rem3A_73 = arith.remsi %scan3A_71, %rem3A_72 : i32
      %dma_wait3A_74 = arith.constant 0 : i32
      %dma_wait3A_75 = arith.constant 0 : i32
      %dma_wait3A_76 = tpu.memref_slice %arg6[%rem3A_73, %dma_wait3A_74, %dma_wait3A_75] : memref<2x48x512xi32, #tpu.memory_space<vmem>> -> memref<1x48x512xi32, #tpu.memory_space<vmem>>
      %dma_wait3A_77 = tpu.memref_squeeze %dma_wait3A_76 : memref<1x48x512xi32, #tpu.memory_space<vmem>> -> memref<48x512xi32, #tpu.memory_space<vmem>>
      %dma_wait3A_78 = arith.constant 0 : i32
      %dma_wait3A_79 = tpu.memref_slice %arg5[%dma_wait3A_78] : memref<1536xi32, #tpu.memory_space<vmem>> -> memref<48xi32, #tpu.memory_space<vmem>>
      %dma_wait3A_80 = arith.constant 0 : i32
      %dma_wait3A_81 = arith.constant 0 : i32
      %dma_wait3A_82 = tpu.memref_slice %arg3[%dma_wait3A_80, %dma_wait3A_81] : memref<256x512xi32, #tpu.memory_space<hbm>> -> memref<256x512xi32, #tpu.memory_space<hbm>>
      %dma_wait3A_83 = tpu.memref_slice %arg8[%rem3A_73] : memref<2x!tpu.dma_semaphore, #tpu.memory_space<semaphore_mem>> -> memref<1x!tpu.dma_semaphore, #tpu.memory_space<semaphore_mem>>
      %dma_wait3A_84 = tpu.memref_squeeze %dma_wait3A_83 : memref<1x!tpu.dma_semaphore, #tpu.memory_space<semaphore_mem>> -> memref<!tpu.dma_semaphore, #tpu.memory_space<semaphore_mem>>
      tpu.wait_indirect_dma semaphore(%dma_wait3A_84 : memref<!tpu.dma_semaphore, #tpu.memory_space<semaphore_mem>>) src(%dma_wait3A_82 : memref<256x512xi32, #tpu.memory_space<hbm>>) dst(%dma_wait3A_77 : memref<48x512xi32, #tpu.memory_space<vmem>>)
      %ge3A = arith.constant 2 : i32
      %ge3A_85 = arith.cmpi sge, %scan3A_71, %ge3A : i32
      %convert_element_type3A = arith.extui %ge3A_85 : i1 to i32
      %cond3A = arith.constant 0 : i32
      %cond3A_86 = arith.cmpi ne, %convert_element_type3A, %cond3A : i32
      scf.if %cond3A_86 {
        %sub3A = arith.constant 2 : i32
        %sub3A_112 = arith.subi %scan3A_71, %sub3A : i32
        %mul3A_113 = arith.constant 16 : i32
        %mul3A_114 = arith.muli %sub3A_112, %mul3A_113 : i32
        %add3A_115 = arith.addi %mul3A_2, %mul3A_114 : i32
        %dma_wait3A_116 = arith.constant 0 : i32
        %dma_wait3A_117 = arith.constant 0 : i32
        %dma_wait3A_118 = tpu.memref_slice %arg7[%rem3A_73, %dma_wait3A_116, %dma_wait3A_117] : memref<2x16x1024xf32, #tpu.memory_space<vmem>> -> memref<1x16x1024xf32, #tpu.memory_space<vmem>>
        %dma_wait3A_119 = tpu.memref_squeeze %dma_wait3A_118 : memref<1x16x1024xf32, #tpu.memory_space<vmem>> -> memref<16x1024xf32, #tpu.memory_space<vmem>>
        %dma_wait3A_120 = arith.constant 0 : i32
        %dma_wait3A_121 = tpu.memref_slice %arg4[%add3A_115, %dma_wait3A_120] : memref<16384x1024xf32, #tpu.memory_space<hbm>> -> memref<16x1024xf32, #tpu.memory_space<hbm>>
        %dma_wait3A_122 = tpu.memref_slice %arg9[%rem3A_73] : memref<2x!tpu.dma_semaphore, #tpu.memory_space<semaphore_mem>> -> memref<1x!tpu.dma_semaphore, #tpu.memory_space<semaphore_mem>>
        %dma_wait3A_123 = tpu.memref_squeeze %dma_wait3A_122 : memref<1x!tpu.dma_semaphore, #tpu.memory_space<semaphore_mem>> -> memref<!tpu.dma_semaphore, #tpu.memory_space<semaphore_mem>>
        %dma_wait3A_124 = arith.constant 0 : i32
        %dma_wait3A_125 = tpu.memref_slice %arg4[%add3A_115, %dma_wait3A_124] : memref<16384x1024xf32, #tpu.memory_space<hbm>> -> memref<16x1024xf32, #tpu.memory_space<hbm>>
        %dma_wait3A_126 = arith.constant 0 : i32
        %dma_wait3A_127 = arith.constant 0 : i32
        %dma_wait3A_128 = tpu.memref_slice %arg7[%rem3A_73, %dma_wait3A_126, %dma_wait3A_127] : memref<2x16x1024xf32, #tpu.memory_space<vmem>> -> memref<1x16x1024xf32, #tpu.memory_space<vmem>>
        %dma_wait3A_129 = tpu.memref_squeeze %dma_wait3A_128 : memref<1x16x1024xf32, #tpu.memory_space<vmem>> -> memref<16x1024xf32, #tpu.memory_space<vmem>>
        tpu.wait_dma2 semaphore(%dma_wait3A_123 : memref<!tpu.dma_semaphore, #tpu.memory_space<semaphore_mem>>) src(%dma_wait3A_129 : memref<16x1024xf32, #tpu.memory_space<vmem>>) dst(%dma_wait3A_125 : memref<16x1024xf32, #tpu.memory_space<hbm>>)
      } else {
      }
      %parallel_loop3A = arith.constant 0 : i32
      %parallel_loop3A_87 = arith.constant 16 : i32
      %parallel_loop3A_88 = arith.constant 1 : i32
      scf.for %parallel_loop3A_112 = %parallel_loop3A to %parallel_loop3A_87 step %parallel_loop3A_88  : i32 {
        %parallel_loop3A_113 = arith.constant 3 : i32
        %parallel_loop3A_114 = arith.muli %parallel_loop3A_113, %parallel_loop3A_112 : i32
        %parallel_loop3A_115 = arith.index_cast %rem3A_73 : i32 to index
        %parallel_loop3A_116 = arith.index_cast %parallel_loop3A_114 : i32 to index
        %parallel_loop3A_117 = arith.constant 0 : index
        %parallel_loop3A_118 = tpu.vector_load %arg6[%parallel_loop3A_115, %parallel_loop3A_116, %parallel_loop3A_117] {strides = array<i32>} : memref<2x48x512xi32, #tpu.memory_space<vmem>>, vector<16xi32>,
        %parallel_loop3A_119 = vector.bitcast %parallel_loop3A_118 : vector<16xi32> to vector<32xbf16>
        %parallel_loop3A_120 = arith.constant 1 : i32
        %parallel_loop3A_121 = arith.addi %parallel_loop3A_114, %parallel_loop3A_120 : i32
        %parallel_loop3A_122 = arith.index_cast %rem3A_73 : i32 to index
        %parallel_loop3A_123 = arith.index_cast %parallel_loop3A_121 : i32 to index
        %parallel_loop3A_124 = arith.constant 0 : index
        %parallel_loop3A_125 = tpu.vector_load %arg6[%parallel_loop3A_122, %parallel_loop3A_123, %parallel_loop3A_124] {strides = array<i32>} : memref<2x48x512xi32, #tpu.memory_space<vmem>>, vector<16xi32>,
        %parallel_loop3A_126 = vector.bitcast %parallel_loop3A_125 : vector<16xi32> to vector<32xbf16>
        %parallel_loop3A_127 = arith.constant 2 : i32
        %parallel_loop3A_128 = arith.addi %parallel_loop3A_114, %parallel_loop3A_127 : i32
        %parallel_loop3A_129 = arith.index_cast %rem3A_73 : i32 to index
        %parallel_loop3A_130 = arith.index_cast %parallel_loop3A_128 : i32 to index
        %parallel_loop3A_131 = arith.constant 0 : index
        %parallel_loop3A_132 = tpu.vector_load %arg6[%parallel_loop3A_129, %parallel_loop3A_130, %parallel_loop3A_131] {strides = array<i32>} : memref<2x48x512xi32, #tpu.memory_space<vmem>>, vector<16xi32>,
        %parallel_loop3A_133 = vector.bitcast %parallel_loop3A_132 : vector<16xi32> to vector<32xbf16>
        %parallel_loop3A_134 = arith.addf %parallel_loop3A_119, %parallel_loop3A_126 : vector<32xbf16>
        %parallel_loop3A_135 = arith.addf %parallel_loop3A_134, %parallel_loop3A_133 : vector<32xbf16>
        %parallel_loop3A_136 = vector.bitcast %parallel_loop3A_135 : vector<32xbf16> to vector<16xi32>
        %parallel_loop3A_137 = arith.constant 16 : i32
        %parallel_loop3A_138 = vector.broadcast %parallel_loop3A_137 : i32 to vector<16xi32>
        %parallel_loop3A_139 = arith.shli %parallel_loop3A_136, %parallel_loop3A_138 : vector<16xi32>
        %parallel_loop3A_140 = tpu.bitcast %parallel_loop3A_139 : vector<16xi32> -> vector<16xf32>
        %parallel_loop3A_141 = tpu.bitcast %parallel_loop3A_136 : vector<16xi32> -> vector<16xf32>
        %parallel_loop3A_142 = arith.index_cast %rem3A_73 : i32 to index
        %parallel_loop3A_143 = arith.index_cast %parallel_loop3A_112 : i32 to index
        %parallel_loop3A_144 = arith.constant 0 : index
        %parallel_loop3A_145 = tpu.vector_load %arg7[%parallel_loop3A_142, %parallel_loop3A_143, %parallel_loop3A_144] {strides = array<i32>} : memref<2x16x1024xf32, #tpu.memory_space<vmem>>, vector<16xf32>,
        tpu.vector_store %arg7[%parallel_loop3A_142, %parallel_loop3A_143, %parallel_loop3A_144], %parallel_loop3A_140 {strides = array<i32>} : memref<2x16x1024xf32, #tpu.memory_space<vmem>>, vector<16xf32>,
        %parallel_loop3A_146 = arith.index_cast %rem3A_73 : i32 to index
        %parallel_loop3A_147 = arith.index_cast %parallel_loop3A_112 : i32 to index
        %parallel_loop3A_148 = arith.constant 16 : index
        %parallel_loop3A_149 = tpu.vector_load %arg7[%parallel_loop3A_146, %parallel_loop3A_147, %parallel_loop3A_148] {strides = array<i32>} : memref<2x16x1024xf32, #tpu.memory_space<vmem>>, vector<16xf32>,
        tpu.vector_store %arg7[%parallel_loop3A_146, %parallel_loop3A_147, %parallel_loop3A_148], %parallel_loop3A_141 {strides = array<i32>} : memref<2x16x1024xf32, #tpu.memory_space<vmem>>, vector<16xf32>,
        %parallel_loop3A_150 = arith.index_cast %rem3A_73 : i32 to index
        %parallel_loop3A_151 = arith.index_cast %parallel_loop3A_114 : i32 to index
        %parallel_loop3A_152 = arith.constant 16 : index
        %parallel_loop3A_153 = tpu.vector_load %arg6[%parallel_loop3A_150, %parallel_loop3A_151, %parallel_loop3A_152] {strides = array<i32>} : memref<2x48x512xi32, #tpu.memory_space<vmem>>, vector<16xi32>,
        %parallel_loop3A_154 = vector.bitcast %parallel_loop3A_153 : vector<16xi32> to vector<32xbf16>
        %parallel_loop3A_155 = arith.constant 1 : i32
        %parallel_loop3A_156 = arith.addi %parallel_loop3A_114, %parallel_loop3A_155 : i32
        %parallel_loop3A_157 = arith.index_cast %rem3A_73 : i32 to index
        %parallel_loop3A_158 = arith.index_cast %parallel_loop3A_156 : i32 to index
        %parallel_loop3A_159 = arith.constant 16 : index
        %parallel_loop3A_160 = tpu.vector_load %arg6[%parallel_loop3A_157, %parallel_loop3A_158, %parallel_loop3A_159] {strides = array<i32>} : memref<2x48x512xi32, #tpu.memory_space<vmem>>, vector<16xi32>,
        %parallel_loop3A_161 = vector.bitcast %parallel_loop3A_160 : vector<16xi32> to vector<32xbf16>
        %parallel_loop3A_162 = arith.constant 2 : i32
        %parallel_loop3A_163 = arith.addi %parallel_loop3A_114, %parallel_loop3A_162 : i32
        %parallel_loop3A_164 = arith.index_cast %rem3A_73 : i32 to index
        %parallel_loop3A_165 = arith.index_cast %parallel_loop3A_163 : i32 to index
        %parallel_loop3A_166 = arith.constant 16 : index
        %parallel_loop3A_167 = tpu.vector_load %arg6[%parallel_loop3A_164, %parallel_loop3A_165, %parallel_loop3A_166] {strides = array<i32>} : memref<2x48x512xi32, #tpu.memory_space<vmem>>, vector<16xi32>,
        %parallel_loop3A_168 = vector.bitcast %parallel_loop3A_167 : vector<16xi32> to vector<32xbf16>
        %parallel_loop3A_169 = arith.addf %parallel_loop3A_154, %parallel_loop3A_161 : vector<32xbf16>
        %parallel_loop3A_170 = arith.addf %parallel_loop3A_169, %parallel_loop3A_168 : vector<32xbf16>
        %parallel_loop3A_171 = vector.bitcast %parallel_loop3A_170 : vector<32xbf16> to vector<16xi32>
        %parallel_loop3A_172 = arith.constant 16 : i32
        %parallel_loop3A_173 = vector.broadcast %parallel_loop3A_172 : i32 to vector<16xi32>
        %parallel_loop3A_174 = arith.shli %parallel_loop3A_171, %parallel_loop3A_173 : vector<16xi32>
        %parallel_loop3A_175 = tpu.bitcast %parallel_loop3A_174 : vector<16xi32> -> vector<16xf32>
        %parallel_loop3A_176 = tpu.bitcast %parallel_loop3A_171 : vector<16xi32> -> vector<16xf32>
        %parallel_loop3A_177 = arith.index_cast %rem3A_73 : i32 to index
        %parallel_loop3A_178 = arith.index_cast %parallel_loop3A_112 : i32 to index
        %parallel_loop3A_179 = arith.constant 32 : index
        %parallel_loop3A_180 = tpu.vector_load %arg7[%parallel_loop3A_177, %parallel_loop3A_178, %parallel_loop3A_179] {strides = array<i32>} : memref<2x16x1024xf32, #tpu.memory_space<vmem>>, vector<16xf32>,
        tpu.vector_store %arg7[%parallel_loop3A_177, %parallel_loop3A_178, %parallel_loop3A_179], %parallel_loop3A_175 {strides = array<i32>} : memref<2x16x1024xf32, #tpu.memory_space<vmem>>, vector<16xf32>,
        %parallel_loop3A_181 = arith.index_cast %rem3A_73 : i32 to index
        %parallel_loop3A_182 = arith.index_cast %parallel_loop3A_112 : i32 to index
        %parallel_loop3A_183 = arith.constant 48 : index
        %parallel_loop3A_184 = tpu.vector_load %arg7[%parallel_loop3A_181, %parallel_loop3A_182, %parallel_loop3A_183] {strides = array<i32>} : memref<2x16x1024xf32, #tpu.memory_space<vmem>>, vector<16xf32>,
        tpu.vector_store %arg7[%parallel_loop3A_181, %parallel_loop3A_182, %parallel_loop3A_183], %parallel_loop3A_176 {strides = array<i32>} : memref<2x16x1024xf32, #tpu.memory_space<vmem>>, vector<16xf32>,
        %parallel_loop3A_185 = arith.index_cast %rem3A_73 : i32 to index
        %parallel_loop3A_186 = arith.index_cast %parallel_loop3A_114 : i32 to index
        %parallel_loop3A_187 = arith.constant 32 : index
        %parallel_loop3A_188 = tpu.vector_load %arg6[%parallel_loop3A_185, %parallel_loop3A_186, %parallel_loop3A_187] {strides = array<i32>} : memref<2x48x512xi32, #tpu.memory_space<vmem>>, vector<16xi32>,
        %parallel_loop3A_189 = vector.bitcast %parallel_loop3A_188 : vector<16xi32> to vector<32xbf16>
        %parallel_loop3A_190 = arith.constant 1 : i32
        %parallel_loop3A_191 = arith.addi %parallel_loop3A_114, %parallel_loop3A_190 : i32
        %parallel_loop3A_192 = arith.index_cast %rem3A_73 : i32 to index
        %parallel_loop3A_193 = arith.index_cast %parallel_loop3A_191 : i32 to index
        %parallel_loop3A_194 = arith.constant 32 : index
        %parallel_loop3A_195 = tpu.vector_load %arg6[%parallel_loop3A_192, %parallel_loop3A_193, %parallel_loop3A_194] {strides = array<i32>} : memref<2x48x512xi32, #tpu.memory_space<vmem>>, vector<16xi32>,
        %parallel_loop3A_196 = vector.bitcast %parallel_loop3A_195 : vector<16xi32> to vector<32xbf16>
        %parallel_loop3A_197 = arith.constant 2 : i32
        %parallel_loop3A_198 = arith.addi %parallel_loop3A_114, %parallel_loop3A_197 : i32
        %parallel_loop3A_199 = arith.index_cast %rem3A_73 : i32 to index
        %parallel_loop3A_200 = arith.index_cast %parallel_loop3A_198 : i32 to index
        %parallel_loop3A_201 = arith.constant 32 : index
        %parallel_loop3A_202 = tpu.vector_load %arg6[%parallel_loop3A_199, %parallel_loop3A_200, %parallel_loop3A_201] {strides = array<i32>} : memref<2x48x512xi32, #tpu.memory_space<vmem>>, vector<16xi32>,
        %parallel_loop3A_203 = vector.bitcast %parallel_loop3A_202 : vector<16xi32> to vector<32xbf16>
        %parallel_loop3A_204 = arith.addf %parallel_loop3A_189, %parallel_loop3A_196 : vector<32xbf16>
        %parallel_loop3A_205 = arith.addf %parallel_loop3A_204, %parallel_loop3A_203 : vector<32xbf16>
        %parallel_loop3A_206 = vector.bitcast %parallel_loop3A_205 : vector<32xbf16> to vector<16xi32>
        %parallel_loop3A_207 = arith.constant 16 : i32
        %parallel_loop3A_208 = vector.broadcast %parallel_loop3A_207 : i32 to vector<16xi32>
        %parallel_loop3A_209 = arith.shli %parallel_loop3A_206, %parallel_loop3A_208 : vector<16xi32>
        %parallel_loop3A_210 = tpu.bitcast %parallel_loop3A_209 : vector<16xi32> -> vector<16xf32>
        %parallel_loop3A_211 = tpu.bitcast %parallel_loop3A_206 : vector<16xi32> -> vector<16xf32>
        %parallel_loop3A_212 = arith.index_cast %rem3A_73 : i32 to index
        %parallel_loop3A_213 = arith.index_cast %parallel_loop3A_112 : i32 to index
        %parallel_loop3A_214 = arith.constant 64 : index
        %parallel_loop3A_215 = tpu.vector_load %arg7[%parallel_loop3A_212, %parallel_loop3A_213, %parallel_loop3A_214] {strides = array<i32>} : memref<2x16x1024xf32, #tpu.memory_space<vmem>>, vector<16xf32>,
        tpu.vector_store %arg7[%parallel_loop3A_212, %parallel_loop3A_213, %parallel_loop3A_214], %parallel_loop3A_210 {strides = array<i32>} : memref<2x16x1024xf32, #tpu.memory_space<vmem>>, vector<16xf32>,
        %parallel_loop3A_216 = arith.index_cast %rem3A_73 : i32 to index
        %parallel_loop3A_217 = arith.index_cast %parallel_loop3A_112 : i32 to index
        %parallel_loop3A_218 = arith.constant 80 : index
        %parallel_loop3A_219 = tpu.vector_load %arg7[%parallel_loop3A_216, %parallel_loop3A_217, %parallel_loop3A_218] {strides = array<i32>} : memref<2x16x1024xf32, #tpu.memory_space<vmem>>, vector<16xf32>,
        tpu.vector_store %arg7[%parallel_loop3A_216, %parallel_loop3A_217, %parallel_loop3A_218], %parallel_loop3A_211 {strides = array<i32>} : memref<2x16x1024xf32, #tpu.memory_space<vmem>>, vector<16xf32>,
        %parallel_loop3A_220 = arith.index_cast %rem3A_73 : i32 to index
        %parallel_loop3A_221 = arith.index_cast %parallel_loop3A_114 : i32 to index
        %parallel_loop3A_222 = arith.constant 48 : index
        %parallel_loop3A_223 = tpu.vector_load %arg6[%parallel_loop3A_220, %parallel_loop3A_221, %parallel_loop3A_222] {strides = array<i32>} : memref<2x48x512xi32, #tpu.memory_space<vmem>>, vector<16xi32>,
        %parallel_loop3A_224 = vector.bitcast %parallel_loop3A_223 : vector<16xi32> to vector<32xbf16>
        %parallel_loop3A_225 = arith.constant 1 : i32
        %parallel_loop3A_226 = arith.addi %parallel_loop3A_114, %parallel_loop3A_225 : i32
        %parallel_loop3A_227 = arith.index_cast %rem3A_73 : i32 to index
        %parallel_loop3A_228 = arith.index_cast %parallel_loop3A_226 : i32 to index
        %parallel_loop3A_229 = arith.constant 48 : index
        %parallel_loop3A_230 = tpu.vector_load %arg6[%parallel_loop3A_227, %parallel_loop3A_228, %parallel_loop3A_229] {strides = array<i32>} : memref<2x48x512xi32, #tpu.memory_space<vmem>>, vector<16xi32>,
        %parallel_loop3A_231 = vector.bitcast %parallel_loop3A_230 : vector<16xi32> to vector<32xbf16>
        %parallel_loop3A_232 = arith.constant 2 : i32
        %parallel_loop3A_233 = arith.addi %parallel_loop3A_114, %parallel_loop3A_232 : i32
        %parallel_loop3A_234 = arith.index_cast %rem3A_73 : i32 to index
        %parallel_loop3A_235 = arith.index_cast %parallel_loop3A_233 : i32 to index
        %parallel_loop3A_236 = arith.constant 48 : index
        %parallel_loop3A_237 = tpu.vector_load %arg6[%parallel_loop3A_234, %parallel_loop3A_235, %parallel_loop3A_236] {strides = array<i32>} : memref<2x48x512xi32, #tpu.memory_space<vmem>>, vector<16xi32>,
        %parallel_loop3A_238 = vector.bitcast %parallel_loop3A_237 : vector<16xi32> to vector<32xbf16>
        %parallel_loop3A_239 = arith.addf %parallel_loop3A_224, %parallel_loop3A_231 : vector<32xbf16>
        %parallel_loop3A_240 = arith.addf %parallel_loop3A_239, %parallel_loop3A_238 : vector<32xbf16>
        %parallel_loop3A_241 = vector.bitcast %parallel_loop3A_240 : vector<32xbf16> to vector<16xi32>
        %parallel_loop3A_242 = arith.constant 16 : i32
        %parallel_loop3A_243 = vector.broadcast %parallel_loop3A_242 : i32 to vector<16xi32>
        %parallel_loop3A_244 = arith.shli %parallel_loop3A_241, %parallel_loop3A_243 : vector<16xi32>
        %parallel_loop3A_245 = tpu.bitcast %parallel_loop3A_244 : vector<16xi32> -> vector<16xf32>
        %parallel_loop3A_246 = tpu.bitcast %parallel_loop3A_241 : vector<16xi32> -> vector<16xf32>
        %parallel_loop3A_247 = arith.index_cast %rem3A_73 : i32 to index
        %parallel_loop3A_248 = arith.index_cast %parallel_loop3A_112 : i32 to index
        %parallel_loop3A_249 = arith.constant 96 : index
        %parallel_loop3A_250 = tpu.vector_load %arg7[%parallel_loop3A_247, %parallel_loop3A_248, %parallel_loop3A_249] {strides = array<i32>} : memref<2x16x1024xf32, #tpu.memory_space<vmem>>, vector<16xf32>,
        tpu.vector_store %arg7[%parallel_loop3A_247, %parallel_loop3A_248, %parallel_loop3A_249], %parallel_loop3A_245 {strides = array<i32>} : memref<2x16x1024xf32, #tpu.memory_space<vmem>>, vector<16xf32>,
        %parallel_loop3A_251 = arith.index_cast %rem3A_73 : i32 to index
        %parallel_loop3A_252 = arith.index_cast %parallel_loop3A_112 : i32 to index
        %parallel_loop3A_253 = arith.constant 112 : index
        %parallel_loop3A_254 = tpu.vector_load %arg7[%parallel_loop3A_251, %parallel_loop3A_252, %parallel_loop3A_253] {strides = array<i32>} : memref<2x16x1024xf32, #tpu.memory_space<vmem>>, vector<16xf32>,
        tpu.vector_store %arg7[%parallel_loop3A_251, %parallel_loop3A_252, %parallel_loop3A_253], %parallel_loop3A_246 {strides = array<i32>} : memref<2x16x1024xf32, #tpu.memory_space<vmem>>, vector<16xf32>,
        %parallel_loop3A_255 = arith.index_cast %rem3A_73 : i32 to index
        %parallel_loop3A_256 = arith.index_cast %parallel_loop3A_114 : i32 to index
        %parallel_loop3A_257 = arith.constant 64 : index
        %parallel_loop3A_258 = tpu.vector_load %arg6[%parallel_loop3A_255, %parallel_loop3A_256, %parallel_loop3A_257] {strides = array<i32>} : memref<2x48x512xi32, #tpu.memory_space<vmem>>, vector<16xi32>,
        %parallel_loop3A_259 = vector.bitcast %parallel_loop3A_258 : vector<16xi32> to vector<32xbf16>
        %parallel_loop3A_260 = arith.constant 1 : i32
        %parallel_loop3A_261 = arith.addi %parallel_loop3A_114, %parallel_loop3A_260 : i32
        %parallel_loop3A_262 = arith.index_cast %rem3A_73 : i32 to index
        %parallel_loop3A_263 = arith.index_cast %parallel_loop3A_261 : i32 to index
        %parallel_loop3A_264 = arith.constant 64 : index
        %parallel_loop3A_265 = tpu.vector_load %arg6[%parallel_loop3A_262, %parallel_loop3A_263, %parallel_loop3A_264] {strides = array<i32>} : memref<2x48x512xi32, #tpu.memory_space<vmem>>, vector<16xi32>,
        %parallel_loop3A_266 = vector.bitcast %parallel_loop3A_265 : vector<16xi32> to vector<32xbf16>
        %parallel_loop3A_267 = arith.constant 2 : i32
        %parallel_loop3A_268 = arith.addi %parallel_loop3A_114, %parallel_loop3A_267 : i32
        %parallel_loop3A_269 = arith.index_cast %rem3A_73 : i32 to index
        %parallel_loop3A_270 = arith.index_cast %parallel_loop3A_268 : i32 to index
        %parallel_loop3A_271 = arith.constant 64 : index
        %parallel_loop3A_272 = tpu.vector_load %arg6[%parallel_loop3A_269, %parallel_loop3A_270, %parallel_loop3A_271] {strides = array<i32>} : memref<2x48x512xi32, #tpu.memory_space<vmem>>, vector<16xi32>,
        %parallel_loop3A_273 = vector.bitcast %parallel_loop3A_272 : vector<16xi32> to vector<32xbf16>
        %parallel_loop3A_274 = arith.addf %parallel_loop3A_259, %parallel_loop3A_266 : vector<32xbf16>
        %parallel_loop3A_275 = arith.addf %parallel_loop3A_274, %parallel_loop3A_273 : vector<32xbf16>
        %parallel_loop3A_276 = vector.bitcast %parallel_loop3A_275 : vector<32xbf16> to vector<16xi32>
        %parallel_loop3A_277 = arith.constant 16 : i32
        %parallel_loop3A_278 = vector.broadcast %parallel_loop3A_277 : i32 to vector<16xi32>
        %parallel_loop3A_279 = arith.shli %parallel_loop3A_276, %parallel_loop3A_278 : vector<16xi32>
        %parallel_loop3A_280 = tpu.bitcast %parallel_loop3A_279 : vector<16xi32> -> vector<16xf32>
        %parallel_loop3A_281 = tpu.bitcast %parallel_loop3A_276 : vector<16xi32> -> vector<16xf32>
        %parallel_loop3A_282 = arith.index_cast %rem3A_73 : i32 to index
        %parallel_loop3A_283 = arith.index_cast %parallel_loop3A_112 : i32 to index
        %parallel_loop3A_284 = arith.constant 128 : index
        %parallel_loop3A_285 = tpu.vector_load %arg7[%parallel_loop3A_282, %parallel_loop3A_283, %parallel_loop3A_284] {strides = array<i32>} : memref<2x16x1024xf32, #tpu.memory_space<vmem>>, vector<16xf32>,
        tpu.vector_store %arg7[%parallel_loop3A_282, %parallel_loop3A_283, %parallel_loop3A_284], %parallel_loop3A_280 {strides = array<i32>} : memref<2x16x1024xf32, #tpu.memory_space<vmem>>, vector<16xf32>,
        %parallel_loop3A_286 = arith.index_cast %rem3A_73 : i32 to index
        %parallel_loop3A_287 = arith.index_cast %parallel_loop3A_112 : i32 to index
        %parallel_loop3A_288 = arith.constant 144 : index
        %parallel_loop3A_289 = tpu.vector_load %arg7[%parallel_loop3A_286, %parallel_loop3A_287, %parallel_loop3A_288] {strides = array<i32>} : memref<2x16x1024xf32, #tpu.memory_space<vmem>>, vector<16xf32>,
        tpu.vector_store %arg7[%parallel_loop3A_286, %parallel_loop3A_287, %parallel_loop3A_288], %parallel_loop3A_281 {strides = array<i32>} : memref<2x16x1024xf32, #tpu.memory_space<vmem>>, vector<16xf32>,
        %parallel_loop3A_290 = arith.index_cast %rem3A_73 : i32 to index
        %parallel_loop3A_291 = arith.index_cast %parallel_loop3A_114 : i32 to index
        %parallel_loop3A_292 = arith.constant 80 : index
        %parallel_loop3A_293 = tpu.vector_load %arg6[%parallel_loop3A_290, %parallel_loop3A_291, %parallel_loop3A_292] {strides = array<i32>} : memref<2x48x512xi32, #tpu.memory_space<vmem>>, vector<16xi32>,
        %parallel_loop3A_294 = vector.bitcast %parallel_loop3A_293 : vector<16xi32> to vector<32xbf16>
        %parallel_loop3A_295 = arith.constant 1 : i32
        %parallel_loop3A_296 = arith.addi %parallel_loop3A_114, %parallel_loop3A_295 : i32
        %parallel_loop3A_297 = arith.index_cast %rem3A_73 : i32 to index
        %parallel_loop3A_298 = arith.index_cast %parallel_loop3A_296 : i32 to index
        %parallel_loop3A_299 = arith.constant 80 : index
        %parallel_loop3A_300 = tpu.vector_load %arg6[%parallel_loop3A_297, %parallel_loop3A_298, %parallel_loop3A_299] {strides = array<i32>} : memref<2x48x512xi32, #tpu.memory_space<vmem>>, vector<16xi32>,
        %parallel_loop3A_301 = vector.bitcast %parallel_loop3A_300 : vector<16xi32> to vector<32xbf16>
        %parallel_loop3A_302 = arith.constant 2 : i32
        %parallel_loop3A_303 = arith.addi %parallel_loop3A_114, %parallel_loop3A_302 : i32
        %parallel_loop3A_304 = arith.index_cast %rem3A_73 : i32 to index
        %parallel_loop3A_305 = arith.index_cast %parallel_loop3A_303 : i32 to index
        %parallel_loop3A_306 = arith.constant 80 : index
        %parallel_loop3A_307 = tpu.vector_load %arg6[%parallel_loop3A_304, %parallel_loop3A_305, %parallel_loop3A_306] {strides = array<i32>} : memref<2x48x512xi32, #tpu.memory_space<vmem>>, vector<16xi32>,
        %parallel_loop3A_308 = vector.bitcast %parallel_loop3A_307 : vector<16xi32> to vector<32xbf16>
        %parallel_loop3A_309 = arith.addf %parallel_loop3A_294, %parallel_loop3A_301 : vector<32xbf16>
        %parallel_loop3A_310 = arith.addf %parallel_loop3A_309, %parallel_loop3A_308 : vector<32xbf16>
        %parallel_loop3A_311 = vector.bitcast %parallel_loop3A_310 : vector<32xbf16> to vector<16xi32>
        %parallel_loop3A_312 = arith.constant 16 : i32
        %parallel_loop3A_313 = vector.broadcast %parallel_loop3A_312 : i32 to vector<16xi32>
        %parallel_loop3A_314 = arith.shli %parallel_loop3A_311, %parallel_loop3A_313 : vector<16xi32>
        %parallel_loop3A_315 = tpu.bitcast %parallel_loop3A_314 : vector<16xi32> -> vector<16xf32>
        %parallel_loop3A_316 = tpu.bitcast %parallel_loop3A_311 : vector<16xi32> -> vector<16xf32>
        %parallel_loop3A_317 = arith.index_cast %rem3A_73 : i32 to index
        %parallel_loop3A_318 = arith.index_cast %parallel_loop3A_112 : i32 to index
        %parallel_loop3A_319 = arith.constant 160 : index
        %parallel_loop3A_320 = tpu.vector_load %arg7[%parallel_loop3A_317, %parallel_loop3A_318, %parallel_loop3A_319] {strides = array<i32>} : memref<2x16x1024xf32, #tpu.memory_space<vmem>>, vector<16xf32>,
        tpu.vector_store %arg7[%parallel_loop3A_317, %parallel_loop3A_318, %parallel_loop3A_319], %parallel_loop3A_315 {strides = array<i32>} : memref<2x16x1024xf32, #tpu.memory_space<vmem>>, vector<16xf32>,
        %parallel_loop3A_321 = arith.index_cast %rem3A_73 : i32 to index
        %parallel_loop3A_322 = arith.index_cast %parallel_loop3A_112 : i32 to index
        %parallel_loop3A_323 = arith.constant 176 : index
        %parallel_loop3A_324 = tpu.vector_load %arg7[%parallel_loop3A_321, %parallel_loop3A_322, %parallel_loop3A_323] {strides = array<i32>} : memref<2x16x1024xf32, #tpu.memory_space<vmem>>, vector<16xf32>,
        tpu.vector_store %arg7[%parallel_loop3A_321, %parallel_loop3A_322, %parallel_loop3A_323], %parallel_loop3A_316 {strides = array<i32>} : memref<2x16x1024xf32, #tpu.memory_space<vmem>>, vector<16xf32>,
        %parallel_loop3A_325 = arith.index_cast %rem3A_73 : i32 to index
        %parallel_loop3A_326 = arith.index_cast %parallel_loop3A_114 : i32 to index
        %parallel_loop3A_327 = arith.constant 96 : index
        %parallel_loop3A_328 = tpu.vector_load %arg6[%parallel_loop3A_325, %parallel_loop3A_326, %parallel_loop3A_327] {strides = array<i32>} : memref<2x48x512xi32, #tpu.memory_space<vmem>>, vector<16xi32>,
        %parallel_loop3A_329 = vector.bitcast %parallel_loop3A_328 : vector<16xi32> to vector<32xbf16>
        %parallel_loop3A_330 = arith.constant 1 : i32
        %parallel_loop3A_331 = arith.addi %parallel_loop3A_114, %parallel_loop3A_330 : i32
        %parallel_loop3A_332 = arith.index_cast %rem3A_73 : i32 to index
        %parallel_loop3A_333 = arith.index_cast %parallel_loop3A_331 : i32 to index
        %parallel_loop3A_334 = arith.constant 96 : index
        %parallel_loop3A_335 = tpu.vector_load %arg6[%parallel_loop3A_332, %parallel_loop3A_333, %parallel_loop3A_334] {strides = array<i32>} : memref<2x48x512xi32, #tpu.memory_space<vmem>>, vector<16xi32>,
        %parallel_loop3A_336 = vector.bitcast %parallel_loop3A_335 : vector<16xi32> to vector<32xbf16>
        %parallel_loop3A_337 = arith.constant 2 : i32
        %parallel_loop3A_338 = arith.addi %parallel_loop3A_114, %parallel_loop3A_337 : i32
        %parallel_loop3A_339 = arith.index_cast %rem3A_73 : i32 to index
        %parallel_loop3A_340 = arith.index_cast %parallel_loop3A_338 : i32 to index
        %parallel_loop3A_341 = arith.constant 96 : index
        %parallel_loop3A_342 = tpu.vector_load %arg6[%parallel_loop3A_339, %parallel_loop3A_340, %parallel_loop3A_341] {strides = array<i32>} : memref<2x48x512xi32, #tpu.memory_space<vmem>>, vector<16xi32>,
        %parallel_loop3A_343 = vector.bitcast %parallel_loop3A_342 : vector<16xi32> to vector<32xbf16>
        %parallel_loop3A_344 = arith.addf %parallel_loop3A_329, %parallel_loop3A_336 : vector<32xbf16>
        %parallel_loop3A_345 = arith.addf %parallel_loop3A_344, %parallel_loop3A_343 : vector<32xbf16>
        %parallel_loop3A_346 = vector.bitcast %parallel_loop3A_345 : vector<32xbf16> to vector<16xi32>
        %parallel_loop3A_347 = arith.constant 16 : i32
        %parallel_loop3A_348 = vector.broadcast %parallel_loop3A_347 : i32 to vector<16xi32>
        %parallel_loop3A_349 = arith.shli %parallel_loop3A_346, %parallel_loop3A_348 : vector<16xi32>
        %parallel_loop3A_350 = tpu.bitcast %parallel_loop3A_349 : vector<16xi32> -> vector<16xf32>
        %parallel_loop3A_351 = tpu.bitcast %parallel_loop3A_346 : vector<16xi32> -> vector<16xf32>
        %parallel_loop3A_352 = arith.index_cast %rem3A_73 : i32 to index
        %parallel_loop3A_353 = arith.index_cast %parallel_loop3A_112 : i32 to index
        %parallel_loop3A_354 = arith.constant 192 : index
        %parallel_loop3A_355 = tpu.vector_load %arg7[%parallel_loop3A_352, %parallel_loop3A_353, %parallel_loop3A_354] {strides = array<i32>} : memref<2x16x1024xf32, #tpu.memory_space<vmem>>, vector<16xf32>,
        tpu.vector_store %arg7[%parallel_loop3A_352, %parallel_loop3A_353, %parallel_loop3A_354], %parallel_loop3A_350 {strides = array<i32>} : memref<2x16x1024xf32, #tpu.memory_space<vmem>>, vector<16xf32>,
        %parallel_loop3A_356 = arith.index_cast %rem3A_73 : i32 to index
        %parallel_loop3A_357 = arith.index_cast %parallel_loop3A_112 : i32 to index
        %parallel_loop3A_358 = arith.constant 208 : index
        %parallel_loop3A_359 = tpu.vector_load %arg7[%parallel_loop3A_356, %parallel_loop3A_357, %parallel_loop3A_358] {strides = array<i32>} : memref<2x16x1024xf32, #tpu.memory_space<vmem>>, vector<16xf32>,
        tpu.vector_store %arg7[%parallel_loop3A_356, %parallel_loop3A_357, %parallel_loop3A_358], %parallel_loop3A_351 {strides = array<i32>} : memref<2x16x1024xf32, #tpu.memory_space<vmem>>, vector<16xf32>,
        %parallel_loop3A_360 = arith.index_cast %rem3A_73 : i32 to index
        %parallel_loop3A_361 = arith.index_cast %parallel_loop3A_114 : i32 to index
        %parallel_loop3A_362 = arith.constant 112 : index
        %parallel_loop3A_363 = tpu.vector_load %arg6[%parallel_loop3A_360, %parallel_loop3A_361, %parallel_loop3A_362] {strides = array<i32>} : memref<2x48x512xi32, #tpu.memory_space<vmem>>, vector<16xi32>,
        %parallel_loop3A_364 = vector.bitcast %parallel_loop3A_363 : vector<16xi32> to vector<32xbf16>
        %parallel_loop3A_365 = arith.constant 1 : i32
        %parallel_loop3A_366 = arith.addi %parallel_loop3A_114, %parallel_loop3A_365 : i32
        %parallel_loop3A_367 = arith.index_cast %rem3A_73 : i32 to index
        %parallel_loop3A_368 = arith.index_cast %parallel_loop3A_366 : i32 to index
        %parallel_loop3A_369 = arith.constant 112 : index
        %parallel_loop3A_370 = tpu.vector_load %arg6[%parallel_loop3A_367, %parallel_loop3A_368, %parallel_loop3A_369] {strides = array<i32>} : memref<2x48x512xi32, #tpu.memory_space<vmem>>, vector<16xi32>,
        %parallel_loop3A_371 = vector.bitcast %parallel_loop3A_370 : vector<16xi32> to vector<32xbf16>
        %parallel_loop3A_372 = arith.constant 2 : i32
        %parallel_loop3A_373 = arith.addi %parallel_loop3A_114, %parallel_loop3A_372 : i32
        %parallel_loop3A_374 = arith.index_cast %rem3A_73 : i32 to index
        %parallel_loop3A_375 = arith.index_cast %parallel_loop3A_373 : i32 to index
        %parallel_loop3A_376 = arith.constant 112 : index
        %parallel_loop3A_377 = tpu.vector_load %arg6[%parallel_loop3A_374, %parallel_loop3A_375, %parallel_loop3A_376] {strides = array<i32>} : memref<2x48x512xi32, #tpu.memory_space<vmem>>, vector<16xi32>,
        %parallel_loop3A_378 = vector.bitcast %parallel_loop3A_377 : vector<16xi32> to vector<32xbf16>
        %parallel_loop3A_379 = arith.addf %parallel_loop3A_364, %parallel_loop3A_371 : vector<32xbf16>
        %parallel_loop3A_380 = arith.addf %parallel_loop3A_379, %parallel_loop3A_378 : vector<32xbf16>
        %parallel_loop3A_381 = vector.bitcast %parallel_loop3A_380 : vector<32xbf16> to vector<16xi32>
        %parallel_loop3A_382 = arith.constant 16 : i32
        %parallel_loop3A_383 = vector.broadcast %parallel_loop3A_382 : i32 to vector<16xi32>
        %parallel_loop3A_384 = arith.shli %parallel_loop3A_381, %parallel_loop3A_383 : vector<16xi32>
        %parallel_loop3A_385 = tpu.bitcast %parallel_loop3A_384 : vector<16xi32> -> vector<16xf32>
        %parallel_loop3A_386 = tpu.bitcast %parallel_loop3A_381 : vector<16xi32> -> vector<16xf32>
        %parallel_loop3A_387 = arith.index_cast %rem3A_73 : i32 to index
        %parallel_loop3A_388 = arith.index_cast %parallel_loop3A_112 : i32 to index
        %parallel_loop3A_389 = arith.constant 224 : index
        %parallel_loop3A_390 = tpu.vector_load %arg7[%parallel_loop3A_387, %parallel_loop3A_388, %parallel_loop3A_389] {strides = array<i32>} : memref<2x16x1024xf32, #tpu.memory_space<vmem>>, vector<16xf32>,
        tpu.vector_store %arg7[%parallel_loop3A_387, %parallel_loop3A_388, %parallel_loop3A_389], %parallel_loop3A_385 {strides = array<i32>} : memref<2x16x1024xf32, #tpu.memory_space<vmem>>, vector<16xf32>,
        %parallel_loop3A_391 = arith.index_cast %rem3A_73 : i32 to index
        %parallel_loop3A_392 = arith.index_cast %parallel_loop3A_112 : i32 to index
        %parallel_loop3A_393 = arith.constant 240 : index
        %parallel_loop3A_394 = tpu.vector_load %arg7[%parallel_loop3A_391, %parallel_loop3A_392, %parallel_loop3A_393] {strides = array<i32>} : memref<2x16x1024xf32, #tpu.memory_space<vmem>>, vector<16xf32>,
        tpu.vector_store %arg7[%parallel_loop3A_391, %parallel_loop3A_392, %parallel_loop3A_393], %parallel_loop3A_386 {strides = array<i32>} : memref<2x16x1024xf32, #tpu.memory_space<vmem>>, vector<16xf32>,
        %parallel_loop3A_395 = arith.index_cast %rem3A_73 : i32 to index
        %parallel_loop3A_396 = arith.index_cast %parallel_loop3A_114 : i32 to index
        %parallel_loop3A_397 = arith.constant 128 : index
        %parallel_loop3A_398 = tpu.vector_load %arg6[%parallel_loop3A_395, %parallel_loop3A_396, %parallel_loop3A_397] {strides = array<i32>} : memref<2x48x512xi32, #tpu.memory_space<vmem>>, vector<16xi32>,
        %parallel_loop3A_399 = vector.bitcast %parallel_loop3A_398 : vector<16xi32> to vector<32xbf16>
        %parallel_loop3A_400 = arith.constant 1 : i32
        %parallel_loop3A_401 = arith.addi %parallel_loop3A_114, %parallel_loop3A_400 : i32
        %parallel_loop3A_402 = arith.index_cast %rem3A_73 : i32 to index
        %parallel_loop3A_403 = arith.index_cast %parallel_loop3A_401 : i32 to index
        %parallel_loop3A_404 = arith.constant 128 : index
        %parallel_loop3A_405 = tpu.vector_load %arg6[%parallel_loop3A_402, %parallel_loop3A_403, %parallel_loop3A_404] {strides = array<i32>} : memref<2x48x512xi32, #tpu.memory_space<vmem>>, vector<16xi32>,
        %parallel_loop3A_406 = vector.bitcast %parallel_loop3A_405 : vector<16xi32> to vector<32xbf16>
        %parallel_loop3A_407 = arith.constant 2 : i32
        %parallel_loop3A_408 = arith.addi %parallel_loop3A_114, %parallel_loop3A_407 : i32
        %parallel_loop3A_409 = arith.index_cast %rem3A_73 : i32 to index
        %parallel_loop3A_410 = arith.index_cast %parallel_loop3A_408 : i32 to index
        %parallel_loop3A_411 = arith.constant 128 : index
        %parallel_loop3A_412 = tpu.vector_load %arg6[%parallel_loop3A_409, %parallel_loop3A_410, %parallel_loop3A_411] {strides = array<i32>} : memref<2x48x512xi32, #tpu.memory_space<vmem>>, vector<16xi32>,
        %parallel_loop3A_413 = vector.bitcast %parallel_loop3A_412 : vector<16xi32> to vector<32xbf16>
        %parallel_loop3A_414 = arith.addf %parallel_loop3A_399, %parallel_loop3A_406 : vector<32xbf16>
        %parallel_loop3A_415 = arith.addf %parallel_loop3A_414, %parallel_loop3A_413 : vector<32xbf16>
        %parallel_loop3A_416 = vector.bitcast %parallel_loop3A_415 : vector<32xbf16> to vector<16xi32>
        %parallel_loop3A_417 = arith.constant 16 : i32
        %parallel_loop3A_418 = vector.broadcast %parallel_loop3A_417 : i32 to vector<16xi32>
        %parallel_loop3A_419 = arith.shli %parallel_loop3A_416, %parallel_loop3A_418 : vector<16xi32>
        %parallel_loop3A_420 = tpu.bitcast %parallel_loop3A_419 : vector<16xi32> -> vector<16xf32>
        %parallel_loop3A_421 = tpu.bitcast %parallel_loop3A_416 : vector<16xi32> -> vector<16xf32>
        %parallel_loop3A_422 = arith.index_cast %rem3A_73 : i32 to index
        %parallel_loop3A_423 = arith.index_cast %parallel_loop3A_112 : i32 to index
        %parallel_loop3A_424 = arith.constant 256 : index
        %parallel_loop3A_425 = tpu.vector_load %arg7[%parallel_loop3A_422, %parallel_loop3A_423, %parallel_loop3A_424] {strides = array<i32>} : memref<2x16x1024xf32, #tpu.memory_space<vmem>>, vector<16xf32>,
        tpu.vector_store %arg7[%parallel_loop3A_422, %parallel_loop3A_423, %parallel_loop3A_424], %parallel_loop3A_420 {strides = array<i32>} : memref<2x16x1024xf32, #tpu.memory_space<vmem>>, vector<16xf32>,
        %parallel_loop3A_426 = arith.index_cast %rem3A_73 : i32 to index
        %parallel_loop3A_427 = arith.index_cast %parallel_loop3A_112 : i32 to index
        %parallel_loop3A_428 = arith.constant 272 : index
        %parallel_loop3A_429 = tpu.vector_load %arg7[%parallel_loop3A_426, %parallel_loop3A_427, %parallel_loop3A_428] {strides = array<i32>} : memref<2x16x1024xf32, #tpu.memory_space<vmem>>, vector<16xf32>,
        tpu.vector_store %arg7[%parallel_loop3A_426, %parallel_loop3A_427, %parallel_loop3A_428], %parallel_loop3A_421 {strides = array<i32>} : memref<2x16x1024xf32, #tpu.memory_space<vmem>>, vector<16xf32>,
        %parallel_loop3A_430 = arith.index_cast %rem3A_73 : i32 to index
        %parallel_loop3A_431 = arith.index_cast %parallel_loop3A_114 : i32 to index
        %parallel_loop3A_432 = arith.constant 144 : index
        %parallel_loop3A_433 = tpu.vector_load %arg6[%parallel_loop3A_430, %parallel_loop3A_431, %parallel_loop3A_432] {strides = array<i32>} : memref<2x48x512xi32, #tpu.memory_space<vmem>>, vector<16xi32>,
        %parallel_loop3A_434 = vector.bitcast %parallel_loop3A_433 : vector<16xi32> to vector<32xbf16>
        %parallel_loop3A_435 = arith.constant 1 : i32
        %parallel_loop3A_436 = arith.addi %parallel_loop3A_114, %parallel_loop3A_435 : i32
        %parallel_loop3A_437 = arith.index_cast %rem3A_73 : i32 to index
        %parallel_loop3A_438 = arith.index_cast %parallel_loop3A_436 : i32 to index
        %parallel_loop3A_439 = arith.constant 144 : index
        %parallel_loop3A_440 = tpu.vector_load %arg6[%parallel_loop3A_437, %parallel_loop3A_438, %parallel_loop3A_439] {strides = array<i32>} : memref<2x48x512xi32, #tpu.memory_space<vmem>>, vector<16xi32>,
        %parallel_loop3A_441 = vector.bitcast %parallel_loop3A_440 : vector<16xi32> to vector<32xbf16>
        %parallel_loop3A_442 = arith.constant 2 : i32
        %parallel_loop3A_443 = arith.addi %parallel_loop3A_114, %parallel_loop3A_442 : i32
        %parallel_loop3A_444 = arith.index_cast %rem3A_73 : i32 to index
        %parallel_loop3A_445 = arith.index_cast %parallel_loop3A_443 : i32 to index
        %parallel_loop3A_446 = arith.constant 144 : index
        %parallel_loop3A_447 = tpu.vector_load %arg6[%parallel_loop3A_444, %parallel_loop3A_445, %parallel_loop3A_446] {strides = array<i32>} : memref<2x48x512xi32, #tpu.memory_space<vmem>>, vector<16xi32>,
        %parallel_loop3A_448 = vector.bitcast %parallel_loop3A_447 : vector<16xi32> to vector<32xbf16>
        %parallel_loop3A_449 = arith.addf %parallel_loop3A_434, %parallel_loop3A_441 : vector<32xbf16>
        %parallel_loop3A_450 = arith.addf %parallel_loop3A_449, %parallel_loop3A_448 : vector<32xbf16>
        %parallel_loop3A_451 = vector.bitcast %parallel_loop3A_450 : vector<32xbf16> to vector<16xi32>
        %parallel_loop3A_452 = arith.constant 16 : i32
        %parallel_loop3A_453 = vector.broadcast %parallel_loop3A_452 : i32 to vector<16xi32>
        %parallel_loop3A_454 = arith.shli %parallel_loop3A_451, %parallel_loop3A_453 : vector<16xi32>
        %parallel_loop3A_455 = tpu.bitcast %parallel_loop3A_454 : vector<16xi32> -> vector<16xf32>
        %parallel_loop3A_456 = tpu.bitcast %parallel_loop3A_451 : vector<16xi32> -> vector<16xf32>
        %parallel_loop3A_457 = arith.index_cast %rem3A_73 : i32 to index
        %parallel_loop3A_458 = arith.index_cast %parallel_loop3A_112 : i32 to index
        %parallel_loop3A_459 = arith.constant 288 : index
        %parallel_loop3A_460 = tpu.vector_load %arg7[%parallel_loop3A_457, %parallel_loop3A_458, %parallel_loop3A_459] {strides = array<i32>} : memref<2x16x1024xf32, #tpu.memory_space<vmem>>, vector<16xf32>,
        tpu.vector_store %arg7[%parallel_loop3A_457, %parallel_loop3A_458, %parallel_loop3A_459], %parallel_loop3A_455 {strides = array<i32>} : memref<2x16x1024xf32, #tpu.memory_space<vmem>>, vector<16xf32>,
        %parallel_loop3A_461 = arith.index_cast %rem3A_73 : i32 to index
        %parallel_loop3A_462 = arith.index_cast %parallel_loop3A_112 : i32 to index
        %parallel_loop3A_463 = arith.constant 304 : index
        %parallel_loop3A_464 = tpu.vector_load %arg7[%parallel_loop3A_461, %parallel_loop3A_462, %parallel_loop3A_463] {strides = array<i32>} : memref<2x16x1024xf32, #tpu.memory_space<vmem>>, vector<16xf32>,
        tpu.vector_store %arg7[%parallel_loop3A_461, %parallel_loop3A_462, %parallel_loop3A_463], %parallel_loop3A_456 {strides = array<i32>} : memref<2x16x1024xf32, #tpu.memory_space<vmem>>, vector<16xf32>,
        %parallel_loop3A_465 = arith.index_cast %rem3A_73 : i32 to index
        %parallel_loop3A_466 = arith.index_cast %parallel_loop3A_114 : i32 to index
        %parallel_loop3A_467 = arith.constant 160 : index
        %parallel_loop3A_468 = tpu.vector_load %arg6[%parallel_loop3A_465, %parallel_loop3A_466, %parallel_loop3A_467] {strides = array<i32>} : memref<2x48x512xi32, #tpu.memory_space<vmem>>, vector<16xi32>,
        %parallel_loop3A_469 = vector.bitcast %parallel_loop3A_468 : vector<16xi32> to vector<32xbf16>
        %parallel_loop3A_470 = arith.constant 1 : i32
        %parallel_loop3A_471 = arith.addi %parallel_loop3A_114, %parallel_loop3A_470 : i32
        %parallel_loop3A_472 = arith.index_cast %rem3A_73 : i32 to index
        %parallel_loop3A_473 = arith.index_cast %parallel_loop3A_471 : i32 to index
        %parallel_loop3A_474 = arith.constant 160 : index
        %parallel_loop3A_475 = tpu.vector_load %arg6[%parallel_loop3A_472, %parallel_loop3A_473, %parallel_loop3A_474] {strides = array<i32>} : memref<2x48x512xi32, #tpu.memory_space<vmem>>, vector<16xi32>,
        %parallel_loop3A_476 = vector.bitcast %parallel_loop3A_475 : vector<16xi32> to vector<32xbf16>
        %parallel_loop3A_477 = arith.constant 2 : i32
        %parallel_loop3A_478 = arith.addi %parallel_loop3A_114, %parallel_loop3A_477 : i32
        %parallel_loop3A_479 = arith.index_cast %rem3A_73 : i32 to index
        %parallel_loop3A_480 = arith.index_cast %parallel_loop3A_478 : i32 to index
        %parallel_loop3A_481 = arith.constant 160 : index
        %parallel_loop3A_482 = tpu.vector_load %arg6[%parallel_loop3A_479, %parallel_loop3A_480, %parallel_loop3A_481] {strides = array<i32>} : memref<2x48x512xi32, #tpu.memory_space<vmem>>, vector<16xi32>,
        %parallel_loop3A_483 = vector.bitcast %parallel_loop3A_482 : vector<16xi32> to vector<32xbf16>
        %parallel_loop3A_484 = arith.addf %parallel_loop3A_469, %parallel_loop3A_476 : vector<32xbf16>
        %parallel_loop3A_485 = arith.addf %parallel_loop3A_484, %parallel_loop3A_483 : vector<32xbf16>
        %parallel_loop3A_486 = vector.bitcast %parallel_loop3A_485 : vector<32xbf16> to vector<16xi32>
        %parallel_loop3A_487 = arith.constant 16 : i32
        %parallel_loop3A_488 = vector.broadcast %parallel_loop3A_487 : i32 to vector<16xi32>
        %parallel_loop3A_489 = arith.shli %parallel_loop3A_486, %parallel_loop3A_488 : vector<16xi32>
        %parallel_loop3A_490 = tpu.bitcast %parallel_loop3A_489 : vector<16xi32> -> vector<16xf32>
        %parallel_loop3A_491 = tpu.bitcast %parallel_loop3A_486 : vector<16xi32> -> vector<16xf32>
        %parallel_loop3A_492 = arith.index_cast %rem3A_73 : i32 to index
        %parallel_loop3A_493 = arith.index_cast %parallel_loop3A_112 : i32 to index
        %parallel_loop3A_494 = arith.constant 320 : index
        %parallel_loop3A_495 = tpu.vector_load %arg7[%parallel_loop3A_492, %parallel_loop3A_493, %parallel_loop3A_494] {strides = array<i32>} : memref<2x16x1024xf32, #tpu.memory_space<vmem>>, vector<16xf32>,
        tpu.vector_store %arg7[%parallel_loop3A_492, %parallel_loop3A_493, %parallel_loop3A_494], %parallel_loop3A_490 {strides = array<i32>} : memref<2x16x1024xf32, #tpu.memory_space<vmem>>, vector<16xf32>,
        %parallel_loop3A_496 = arith.index_cast %rem3A_73 : i32 to index
        %parallel_loop3A_497 = arith.index_cast %parallel_loop3A_112 : i32 to index
        %parallel_loop3A_498 = arith.constant 336 : index
        %parallel_loop3A_499 = tpu.vector_load %arg7[%parallel_loop3A_496, %parallel_loop3A_497, %parallel_loop3A_498] {strides = array<i32>} : memref<2x16x1024xf32, #tpu.memory_space<vmem>>, vector<16xf32>,
        tpu.vector_store %arg7[%parallel_loop3A_496, %parallel_loop3A_497, %parallel_loop3A_498], %parallel_loop3A_491 {strides = array<i32>} : memref<2x16x1024xf32, #tpu.memory_space<vmem>>, vector<16xf32>,
        %parallel_loop3A_500 = arith.index_cast %rem3A_73 : i32 to index
        %parallel_loop3A_501 = arith.index_cast %parallel_loop3A_114 : i32 to index
        %parallel_loop3A_502 = arith.constant 176 : index
        %parallel_loop3A_503 = tpu.vector_load %arg6[%parallel_loop3A_500, %parallel_loop3A_501, %parallel_loop3A_502] {strides = array<i32>} : memref<2x48x512xi32, #tpu.memory_space<vmem>>, vector<16xi32>,
        %parallel_loop3A_504 = vector.bitcast %parallel_loop3A_503 : vector<16xi32> to vector<32xbf16>
        %parallel_loop3A_505 = arith.constant 1 : i32
        %parallel_loop3A_506 = arith.addi %parallel_loop3A_114, %parallel_loop3A_505 : i32
        %parallel_loop3A_507 = arith.index_cast %rem3A_73 : i32 to index
        %parallel_loop3A_508 = arith.index_cast %parallel_loop3A_506 : i32 to index
        %parallel_loop3A_509 = arith.constant 176 : index
        %parallel_loop3A_510 = tpu.vector_load %arg6[%parallel_loop3A_507, %parallel_loop3A_508, %parallel_loop3A_509] {strides = array<i32>} : memref<2x48x512xi32, #tpu.memory_space<vmem>>, vector<16xi32>,
        %parallel_loop3A_511 = vector.bitcast %parallel_loop3A_510 : vector<16xi32> to vector<32xbf16>
        %parallel_loop3A_512 = arith.constant 2 : i32
        %parallel_loop3A_513 = arith.addi %parallel_loop3A_114, %parallel_loop3A_512 : i32
        %parallel_loop3A_514 = arith.index_cast %rem3A_73 : i32 to index
        %parallel_loop3A_515 = arith.index_cast %parallel_loop3A_513 : i32 to index
        %parallel_loop3A_516 = arith.constant 176 : index
        %parallel_loop3A_517 = tpu.vector_load %arg6[%parallel_loop3A_514, %parallel_loop3A_515, %parallel_loop3A_516] {strides = array<i32>} : memref<2x48x512xi32, #tpu.memory_space<vmem>>, vector<16xi32>,
        %parallel_loop3A_518 = vector.bitcast %parallel_loop3A_517 : vector<16xi32> to vector<32xbf16>
        %parallel_loop3A_519 = arith.addf %parallel_loop3A_504, %parallel_loop3A_511 : vector<32xbf16>
        %parallel_loop3A_520 = arith.addf %parallel_loop3A_519, %parallel_loop3A_518 : vector<32xbf16>
        %parallel_loop3A_521 = vector.bitcast %parallel_loop3A_520 : vector<32xbf16> to vector<16xi32>
        %parallel_loop3A_522 = arith.constant 16 : i32
        %parallel_loop3A_523 = vector.broadcast %parallel_loop3A_522 : i32 to vector<16xi32>
        %parallel_loop3A_524 = arith.shli %parallel_loop3A_521, %parallel_loop3A_523 : vector<16xi32>
        %parallel_loop3A_525 = tpu.bitcast %parallel_loop3A_524 : vector<16xi32> -> vector<16xf32>
        %parallel_loop3A_526 = tpu.bitcast %parallel_loop3A_521 : vector<16xi32> -> vector<16xf32>
        %parallel_loop3A_527 = arith.index_cast %rem3A_73 : i32 to index
        %parallel_loop3A_528 = arith.index_cast %parallel_loop3A_112 : i32 to index
        %parallel_loop3A_529 = arith.constant 352 : index
        %parallel_loop3A_530 = tpu.vector_load %arg7[%parallel_loop3A_527, %parallel_loop3A_528, %parallel_loop3A_529] {strides = array<i32>} : memref<2x16x1024xf32, #tpu.memory_space<vmem>>, vector<16xf32>,
        tpu.vector_store %arg7[%parallel_loop3A_527, %parallel_loop3A_528, %parallel_loop3A_529], %parallel_loop3A_525 {strides = array<i32>} : memref<2x16x1024xf32, #tpu.memory_space<vmem>>, vector<16xf32>,
        %parallel_loop3A_531 = arith.index_cast %rem3A_73 : i32 to index
        %parallel_loop3A_532 = arith.index_cast %parallel_loop3A_112 : i32 to index
        %parallel_loop3A_533 = arith.constant 368 : index
        %parallel_loop3A_534 = tpu.vector_load %arg7[%parallel_loop3A_531, %parallel_loop3A_532, %parallel_loop3A_533] {strides = array<i32>} : memref<2x16x1024xf32, #tpu.memory_space<vmem>>, vector<16xf32>,
        tpu.vector_store %arg7[%parallel_loop3A_531, %parallel_loop3A_532, %parallel_loop3A_533], %parallel_loop3A_526 {strides = array<i32>} : memref<2x16x1024xf32, #tpu.memory_space<vmem>>, vector<16xf32>,
        %parallel_loop3A_535 = arith.index_cast %rem3A_73 : i32 to index
        %parallel_loop3A_536 = arith.index_cast %parallel_loop3A_114 : i32 to index
        %parallel_loop3A_537 = arith.constant 192 : index
        %parallel_loop3A_538 = tpu.vector_load %arg6[%parallel_loop3A_535, %parallel_loop3A_536, %parallel_loop3A_537] {strides = array<i32>} : memref<2x48x512xi32, #tpu.memory_space<vmem>>, vector<16xi32>,
        %parallel_loop3A_539 = vector.bitcast %parallel_loop3A_538 : vector<16xi32> to vector<32xbf16>
        %parallel_loop3A_540 = arith.constant 1 : i32
        %parallel_loop3A_541 = arith.addi %parallel_loop3A_114, %parallel_loop3A_540 : i32
        %parallel_loop3A_542 = arith.index_cast %rem3A_73 : i32 to index
        %parallel_loop3A_543 = arith.index_cast %parallel_loop3A_541 : i32 to index
        %parallel_loop3A_544 = arith.constant 192 : index
        %parallel_loop3A_545 = tpu.vector_load %arg6[%parallel_loop3A_542, %parallel_loop3A_543, %parallel_loop3A_544] {strides = array<i32>} : memref<2x48x512xi32, #tpu.memory_space<vmem>>, vector<16xi32>,
        %parallel_loop3A_546 = vector.bitcast %parallel_loop3A_545 : vector<16xi32> to vector<32xbf16>
        %parallel_loop3A_547 = arith.constant 2 : i32
        %parallel_loop3A_548 = arith.addi %parallel_loop3A_114, %parallel_loop3A_547 : i32
        %parallel_loop3A_549 = arith.index_cast %rem3A_73 : i32 to index
        %parallel_loop3A_550 = arith.index_cast %parallel_loop3A_548 : i32 to index
        %parallel_loop3A_551 = arith.constant 192 : index
        %parallel_loop3A_552 = tpu.vector_load %arg6[%parallel_loop3A_549, %parallel_loop3A_550, %parallel_loop3A_551] {strides = array<i32>} : memref<2x48x512xi32, #tpu.memory_space<vmem>>, vector<16xi32>,
        %parallel_loop3A_553 = vector.bitcast %parallel_loop3A_552 : vector<16xi32> to vector<32xbf16>
        %parallel_loop3A_554 = arith.addf %parallel_loop3A_539, %parallel_loop3A_546 : vector<32xbf16>
        %parallel_loop3A_555 = arith.addf %parallel_loop3A_554, %parallel_loop3A_553 : vector<32xbf16>
        %parallel_loop3A_556 = vector.bitcast %parallel_loop3A_555 : vector<32xbf16> to vector<16xi32>
        %parallel_loop3A_557 = arith.constant 16 : i32
        %parallel_loop3A_558 = vector.broadcast %parallel_loop3A_557 : i32 to vector<16xi32>
        %parallel_loop3A_559 = arith.shli %parallel_loop3A_556, %parallel_loop3A_558 : vector<16xi32>
        %parallel_loop3A_560 = tpu.bitcast %parallel_loop3A_559 : vector<16xi32> -> vector<16xf32>
        %parallel_loop3A_561 = tpu.bitcast %parallel_loop3A_556 : vector<16xi32> -> vector<16xf32>
        %parallel_loop3A_562 = arith.index_cast %rem3A_73 : i32 to index
        %parallel_loop3A_563 = arith.index_cast %parallel_loop3A_112 : i32 to index
        %parallel_loop3A_564 = arith.constant 384 : index
        %parallel_loop3A_565 = tpu.vector_load %arg7[%parallel_loop3A_562, %parallel_loop3A_563, %parallel_loop3A_564] {strides = array<i32>} : memref<2x16x1024xf32, #tpu.memory_space<vmem>>, vector<16xf32>,
        tpu.vector_store %arg7[%parallel_loop3A_562, %parallel_loop3A_563, %parallel_loop3A_564], %parallel_loop3A_560 {strides = array<i32>} : memref<2x16x1024xf32, #tpu.memory_space<vmem>>, vector<16xf32>,
        %parallel_loop3A_566 = arith.index_cast %rem3A_73 : i32 to index
        %parallel_loop3A_567 = arith.index_cast %parallel_loop3A_112 : i32 to index
        %parallel_loop3A_568 = arith.constant 400 : index
        %parallel_loop3A_569 = tpu.vector_load %arg7[%parallel_loop3A_566, %parallel_loop3A_567, %parallel_loop3A_568] {strides = array<i32>} : memref<2x16x1024xf32, #tpu.memory_space<vmem>>, vector<16xf32>,
        tpu.vector_store %arg7[%parallel_loop3A_566, %parallel_loop3A_567, %parallel_loop3A_568], %parallel_loop3A_561 {strides = array<i32>} : memref<2x16x1024xf32, #tpu.memory_space<vmem>>, vector<16xf32>,
        %parallel_loop3A_570 = arith.index_cast %rem3A_73 : i32 to index
        %parallel_loop3A_571 = arith.index_cast %parallel_loop3A_114 : i32 to index
        %parallel_loop3A_572 = arith.constant 208 : index
        %parallel_loop3A_573 = tpu.vector_load %arg6[%parallel_loop3A_570, %parallel_loop3A_571, %parallel_loop3A_572] {strides = array<i32>} : memref<2x48x512xi32, #tpu.memory_space<vmem>>, vector<16xi32>,
        %parallel_loop3A_574 = vector.bitcast %parallel_loop3A_573 : vector<16xi32> to vector<32xbf16>
        %parallel_loop3A_575 = arith.constant 1 : i32
        %parallel_loop3A_576 = arith.addi %parallel_loop3A_114, %parallel_loop3A_575 : i32
        %parallel_loop3A_577 = arith.index_cast %rem3A_73 : i32 to index
        %parallel_loop3A_578 = arith.index_cast %parallel_loop3A_576 : i32 to index
        %parallel_loop3A_579 = arith.constant 208 : index
        %parallel_loop3A_580 = tpu.vector_load %arg6[%parallel_loop3A_577, %parallel_loop3A_578, %parallel_loop3A_579] {strides = array<i32>} : memref<2x48x512xi32, #tpu.memory_space<vmem>>, vector<16xi32>,
        %parallel_loop3A_581 = vector.bitcast %parallel_loop3A_580 : vector<16xi32> to vector<32xbf16>
        %parallel_loop3A_582 = arith.constant 2 : i32
        %parallel_loop3A_583 = arith.addi %parallel_loop3A_114, %parallel_loop3A_582 : i32
        %parallel_loop3A_584 = arith.index_cast %rem3A_73 : i32 to index
        %parallel_loop3A_585 = arith.index_cast %parallel_loop3A_583 : i32 to index
        %parallel_loop3A_586 = arith.constant 208 : index
        %parallel_loop3A_587 = tpu.vector_load %arg6[%parallel_loop3A_584, %parallel_loop3A_585, %parallel_loop3A_586] {strides = array<i32>} : memref<2x48x512xi32, #tpu.memory_space<vmem>>, vector<16xi32>,
        %parallel_loop3A_588 = vector.bitcast %parallel_loop3A_587 : vector<16xi32> to vector<32xbf16>
        %parallel_loop3A_589 = arith.addf %parallel_loop3A_574, %parallel_loop3A_581 : vector<32xbf16>
        %parallel_loop3A_590 = arith.addf %parallel_loop3A_589, %parallel_loop3A_588 : vector<32xbf16>
        %parallel_loop3A_591 = vector.bitcast %parallel_loop3A_590 : vector<32xbf16> to vector<16xi32>
        %parallel_loop3A_592 = arith.constant 16 : i32
        %parallel_loop3A_593 = vector.broadcast %parallel_loop3A_592 : i32 to vector<16xi32>
        %parallel_loop3A_594 = arith.shli %parallel_loop3A_591, %parallel_loop3A_593 : vector<16xi32>
        %parallel_loop3A_595 = tpu.bitcast %parallel_loop3A_594 : vector<16xi32> -> vector<16xf32>
        %parallel_loop3A_596 = tpu.bitcast %parallel_loop3A_591 : vector<16xi32> -> vector<16xf32>
        %parallel_loop3A_597 = arith.index_cast %rem3A_73 : i32 to index
        %parallel_loop3A_598 = arith.index_cast %parallel_loop3A_112 : i32 to index
        %parallel_loop3A_599 = arith.constant 416 : index
        %parallel_loop3A_600 = tpu.vector_load %arg7[%parallel_loop3A_597, %parallel_loop3A_598, %parallel_loop3A_599] {strides = array<i32>} : memref<2x16x1024xf32, #tpu.memory_space<vmem>>, vector<16xf32>,
        tpu.vector_store %arg7[%parallel_loop3A_597, %parallel_loop3A_598, %parallel_loop3A_599], %parallel_loop3A_595 {strides = array<i32>} : memref<2x16x1024xf32, #tpu.memory_space<vmem>>, vector<16xf32>,
        %parallel_loop3A_601 = arith.index_cast %rem3A_73 : i32 to index
        %parallel_loop3A_602 = arith.index_cast %parallel_loop3A_112 : i32 to index
        %parallel_loop3A_603 = arith.constant 432 : index
        %parallel_loop3A_604 = tpu.vector_load %arg7[%parallel_loop3A_601, %parallel_loop3A_602, %parallel_loop3A_603] {strides = array<i32>} : memref<2x16x1024xf32, #tpu.memory_space<vmem>>, vector<16xf32>,
        tpu.vector_store %arg7[%parallel_loop3A_601, %parallel_loop3A_602, %parallel_loop3A_603], %parallel_loop3A_596 {strides = array<i32>} : memref<2x16x1024xf32, #tpu.memory_space<vmem>>, vector<16xf32>,
        %parallel_loop3A_605 = arith.index_cast %rem3A_73 : i32 to index
        %parallel_loop3A_606 = arith.index_cast %parallel_loop3A_114 : i32 to index
        %parallel_loop3A_607 = arith.constant 224 : index
        %parallel_loop3A_608 = tpu.vector_load %arg6[%parallel_loop3A_605, %parallel_loop3A_606, %parallel_loop3A_607] {strides = array<i32>} : memref<2x48x512xi32, #tpu.memory_space<vmem>>, vector<16xi32>,
        %parallel_loop3A_609 = vector.bitcast %parallel_loop3A_608 : vector<16xi32> to vector<32xbf16>
        %parallel_loop3A_610 = arith.constant 1 : i32
        %parallel_loop3A_611 = arith.addi %parallel_loop3A_114, %parallel_loop3A_610 : i32
        %parallel_loop3A_612 = arith.index_cast %rem3A_73 : i32 to index
        %parallel_loop3A_613 = arith.index_cast %parallel_loop3A_611 : i32 to index
        %parallel_loop3A_614 = arith.constant 224 : index
        %parallel_loop3A_615 = tpu.vector_load %arg6[%parallel_loop3A_612, %parallel_loop3A_613, %parallel_loop3A_614] {strides = array<i32>} : memref<2x48x512xi32, #tpu.memory_space<vmem>>, vector<16xi32>,
        %parallel_loop3A_616 = vector.bitcast %parallel_loop3A_615 : vector<16xi32> to vector<32xbf16>
        %parallel_loop3A_617 = arith.constant 2 : i32
        %parallel_loop3A_618 = arith.addi %parallel_loop3A_114, %parallel_loop3A_617 : i32
        %parallel_loop3A_619 = arith.index_cast %rem3A_73 : i32 to index
        %parallel_loop3A_620 = arith.index_cast %parallel_loop3A_618 : i32 to index
        %parallel_loop3A_621 = arith.constant 224 : index
        %parallel_loop3A_622 = tpu.vector_load %arg6[%parallel_loop3A_619, %parallel_loop3A_620, %parallel_loop3A_621] {strides = array<i32>} : memref<2x48x512xi32, #tpu.memory_space<vmem>>, vector<16xi32>,
        %parallel_loop3A_623 = vector.bitcast %parallel_loop3A_622 : vector<16xi32> to vector<32xbf16>
        %parallel_loop3A_624 = arith.addf %parallel_loop3A_609, %parallel_loop3A_616 : vector<32xbf16>
        %parallel_loop3A_625 = arith.addf %parallel_loop3A_624, %parallel_loop3A_623 : vector<32xbf16>
        %parallel_loop3A_626 = vector.bitcast %parallel_loop3A_625 : vector<32xbf16> to vector<16xi32>
        %parallel_loop3A_627 = arith.constant 16 : i32
        %parallel_loop3A_628 = vector.broadcast %parallel_loop3A_627 : i32 to vector<16xi32>
        %parallel_loop3A_629 = arith.shli %parallel_loop3A_626, %parallel_loop3A_628 : vector<16xi32>
        %parallel_loop3A_630 = tpu.bitcast %parallel_loop3A_629 : vector<16xi32> -> vector<16xf32>
        %parallel_loop3A_631 = tpu.bitcast %parallel_loop3A_626 : vector<16xi32> -> vector<16xf32>
        %parallel_loop3A_632 = arith.index_cast %rem3A_73 : i32 to index
        %parallel_loop3A_633 = arith.index_cast %parallel_loop3A_112 : i32 to index
        %parallel_loop3A_634 = arith.constant 448 : index
        %parallel_loop3A_635 = tpu.vector_load %arg7[%parallel_loop3A_632, %parallel_loop3A_633, %parallel_loop3A_634] {strides = array<i32>} : memref<2x16x1024xf32, #tpu.memory_space<vmem>>, vector<16xf32>,
        tpu.vector_store %arg7[%parallel_loop3A_632, %parallel_loop3A_633, %parallel_loop3A_634], %parallel_loop3A_630 {strides = array<i32>} : memref<2x16x1024xf32, #tpu.memory_space<vmem>>, vector<16xf32>,
        %parallel_loop3A_636 = arith.index_cast %rem3A_73 : i32 to index
        %parallel_loop3A_637 = arith.index_cast %parallel_loop3A_112 : i32 to index
        %parallel_loop3A_638 = arith.constant 464 : index
        %parallel_loop3A_639 = tpu.vector_load %arg7[%parallel_loop3A_636, %parallel_loop3A_637, %parallel_loop3A_638] {strides = array<i32>} : memref<2x16x1024xf32, #tpu.memory_space<vmem>>, vector<16xf32>,
        tpu.vector_store %arg7[%parallel_loop3A_636, %parallel_loop3A_637, %parallel_loop3A_638], %parallel_loop3A_631 {strides = array<i32>} : memref<2x16x1024xf32, #tpu.memory_space<vmem>>, vector<16xf32>,
        %parallel_loop3A_640 = arith.index_cast %rem3A_73 : i32 to index
        %parallel_loop3A_641 = arith.index_cast %parallel_loop3A_114 : i32 to index
        %parallel_loop3A_642 = arith.constant 240 : index
        %parallel_loop3A_643 = tpu.vector_load %arg6[%parallel_loop3A_640, %parallel_loop3A_641, %parallel_loop3A_642] {strides = array<i32>} : memref<2x48x512xi32, #tpu.memory_space<vmem>>, vector<16xi32>,
        %parallel_loop3A_644 = vector.bitcast %parallel_loop3A_643 : vector<16xi32> to vector<32xbf16>
        %parallel_loop3A_645 = arith.constant 1 : i32
        %parallel_loop3A_646 = arith.addi %parallel_loop3A_114, %parallel_loop3A_645 : i32
        %parallel_loop3A_647 = arith.index_cast %rem3A_73 : i32 to index
        %parallel_loop3A_648 = arith.index_cast %parallel_loop3A_646 : i32 to index
        %parallel_loop3A_649 = arith.constant 240 : index
        %parallel_loop3A_650 = tpu.vector_load %arg6[%parallel_loop3A_647, %parallel_loop3A_648, %parallel_loop3A_649] {strides = array<i32>} : memref<2x48x512xi32, #tpu.memory_space<vmem>>, vector<16xi32>,
        %parallel_loop3A_651 = vector.bitcast %parallel_loop3A_650 : vector<16xi32> to vector<32xbf16>
        %parallel_loop3A_652 = arith.constant 2 : i32
        %parallel_loop3A_653 = arith.addi %parallel_loop3A_114, %parallel_loop3A_652 : i32
        %parallel_loop3A_654 = arith.index_cast %rem3A_73 : i32 to index
        %parallel_loop3A_655 = arith.index_cast %parallel_loop3A_653 : i32 to index
        %parallel_loop3A_656 = arith.constant 240 : index
        %parallel_loop3A_657 = tpu.vector_load %arg6[%parallel_loop3A_654, %parallel_loop3A_655, %parallel_loop3A_656] {strides = array<i32>} : memref<2x48x512xi32, #tpu.memory_space<vmem>>, vector<16xi32>,
        %parallel_loop3A_658 = vector.bitcast %parallel_loop3A_657 : vector<16xi32> to vector<32xbf16>
        %parallel_loop3A_659 = arith.addf %parallel_loop3A_644, %parallel_loop3A_651 : vector<32xbf16>
        %parallel_loop3A_660 = arith.addf %parallel_loop3A_659, %parallel_loop3A_658 : vector<32xbf16>
        %parallel_loop3A_661 = vector.bitcast %parallel_loop3A_660 : vector<32xbf16> to vector<16xi32>
        %parallel_loop3A_662 = arith.constant 16 : i32
        %parallel_loop3A_663 = vector.broadcast %parallel_loop3A_662 : i32 to vector<16xi32>
        %parallel_loop3A_664 = arith.shli %parallel_loop3A_661, %parallel_loop3A_663 : vector<16xi32>
        %parallel_loop3A_665 = tpu.bitcast %parallel_loop3A_664 : vector<16xi32> -> vector<16xf32>
        %parallel_loop3A_666 = tpu.bitcast %parallel_loop3A_661 : vector<16xi32> -> vector<16xf32>
        %parallel_loop3A_667 = arith.index_cast %rem3A_73 : i32 to index
        %parallel_loop3A_668 = arith.index_cast %parallel_loop3A_112 : i32 to index
        %parallel_loop3A_669 = arith.constant 480 : index
        %parallel_loop3A_670 = tpu.vector_load %arg7[%parallel_loop3A_667, %parallel_loop3A_668, %parallel_loop3A_669] {strides = array<i32>} : memref<2x16x1024xf32, #tpu.memory_space<vmem>>, vector<16xf32>,
        tpu.vector_store %arg7[%parallel_loop3A_667, %parallel_loop3A_668, %parallel_loop3A_669], %parallel_loop3A_665 {strides = array<i32>} : memref<2x16x1024xf32, #tpu.memory_space<vmem>>, vector<16xf32>,
        %parallel_loop3A_671 = arith.index_cast %rem3A_73 : i32 to index
        %parallel_loop3A_672 = arith.index_cast %parallel_loop3A_112 : i32 to index
        %parallel_loop3A_673 = arith.constant 496 : index
        %parallel_loop3A_674 = tpu.vector_load %arg7[%parallel_loop3A_671, %parallel_loop3A_672, %parallel_loop3A_673] {strides = array<i32>} : memref<2x16x1024xf32, #tpu.memory_space<vmem>>, vector<16xf32>,
        tpu.vector_store %arg7[%parallel_loop3A_671, %parallel_loop3A_672, %parallel_loop3A_673], %parallel_loop3A_666 {strides = array<i32>} : memref<2x16x1024xf32, #tpu.memory_space<vmem>>, vector<16xf32>,
        %parallel_loop3A_675 = arith.index_cast %rem3A_73 : i32 to index
        %parallel_loop3A_676 = arith.index_cast %parallel_loop3A_114 : i32 to index
        %parallel_loop3A_677 = arith.constant 256 : index
        %parallel_loop3A_678 = tpu.vector_load %arg6[%parallel_loop3A_675, %parallel_loop3A_676, %parallel_loop3A_677] {strides = array<i32>} : memref<2x48x512xi32, #tpu.memory_space<vmem>>, vector<16xi32>,
        %parallel_loop3A_679 = vector.bitcast %parallel_loop3A_678 : vector<16xi32> to vector<32xbf16>
        %parallel_loop3A_680 = arith.constant 1 : i32
        %parallel_loop3A_681 = arith.addi %parallel_loop3A_114, %parallel_loop3A_680 : i32
        %parallel_loop3A_682 = arith.index_cast %rem3A_73 : i32 to index
        %parallel_loop3A_683 = arith.index_cast %parallel_loop3A_681 : i32 to index
        %parallel_loop3A_684 = arith.constant 256 : index
        %parallel_loop3A_685 = tpu.vector_load %arg6[%parallel_loop3A_682, %parallel_loop3A_683, %parallel_loop3A_684] {strides = array<i32>} : memref<2x48x512xi32, #tpu.memory_space<vmem>>, vector<16xi32>,
        %parallel_loop3A_686 = vector.bitcast %parallel_loop3A_685 : vector<16xi32> to vector<32xbf16>
        %parallel_loop3A_687 = arith.constant 2 : i32
        %parallel_loop3A_688 = arith.addi %parallel_loop3A_114, %parallel_loop3A_687 : i32
        %parallel_loop3A_689 = arith.index_cast %rem3A_73 : i32 to index
        %parallel_loop3A_690 = arith.index_cast %parallel_loop3A_688 : i32 to index
        %parallel_loop3A_691 = arith.constant 256 : index
        %parallel_loop3A_692 = tpu.vector_load %arg6[%parallel_loop3A_689, %parallel_loop3A_690, %parallel_loop3A_691] {strides = array<i32>} : memref<2x48x512xi32, #tpu.memory_space<vmem>>, vector<16xi32>,
        %parallel_loop3A_693 = vector.bitcast %parallel_loop3A_692 : vector<16xi32> to vector<32xbf16>
        %parallel_loop3A_694 = arith.addf %parallel_loop3A_679, %parallel_loop3A_686 : vector<32xbf16>
        %parallel_loop3A_695 = arith.addf %parallel_loop3A_694, %parallel_loop3A_693 : vector<32xbf16>
        %parallel_loop3A_696 = vector.bitcast %parallel_loop3A_695 : vector<32xbf16> to vector<16xi32>
        %parallel_loop3A_697 = arith.constant 16 : i32
        %parallel_loop3A_698 = vector.broadcast %parallel_loop3A_697 : i32 to vector<16xi32>
        %parallel_loop3A_699 = arith.shli %parallel_loop3A_696, %parallel_loop3A_698 : vector<16xi32>
        %parallel_loop3A_700 = tpu.bitcast %parallel_loop3A_699 : vector<16xi32> -> vector<16xf32>
        %parallel_loop3A_701 = tpu.bitcast %parallel_loop3A_696 : vector<16xi32> -> vector<16xf32>
        %parallel_loop3A_702 = arith.index_cast %rem3A_73 : i32 to index
        %parallel_loop3A_703 = arith.index_cast %parallel_loop3A_112 : i32 to index
        %parallel_loop3A_704 = arith.constant 512 : index
        %parallel_loop3A_705 = tpu.vector_load %arg7[%parallel_loop3A_702, %parallel_loop3A_703, %parallel_loop3A_704] {strides = array<i32>} : memref<2x16x1024xf32, #tpu.memory_space<vmem>>, vector<16xf32>,
        tpu.vector_store %arg7[%parallel_loop3A_702, %parallel_loop3A_703, %parallel_loop3A_704], %parallel_loop3A_700 {strides = array<i32>} : memref<2x16x1024xf32, #tpu.memory_space<vmem>>, vector<16xf32>,
        %parallel_loop3A_706 = arith.index_cast %rem3A_73 : i32 to index
        %parallel_loop3A_707 = arith.index_cast %parallel_loop3A_112 : i32 to index
        %parallel_loop3A_708 = arith.constant 528 : index
        %parallel_loop3A_709 = tpu.vector_load %arg7[%parallel_loop3A_706, %parallel_loop3A_707, %parallel_loop3A_708] {strides = array<i32>} : memref<2x16x1024xf32, #tpu.memory_space<vmem>>, vector<16xf32>,
        tpu.vector_store %arg7[%parallel_loop3A_706, %parallel_loop3A_707, %parallel_loop3A_708], %parallel_loop3A_701 {strides = array<i32>} : memref<2x16x1024xf32, #tpu.memory_space<vmem>>, vector<16xf32>,
        %parallel_loop3A_710 = arith.index_cast %rem3A_73 : i32 to index
        %parallel_loop3A_711 = arith.index_cast %parallel_loop3A_114 : i32 to index
        %parallel_loop3A_712 = arith.constant 272 : index
        %parallel_loop3A_713 = tpu.vector_load %arg6[%parallel_loop3A_710, %parallel_loop3A_711, %parallel_loop3A_712] {strides = array<i32>} : memref<2x48x512xi32, #tpu.memory_space<vmem>>, vector<16xi32>,
        %parallel_loop3A_714 = vector.bitcast %parallel_loop3A_713 : vector<16xi32> to vector<32xbf16>
        %parallel_loop3A_715 = arith.constant 1 : i32
        %parallel_loop3A_716 = arith.addi %parallel_loop3A_114, %parallel_loop3A_715 : i32
        %parallel_loop3A_717 = arith.index_cast %rem3A_73 : i32 to index
        %parallel_loop3A_718 = arith.index_cast %parallel_loop3A_716 : i32 to index
        %parallel_loop3A_719 = arith.constant 272 : index
        %parallel_loop3A_720 = tpu.vector_load %arg6[%parallel_loop3A_717, %parallel_loop3A_718, %parallel_loop3A_719] {strides = array<i32>} : memref<2x48x512xi32, #tpu.memory_space<vmem>>, vector<16xi32>,
        %parallel_loop3A_721 = vector.bitcast %parallel_loop3A_720 : vector<16xi32> to vector<32xbf16>
        %parallel_loop3A_722 = arith.constant 2 : i32
        %parallel_loop3A_723 = arith.addi %parallel_loop3A_114, %parallel_loop3A_722 : i32
        %parallel_loop3A_724 = arith.index_cast %rem3A_73 : i32 to index
        %parallel_loop3A_725 = arith.index_cast %parallel_loop3A_723 : i32 to index
        %parallel_loop3A_726 = arith.constant 272 : index
        %parallel_loop3A_727 = tpu.vector_load %arg6[%parallel_loop3A_724, %parallel_loop3A_725, %parallel_loop3A_726] {strides = array<i32>} : memref<2x48x512xi32, #tpu.memory_space<vmem>>, vector<16xi32>,
        %parallel_loop3A_728 = vector.bitcast %parallel_loop3A_727 : vector<16xi32> to vector<32xbf16>
        %parallel_loop3A_729 = arith.addf %parallel_loop3A_714, %parallel_loop3A_721 : vector<32xbf16>
        %parallel_loop3A_730 = arith.addf %parallel_loop3A_729, %parallel_loop3A_728 : vector<32xbf16>
        %parallel_loop3A_731 = vector.bitcast %parallel_loop3A_730 : vector<32xbf16> to vector<16xi32>
        %parallel_loop3A_732 = arith.constant 16 : i32
        %parallel_loop3A_733 = vector.broadcast %parallel_loop3A_732 : i32 to vector<16xi32>
        %parallel_loop3A_734 = arith.shli %parallel_loop3A_731, %parallel_loop3A_733 : vector<16xi32>
        %parallel_loop3A_735 = tpu.bitcast %parallel_loop3A_734 : vector<16xi32> -> vector<16xf32>
        %parallel_loop3A_736 = tpu.bitcast %parallel_loop3A_731 : vector<16xi32> -> vector<16xf32>
        %parallel_loop3A_737 = arith.index_cast %rem3A_73 : i32 to index
        %parallel_loop3A_738 = arith.index_cast %parallel_loop3A_112 : i32 to index
        %parallel_loop3A_739 = arith.constant 544 : index
        %parallel_loop3A_740 = tpu.vector_load %arg7[%parallel_loop3A_737, %parallel_loop3A_738, %parallel_loop3A_739] {strides = array<i32>} : memref<2x16x1024xf32, #tpu.memory_space<vmem>>, vector<16xf32>,
        tpu.vector_store %arg7[%parallel_loop3A_737, %parallel_loop3A_738, %parallel_loop3A_739], %parallel_loop3A_735 {strides = array<i32>} : memref<2x16x1024xf32, #tpu.memory_space<vmem>>, vector<16xf32>,
        %parallel_loop3A_741 = arith.index_cast %rem3A_73 : i32 to index
        %parallel_loop3A_742 = arith.index_cast %parallel_loop3A_112 : i32 to index
        %parallel_loop3A_743 = arith.constant 560 : index
        %parallel_loop3A_744 = tpu.vector_load %arg7[%parallel_loop3A_741, %parallel_loop3A_742, %parallel_loop3A_743] {strides = array<i32>} : memref<2x16x1024xf32, #tpu.memory_space<vmem>>, vector<16xf32>,
        tpu.vector_store %arg7[%parallel_loop3A_741, %parallel_loop3A_742, %parallel_loop3A_743], %parallel_loop3A_736 {strides = array<i32>} : memref<2x16x1024xf32, #tpu.memory_space<vmem>>, vector<16xf32>,
        %parallel_loop3A_745 = arith.index_cast %rem3A_73 : i32 to index
        %parallel_loop3A_746 = arith.index_cast %parallel_loop3A_114 : i32 to index
        %parallel_loop3A_747 = arith.constant 288 : index
        %parallel_loop3A_748 = tpu.vector_load %arg6[%parallel_loop3A_745, %parallel_loop3A_746, %parallel_loop3A_747] {strides = array<i32>} : memref<2x48x512xi32, #tpu.memory_space<vmem>>, vector<16xi32>,
        %parallel_loop3A_749 = vector.bitcast %parallel_loop3A_748 : vector<16xi32> to vector<32xbf16>
        %parallel_loop3A_750 = arith.constant 1 : i32
        %parallel_loop3A_751 = arith.addi %parallel_loop3A_114, %parallel_loop3A_750 : i32
        %parallel_loop3A_752 = arith.index_cast %rem3A_73 : i32 to index
        %parallel_loop3A_753 = arith.index_cast %parallel_loop3A_751 : i32 to index
        %parallel_loop3A_754 = arith.constant 288 : index
        %parallel_loop3A_755 = tpu.vector_load %arg6[%parallel_loop3A_752, %parallel_loop3A_753, %parallel_loop3A_754] {strides = array<i32>} : memref<2x48x512xi32, #tpu.memory_space<vmem>>, vector<16xi32>,
        %parallel_loop3A_756 = vector.bitcast %parallel_loop3A_755 : vector<16xi32> to vector<32xbf16>
        %parallel_loop3A_757 = arith.constant 2 : i32
        %parallel_loop3A_758 = arith.addi %parallel_loop3A_114, %parallel_loop3A_757 : i32
        %parallel_loop3A_759 = arith.index_cast %rem3A_73 : i32 to index
        %parallel_loop3A_760 = arith.index_cast %parallel_loop3A_758 : i32 to index
        %parallel_loop3A_761 = arith.constant 288 : index
        %parallel_loop3A_762 = tpu.vector_load %arg6[%parallel_loop3A_759, %parallel_loop3A_760, %parallel_loop3A_761] {strides = array<i32>} : memref<2x48x512xi32, #tpu.memory_space<vmem>>, vector<16xi32>,
        %parallel_loop3A_763 = vector.bitcast %parallel_loop3A_762 : vector<16xi32> to vector<32xbf16>
        %parallel_loop3A_764 = arith.addf %parallel_loop3A_749, %parallel_loop3A_756 : vector<32xbf16>
        %parallel_loop3A_765 = arith.addf %parallel_loop3A_764, %parallel_loop3A_763 : vector<32xbf16>
        %parallel_loop3A_766 = vector.bitcast %parallel_loop3A_765 : vector<32xbf16> to vector<16xi32>
        %parallel_loop3A_767 = arith.constant 16 : i32
        %parallel_loop3A_768 = vector.broadcast %parallel_loop3A_767 : i32 to vector<16xi32>
        %parallel_loop3A_769 = arith.shli %parallel_loop3A_766, %parallel_loop3A_768 : vector<16xi32>
        %parallel_loop3A_770 = tpu.bitcast %parallel_loop3A_769 : vector<16xi32> -> vector<16xf32>
        %parallel_loop3A_771 = tpu.bitcast %parallel_loop3A_766 : vector<16xi32> -> vector<16xf32>
        %parallel_loop3A_772 = arith.index_cast %rem3A_73 : i32 to index
        %parallel_loop3A_773 = arith.index_cast %parallel_loop3A_112 : i32 to index
        %parallel_loop3A_774 = arith.constant 576 : index
        %parallel_loop3A_775 = tpu.vector_load %arg7[%parallel_loop3A_772, %parallel_loop3A_773, %parallel_loop3A_774] {strides = array<i32>} : memref<2x16x1024xf32, #tpu.memory_space<vmem>>, vector<16xf32>,
        tpu.vector_store %arg7[%parallel_loop3A_772, %parallel_loop3A_773, %parallel_loop3A_774], %parallel_loop3A_770 {strides = array<i32>} : memref<2x16x1024xf32, #tpu.memory_space<vmem>>, vector<16xf32>,
        %parallel_loop3A_776 = arith.index_cast %rem3A_73 : i32 to index
        %parallel_loop3A_777 = arith.index_cast %parallel_loop3A_112 : i32 to index
        %parallel_loop3A_778 = arith.constant 592 : index
        %parallel_loop3A_779 = tpu.vector_load %arg7[%parallel_loop3A_776, %parallel_loop3A_777, %parallel_loop3A_778] {strides = array<i32>} : memref<2x16x1024xf32, #tpu.memory_space<vmem>>, vector<16xf32>,
        tpu.vector_store %arg7[%parallel_loop3A_776, %parallel_loop3A_777, %parallel_loop3A_778], %parallel_loop3A_771 {strides = array<i32>} : memref<2x16x1024xf32, #tpu.memory_space<vmem>>, vector<16xf32>,
        %parallel_loop3A_780 = arith.index_cast %rem3A_73 : i32 to index
        %parallel_loop3A_781 = arith.index_cast %parallel_loop3A_114 : i32 to index
        %parallel_loop3A_782 = arith.constant 304 : index
        %parallel_loop3A_783 = tpu.vector_load %arg6[%parallel_loop3A_780, %parallel_loop3A_781, %parallel_loop3A_782] {strides = array<i32>} : memref<2x48x512xi32, #tpu.memory_space<vmem>>, vector<16xi32>,
        %parallel_loop3A_784 = vector.bitcast %parallel_loop3A_783 : vector<16xi32> to vector<32xbf16>
        %parallel_loop3A_785 = arith.constant 1 : i32
        %parallel_loop3A_786 = arith.addi %parallel_loop3A_114, %parallel_loop3A_785 : i32
        %parallel_loop3A_787 = arith.index_cast %rem3A_73 : i32 to index
        %parallel_loop3A_788 = arith.index_cast %parallel_loop3A_786 : i32 to index
        %parallel_loop3A_789 = arith.constant 304 : index
        %parallel_loop3A_790 = tpu.vector_load %arg6[%parallel_loop3A_787, %parallel_loop3A_788, %parallel_loop3A_789] {strides = array<i32>} : memref<2x48x512xi32, #tpu.memory_space<vmem>>, vector<16xi32>,
        %parallel_loop3A_791 = vector.bitcast %parallel_loop3A_790 : vector<16xi32> to vector<32xbf16>
        %parallel_loop3A_792 = arith.constant 2 : i32
        %parallel_loop3A_793 = arith.addi %parallel_loop3A_114, %parallel_loop3A_792 : i32
        %parallel_loop3A_794 = arith.index_cast %rem3A_73 : i32 to index
        %parallel_loop3A_795 = arith.index_cast %parallel_loop3A_793 : i32 to index
        %parallel_loop3A_796 = arith.constant 304 : index
        %parallel_loop3A_797 = tpu.vector_load %arg6[%parallel_loop3A_794, %parallel_loop3A_795, %parallel_loop3A_796] {strides = array<i32>} : memref<2x48x512xi32, #tpu.memory_space<vmem>>, vector<16xi32>,
        %parallel_loop3A_798 = vector.bitcast %parallel_loop3A_797 : vector<16xi32> to vector<32xbf16>
        %parallel_loop3A_799 = arith.addf %parallel_loop3A_784, %parallel_loop3A_791 : vector<32xbf16>
        %parallel_loop3A_800 = arith.addf %parallel_loop3A_799, %parallel_loop3A_798 : vector<32xbf16>
        %parallel_loop3A_801 = vector.bitcast %parallel_loop3A_800 : vector<32xbf16> to vector<16xi32>
        %parallel_loop3A_802 = arith.constant 16 : i32
        %parallel_loop3A_803 = vector.broadcast %parallel_loop3A_802 : i32 to vector<16xi32>
        %parallel_loop3A_804 = arith.shli %parallel_loop3A_801, %parallel_loop3A_803 : vector<16xi32>
        %parallel_loop3A_805 = tpu.bitcast %parallel_loop3A_804 : vector<16xi32> -> vector<16xf32>
        %parallel_loop3A_806 = tpu.bitcast %parallel_loop3A_801 : vector<16xi32> -> vector<16xf32>
        %parallel_loop3A_807 = arith.index_cast %rem3A_73 : i32 to index
        %parallel_loop3A_808 = arith.index_cast %parallel_loop3A_112 : i32 to index
        %parallel_loop3A_809 = arith.constant 608 : index
        %parallel_loop3A_810 = tpu.vector_load %arg7[%parallel_loop3A_807, %parallel_loop3A_808, %parallel_loop3A_809] {strides = array<i32>} : memref<2x16x1024xf32, #tpu.memory_space<vmem>>, vector<16xf32>,
        tpu.vector_store %arg7[%parallel_loop3A_807, %parallel_loop3A_808, %parallel_loop3A_809], %parallel_loop3A_805 {strides = array<i32>} : memref<2x16x1024xf32, #tpu.memory_space<vmem>>, vector<16xf32>,
        %parallel_loop3A_811 = arith.index_cast %rem3A_73 : i32 to index
        %parallel_loop3A_812 = arith.index_cast %parallel_loop3A_112 : i32 to index
        %parallel_loop3A_813 = arith.constant 624 : index
        %parallel_loop3A_814 = tpu.vector_load %arg7[%parallel_loop3A_811, %parallel_loop3A_812, %parallel_loop3A_813] {strides = array<i32>} : memref<2x16x1024xf32, #tpu.memory_space<vmem>>, vector<16xf32>,
        tpu.vector_store %arg7[%parallel_loop3A_811, %parallel_loop3A_812, %parallel_loop3A_813], %parallel_loop3A_806 {strides = array<i32>} : memref<2x16x1024xf32, #tpu.memory_space<vmem>>, vector<16xf32>,
        %parallel_loop3A_815 = arith.index_cast %rem3A_73 : i32 to index
        %parallel_loop3A_816 = arith.index_cast %parallel_loop3A_114 : i32 to index
        %parallel_loop3A_817 = arith.constant 320 : index
        %parallel_loop3A_818 = tpu.vector_load %arg6[%parallel_loop3A_815, %parallel_loop3A_816, %parallel_loop3A_817] {strides = array<i32>} : memref<2x48x512xi32, #tpu.memory_space<vmem>>, vector<16xi32>,
        %parallel_loop3A_819 = vector.bitcast %parallel_loop3A_818 : vector<16xi32> to vector<32xbf16>
        %parallel_loop3A_820 = arith.constant 1 : i32
        %parallel_loop3A_821 = arith.addi %parallel_loop3A_114, %parallel_loop3A_820 : i32
        %parallel_loop3A_822 = arith.index_cast %rem3A_73 : i32 to index
        %parallel_loop3A_823 = arith.index_cast %parallel_loop3A_821 : i32 to index
        %parallel_loop3A_824 = arith.constant 320 : index
        %parallel_loop3A_825 = tpu.vector_load %arg6[%parallel_loop3A_822, %parallel_loop3A_823, %parallel_loop3A_824] {strides = array<i32>} : memref<2x48x512xi32, #tpu.memory_space<vmem>>, vector<16xi32>,
        %parallel_loop3A_826 = vector.bitcast %parallel_loop3A_825 : vector<16xi32> to vector<32xbf16>
        %parallel_loop3A_827 = arith.constant 2 : i32
        %parallel_loop3A_828 = arith.addi %parallel_loop3A_114, %parallel_loop3A_827 : i32
        %parallel_loop3A_829 = arith.index_cast %rem3A_73 : i32 to index
        %parallel_loop3A_830 = arith.index_cast %parallel_loop3A_828 : i32 to index
        %parallel_loop3A_831 = arith.constant 320 : index
        %parallel_loop3A_832 = tpu.vector_load %arg6[%parallel_loop3A_829, %parallel_loop3A_830, %parallel_loop3A_831] {strides = array<i32>} : memref<2x48x512xi32, #tpu.memory_space<vmem>>, vector<16xi32>,
        %parallel_loop3A_833 = vector.bitcast %parallel_loop3A_832 : vector<16xi32> to vector<32xbf16>
        %parallel_loop3A_834 = arith.addf %parallel_loop3A_819, %parallel_loop3A_826 : vector<32xbf16>
        %parallel_loop3A_835 = arith.addf %parallel_loop3A_834, %parallel_loop3A_833 : vector<32xbf16>
        %parallel_loop3A_836 = vector.bitcast %parallel_loop3A_835 : vector<32xbf16> to vector<16xi32>
        %parallel_loop3A_837 = arith.constant 16 : i32
        %parallel_loop3A_838 = vector.broadcast %parallel_loop3A_837 : i32 to vector<16xi32>
        %parallel_loop3A_839 = arith.shli %parallel_loop3A_836, %parallel_loop3A_838 : vector<16xi32>
        %parallel_loop3A_840 = tpu.bitcast %parallel_loop3A_839 : vector<16xi32> -> vector<16xf32>
        %parallel_loop3A_841 = tpu.bitcast %parallel_loop3A_836 : vector<16xi32> -> vector<16xf32>
        %parallel_loop3A_842 = arith.index_cast %rem3A_73 : i32 to index
        %parallel_loop3A_843 = arith.index_cast %parallel_loop3A_112 : i32 to index
        %parallel_loop3A_844 = arith.constant 640 : index
        %parallel_loop3A_845 = tpu.vector_load %arg7[%parallel_loop3A_842, %parallel_loop3A_843, %parallel_loop3A_844] {strides = array<i32>} : memref<2x16x1024xf32, #tpu.memory_space<vmem>>, vector<16xf32>,
        tpu.vector_store %arg7[%parallel_loop3A_842, %parallel_loop3A_843, %parallel_loop3A_844], %parallel_loop3A_840 {strides = array<i32>} : memref<2x16x1024xf32, #tpu.memory_space<vmem>>, vector<16xf32>,
        %parallel_loop3A_846 = arith.index_cast %rem3A_73 : i32 to index
        %parallel_loop3A_847 = arith.index_cast %parallel_loop3A_112 : i32 to index
        %parallel_loop3A_848 = arith.constant 656 : index
        %parallel_loop3A_849 = tpu.vector_load %arg7[%parallel_loop3A_846, %parallel_loop3A_847, %parallel_loop3A_848] {strides = array<i32>} : memref<2x16x1024xf32, #tpu.memory_space<vmem>>, vector<16xf32>,
        tpu.vector_store %arg7[%parallel_loop3A_846, %parallel_loop3A_847, %parallel_loop3A_848], %parallel_loop3A_841 {strides = array<i32>} : memref<2x16x1024xf32, #tpu.memory_space<vmem>>, vector<16xf32>,
        %parallel_loop3A_850 = arith.index_cast %rem3A_73 : i32 to index
        %parallel_loop3A_851 = arith.index_cast %parallel_loop3A_114 : i32 to index
        %parallel_loop3A_852 = arith.constant 336 : index
        %parallel_loop3A_853 = tpu.vector_load %arg6[%parallel_loop3A_850, %parallel_loop3A_851, %parallel_loop3A_852] {strides = array<i32>} : memref<2x48x512xi32, #tpu.memory_space<vmem>>, vector<16xi32>,
        %parallel_loop3A_854 = vector.bitcast %parallel_loop3A_853 : vector<16xi32> to vector<32xbf16>
        %parallel_loop3A_855 = arith.constant 1 : i32
        %parallel_loop3A_856 = arith.addi %parallel_loop3A_114, %parallel_loop3A_855 : i32
        %parallel_loop3A_857 = arith.index_cast %rem3A_73 : i32 to index
        %parallel_loop3A_858 = arith.index_cast %parallel_loop3A_856 : i32 to index
        %parallel_loop3A_859 = arith.constant 336 : index
        %parallel_loop3A_860 = tpu.vector_load %arg6[%parallel_loop3A_857, %parallel_loop3A_858, %parallel_loop3A_859] {strides = array<i32>} : memref<2x48x512xi32, #tpu.memory_space<vmem>>, vector<16xi32>,
        %parallel_loop3A_861 = vector.bitcast %parallel_loop3A_860 : vector<16xi32> to vector<32xbf16>
        %parallel_loop3A_862 = arith.constant 2 : i32
        %parallel_loop3A_863 = arith.addi %parallel_loop3A_114, %parallel_loop3A_862 : i32
        %parallel_loop3A_864 = arith.index_cast %rem3A_73 : i32 to index
        %parallel_loop3A_865 = arith.index_cast %parallel_loop3A_863 : i32 to index
        %parallel_loop3A_866 = arith.constant 336 : index
        %parallel_loop3A_867 = tpu.vector_load %arg6[%parallel_loop3A_864, %parallel_loop3A_865, %parallel_loop3A_866] {strides = array<i32>} : memref<2x48x512xi32, #tpu.memory_space<vmem>>, vector<16xi32>,
        %parallel_loop3A_868 = vector.bitcast %parallel_loop3A_867 : vector<16xi32> to vector<32xbf16>
        %parallel_loop3A_869 = arith.addf %parallel_loop3A_854, %parallel_loop3A_861 : vector<32xbf16>
        %parallel_loop3A_870 = arith.addf %parallel_loop3A_869, %parallel_loop3A_868 : vector<32xbf16>
        %parallel_loop3A_871 = vector.bitcast %parallel_loop3A_870 : vector<32xbf16> to vector<16xi32>
        %parallel_loop3A_872 = arith.constant 16 : i32
        %parallel_loop3A_873 = vector.broadcast %parallel_loop3A_872 : i32 to vector<16xi32>
        %parallel_loop3A_874 = arith.shli %parallel_loop3A_871, %parallel_loop3A_873 : vector<16xi32>
        %parallel_loop3A_875 = tpu.bitcast %parallel_loop3A_874 : vector<16xi32> -> vector<16xf32>
        %parallel_loop3A_876 = tpu.bitcast %parallel_loop3A_871 : vector<16xi32> -> vector<16xf32>
        %parallel_loop3A_877 = arith.index_cast %rem3A_73 : i32 to index
        %parallel_loop3A_878 = arith.index_cast %parallel_loop3A_112 : i32 to index
        %parallel_loop3A_879 = arith.constant 672 : index
        %parallel_loop3A_880 = tpu.vector_load %arg7[%parallel_loop3A_877, %parallel_loop3A_878, %parallel_loop3A_879] {strides = array<i32>} : memref<2x16x1024xf32, #tpu.memory_space<vmem>>, vector<16xf32>,
        tpu.vector_store %arg7[%parallel_loop3A_877, %parallel_loop3A_878, %parallel_loop3A_879], %parallel_loop3A_875 {strides = array<i32>} : memref<2x16x1024xf32, #tpu.memory_space<vmem>>, vector<16xf32>,
        %parallel_loop3A_881 = arith.index_cast %rem3A_73 : i32 to index
        %parallel_loop3A_882 = arith.index_cast %parallel_loop3A_112 : i32 to index
        %parallel_loop3A_883 = arith.constant 688 : index
        %parallel_loop3A_884 = tpu.vector_load %arg7[%parallel_loop3A_881, %parallel_loop3A_882, %parallel_loop3A_883] {strides = array<i32>} : memref<2x16x1024xf32, #tpu.memory_space<vmem>>, vector<16xf32>,
        tpu.vector_store %arg7[%parallel_loop3A_881, %parallel_loop3A_882, %parallel_loop3A_883], %parallel_loop3A_876 {strides = array<i32>} : memref<2x16x1024xf32, #tpu.memory_space<vmem>>, vector<16xf32>,
        %parallel_loop3A_885 = arith.index_cast %rem3A_73 : i32 to index
        %parallel_loop3A_886 = arith.index_cast %parallel_loop3A_114 : i32 to index
        %parallel_loop3A_887 = arith.constant 352 : index
        %parallel_loop3A_888 = tpu.vector_load %arg6[%parallel_loop3A_885, %parallel_loop3A_886, %parallel_loop3A_887] {strides = array<i32>} : memref<2x48x512xi32, #tpu.memory_space<vmem>>, vector<16xi32>,
        %parallel_loop3A_889 = vector.bitcast %parallel_loop3A_888 : vector<16xi32> to vector<32xbf16>
        %parallel_loop3A_890 = arith.constant 1 : i32
        %parallel_loop3A_891 = arith.addi %parallel_loop3A_114, %parallel_loop3A_890 : i32
        %parallel_loop3A_892 = arith.index_cast %rem3A_73 : i32 to index
        %parallel_loop3A_893 = arith.index_cast %parallel_loop3A_891 : i32 to index
        %parallel_loop3A_894 = arith.constant 352 : index
        %parallel_loop3A_895 = tpu.vector_load %arg6[%parallel_loop3A_892, %parallel_loop3A_893, %parallel_loop3A_894] {strides = array<i32>} : memref<2x48x512xi32, #tpu.memory_space<vmem>>, vector<16xi32>,
        %parallel_loop3A_896 = vector.bitcast %parallel_loop3A_895 : vector<16xi32> to vector<32xbf16>
        %parallel_loop3A_897 = arith.constant 2 : i32
        %parallel_loop3A_898 = arith.addi %parallel_loop3A_114, %parallel_loop3A_897 : i32
        %parallel_loop3A_899 = arith.index_cast %rem3A_73 : i32 to index
        %parallel_loop3A_900 = arith.index_cast %parallel_loop3A_898 : i32 to index
        %parallel_loop3A_901 = arith.constant 352 : index
        %parallel_loop3A_902 = tpu.vector_load %arg6[%parallel_loop3A_899, %parallel_loop3A_900, %parallel_loop3A_901] {strides = array<i32>} : memref<2x48x512xi32, #tpu.memory_space<vmem>>, vector<16xi32>,
        %parallel_loop3A_903 = vector.bitcast %parallel_loop3A_902 : vector<16xi32> to vector<32xbf16>
        %parallel_loop3A_904 = arith.addf %parallel_loop3A_889, %parallel_loop3A_896 : vector<32xbf16>
        %parallel_loop3A_905 = arith.addf %parallel_loop3A_904, %parallel_loop3A_903 : vector<32xbf16>
        %parallel_loop3A_906 = vector.bitcast %parallel_loop3A_905 : vector<32xbf16> to vector<16xi32>
        %parallel_loop3A_907 = arith.constant 16 : i32
        %parallel_loop3A_908 = vector.broadcast %parallel_loop3A_907 : i32 to vector<16xi32>
        %parallel_loop3A_909 = arith.shli %parallel_loop3A_906, %parallel_loop3A_908 : vector<16xi32>
        %parallel_loop3A_910 = tpu.bitcast %parallel_loop3A_909 : vector<16xi32> -> vector<16xf32>
        %parallel_loop3A_911 = tpu.bitcast %parallel_loop3A_906 : vector<16xi32> -> vector<16xf32>
        %parallel_loop3A_912 = arith.index_cast %rem3A_73 : i32 to index
        %parallel_loop3A_913 = arith.index_cast %parallel_loop3A_112 : i32 to index
        %parallel_loop3A_914 = arith.constant 704 : index
        %parallel_loop3A_915 = tpu.vector_load %arg7[%parallel_loop3A_912, %parallel_loop3A_913, %parallel_loop3A_914] {strides = array<i32>} : memref<2x16x1024xf32, #tpu.memory_space<vmem>>, vector<16xf32>,
        tpu.vector_store %arg7[%parallel_loop3A_912, %parallel_loop3A_913, %parallel_loop3A_914], %parallel_loop3A_910 {strides = array<i32>} : memref<2x16x1024xf32, #tpu.memory_space<vmem>>, vector<16xf32>,
        %parallel_loop3A_916 = arith.index_cast %rem3A_73 : i32 to index
        %parallel_loop3A_917 = arith.index_cast %parallel_loop3A_112 : i32 to index
        %parallel_loop3A_918 = arith.constant 720 : index
        %parallel_loop3A_919 = tpu.vector_load %arg7[%parallel_loop3A_916, %parallel_loop3A_917, %parallel_loop3A_918] {strides = array<i32>} : memref<2x16x1024xf32, #tpu.memory_space<vmem>>, vector<16xf32>,
        tpu.vector_store %arg7[%parallel_loop3A_916, %parallel_loop3A_917, %parallel_loop3A_918], %parallel_loop3A_911 {strides = array<i32>} : memref<2x16x1024xf32, #tpu.memory_space<vmem>>, vector<16xf32>,
        %parallel_loop3A_920 = arith.index_cast %rem3A_73 : i32 to index
        %parallel_loop3A_921 = arith.index_cast %parallel_loop3A_114 : i32 to index
        %parallel_loop3A_922 = arith.constant 368 : index
        %parallel_loop3A_923 = tpu.vector_load %arg6[%parallel_loop3A_920, %parallel_loop3A_921, %parallel_loop3A_922] {strides = array<i32>} : memref<2x48x512xi32, #tpu.memory_space<vmem>>, vector<16xi32>,
        %parallel_loop3A_924 = vector.bitcast %parallel_loop3A_923 : vector<16xi32> to vector<32xbf16>
        %parallel_loop3A_925 = arith.constant 1 : i32
        %parallel_loop3A_926 = arith.addi %parallel_loop3A_114, %parallel_loop3A_925 : i32
        %parallel_loop3A_927 = arith.index_cast %rem3A_73 : i32 to index
        %parallel_loop3A_928 = arith.index_cast %parallel_loop3A_926 : i32 to index
        %parallel_loop3A_929 = arith.constant 368 : index
        %parallel_loop3A_930 = tpu.vector_load %arg6[%parallel_loop3A_927, %parallel_loop3A_928, %parallel_loop3A_929] {strides = array<i32>} : memref<2x48x512xi32, #tpu.memory_space<vmem>>, vector<16xi32>,
        %parallel_loop3A_931 = vector.bitcast %parallel_loop3A_930 : vector<16xi32> to vector<32xbf16>
        %parallel_loop3A_932 = arith.constant 2 : i32
        %parallel_loop3A_933 = arith.addi %parallel_loop3A_114, %parallel_loop3A_932 : i32
        %parallel_loop3A_934 = arith.index_cast %rem3A_73 : i32 to index
        %parallel_loop3A_935 = arith.index_cast %parallel_loop3A_933 : i32 to index
        %parallel_loop3A_936 = arith.constant 368 : index
        %parallel_loop3A_937 = tpu.vector_load %arg6[%parallel_loop3A_934, %parallel_loop3A_935, %parallel_loop3A_936] {strides = array<i32>} : memref<2x48x512xi32, #tpu.memory_space<vmem>>, vector<16xi32>,
        %parallel_loop3A_938 = vector.bitcast %parallel_loop3A_937 : vector<16xi32> to vector<32xbf16>
        %parallel_loop3A_939 = arith.addf %parallel_loop3A_924, %parallel_loop3A_931 : vector<32xbf16>
        %parallel_loop3A_940 = arith.addf %parallel_loop3A_939, %parallel_loop3A_938 : vector<32xbf16>
        %parallel_loop3A_941 = vector.bitcast %parallel_loop3A_940 : vector<32xbf16> to vector<16xi32>
        %parallel_loop3A_942 = arith.constant 16 : i32
        %parallel_loop3A_943 = vector.broadcast %parallel_loop3A_942 : i32 to vector<16xi32>
        %parallel_loop3A_944 = arith.shli %parallel_loop3A_941, %parallel_loop3A_943 : vector<16xi32>
        %parallel_loop3A_945 = tpu.bitcast %parallel_loop3A_944 : vector<16xi32> -> vector<16xf32>
        %parallel_loop3A_946 = tpu.bitcast %parallel_loop3A_941 : vector<16xi32> -> vector<16xf32>
        %parallel_loop3A_947 = arith.index_cast %rem3A_73 : i32 to index
        %parallel_loop3A_948 = arith.index_cast %parallel_loop3A_112 : i32 to index
        %parallel_loop3A_949 = arith.constant 736 : index
        %parallel_loop3A_950 = tpu.vector_load %arg7[%parallel_loop3A_947, %parallel_loop3A_948, %parallel_loop3A_949] {strides = array<i32>} : memref<2x16x1024xf32, #tpu.memory_space<vmem>>, vector<16xf32>,
        tpu.vector_store %arg7[%parallel_loop3A_947, %parallel_loop3A_948, %parallel_loop3A_949], %parallel_loop3A_945 {strides = array<i32>} : memref<2x16x1024xf32, #tpu.memory_space<vmem>>, vector<16xf32>,
        %parallel_loop3A_951 = arith.index_cast %rem3A_73 : i32 to index
        %parallel_loop3A_952 = arith.index_cast %parallel_loop3A_112 : i32 to index
        %parallel_loop3A_953 = arith.constant 752 : index
        %parallel_loop3A_954 = tpu.vector_load %arg7[%parallel_loop3A_951, %parallel_loop3A_952, %parallel_loop3A_953] {strides = array<i32>} : memref<2x16x1024xf32, #tpu.memory_space<vmem>>, vector<16xf32>,
        tpu.vector_store %arg7[%parallel_loop3A_951, %parallel_loop3A_952, %parallel_loop3A_953], %parallel_loop3A_946 {strides = array<i32>} : memref<2x16x1024xf32, #tpu.memory_space<vmem>>, vector<16xf32>,
        %parallel_loop3A_955 = arith.index_cast %rem3A_73 : i32 to index
        %parallel_loop3A_956 = arith.index_cast %parallel_loop3A_114 : i32 to index
        %parallel_loop3A_957 = arith.constant 384 : index
        %parallel_loop3A_958 = tpu.vector_load %arg6[%parallel_loop3A_955, %parallel_loop3A_956, %parallel_loop3A_957] {strides = array<i32>} : memref<2x48x512xi32, #tpu.memory_space<vmem>>, vector<16xi32>,
        %parallel_loop3A_959 = vector.bitcast %parallel_loop3A_958 : vector<16xi32> to vector<32xbf16>
        %parallel_loop3A_960 = arith.constant 1 : i32
        %parallel_loop3A_961 = arith.addi %parallel_loop3A_114, %parallel_loop3A_960 : i32
        %parallel_loop3A_962 = arith.index_cast %rem3A_73 : i32 to index
        %parallel_loop3A_963 = arith.index_cast %parallel_loop3A_961 : i32 to index
        %parallel_loop3A_964 = arith.constant 384 : index
        %parallel_loop3A_965 = tpu.vector_load %arg6[%parallel_loop3A_962, %parallel_loop3A_963, %parallel_loop3A_964] {strides = array<i32>} : memref<2x48x512xi32, #tpu.memory_space<vmem>>, vector<16xi32>,
        %parallel_loop3A_966 = vector.bitcast %parallel_loop3A_965 : vector<16xi32> to vector<32xbf16>
        %parallel_loop3A_967 = arith.constant 2 : i32
        %parallel_loop3A_968 = arith.addi %parallel_loop3A_114, %parallel_loop3A_967 : i32
        %parallel_loop3A_969 = arith.index_cast %rem3A_73 : i32 to index
        %parallel_loop3A_970 = arith.index_cast %parallel_loop3A_968 : i32 to index
        %parallel_loop3A_971 = arith.constant 384 : index
        %parallel_loop3A_972 = tpu.vector_load %arg6[%parallel_loop3A_969, %parallel_loop3A_970, %parallel_loop3A_971] {strides = array<i32>} : memref<2x48x512xi32, #tpu.memory_space<vmem>>, vector<16xi32>,
        %parallel_loop3A_973 = vector.bitcast %parallel_loop3A_972 : vector<16xi32> to vector<32xbf16>
        %parallel_loop3A_974 = arith.addf %parallel_loop3A_959, %parallel_loop3A_966 : vector<32xbf16>
        %parallel_loop3A_975 = arith.addf %parallel_loop3A_974, %parallel_loop3A_973 : vector<32xbf16>
        %parallel_loop3A_976 = vector.bitcast %parallel_loop3A_975 : vector<32xbf16> to vector<16xi32>
        %parallel_loop3A_977 = arith.constant 16 : i32
        %parallel_loop3A_978 = vector.broadcast %parallel_loop3A_977 : i32 to vector<16xi32>
        %parallel_loop3A_979 = arith.shli %parallel_loop3A_976, %parallel_loop3A_978 : vector<16xi32>
        %parallel_loop3A_980 = tpu.bitcast %parallel_loop3A_979 : vector<16xi32> -> vector<16xf32>
        %parallel_loop3A_981 = tpu.bitcast %parallel_loop3A_976 : vector<16xi32> -> vector<16xf32>
        %parallel_loop3A_982 = arith.index_cast %rem3A_73 : i32 to index
        %parallel_loop3A_983 = arith.index_cast %parallel_loop3A_112 : i32 to index
        %parallel_loop3A_984 = arith.constant 768 : index
        %parallel_loop3A_985 = tpu.vector_load %arg7[%parallel_loop3A_982, %parallel_loop3A_983, %parallel_loop3A_984] {strides = array<i32>} : memref<2x16x1024xf32, #tpu.memory_space<vmem>>, vector<16xf32>,
        tpu.vector_store %arg7[%parallel_loop3A_982, %parallel_loop3A_983, %parallel_loop3A_984], %parallel_loop3A_980 {strides = array<i32>} : memref<2x16x1024xf32, #tpu.memory_space<vmem>>, vector<16xf32>,
        %parallel_loop3A_986 = arith.index_cast %rem3A_73 : i32 to index
        %parallel_loop3A_987 = arith.index_cast %parallel_loop3A_112 : i32 to index
        %parallel_loop3A_988 = arith.constant 784 : index
        %parallel_loop3A_989 = tpu.vector_load %arg7[%parallel_loop3A_986, %parallel_loop3A_987, %parallel_loop3A_988] {strides = array<i32>} : memref<2x16x1024xf32, #tpu.memory_space<vmem>>, vector<16xf32>,
        tpu.vector_store %arg7[%parallel_loop3A_986, %parallel_loop3A_987, %parallel_loop3A_988], %parallel_loop3A_981 {strides = array<i32>} : memref<2x16x1024xf32, #tpu.memory_space<vmem>>, vector<16xf32>,
        %parallel_loop3A_990 = arith.index_cast %rem3A_73 : i32 to index
        %parallel_loop3A_991 = arith.index_cast %parallel_loop3A_114 : i32 to index
        %parallel_loop3A_992 = arith.constant 400 : index
        %parallel_loop3A_993 = tpu.vector_load %arg6[%parallel_loop3A_990, %parallel_loop3A_991, %parallel_loop3A_992] {strides = array<i32>} : memref<2x48x512xi32, #tpu.memory_space<vmem>>, vector<16xi32>,
        %parallel_loop3A_994 = vector.bitcast %parallel_loop3A_993 : vector<16xi32> to vector<32xbf16>
        %parallel_loop3A_995 = arith.constant 1 : i32
        %parallel_loop3A_996 = arith.addi %parallel_loop3A_114, %parallel_loop3A_995 : i32
        %parallel_loop3A_997 = arith.index_cast %rem3A_73 : i32 to index
        %parallel_loop3A_998 = arith.index_cast %parallel_loop3A_996 : i32 to index
        %parallel_loop3A_999 = arith.constant 400 : index
        %parallel_loop3A_1000 = tpu.vector_load %arg6[%parallel_loop3A_997, %parallel_loop3A_998, %parallel_loop3A_999] {strides = array<i32>} : memref<2x48x512xi32, #tpu.memory_space<vmem>>, vector<16xi32>,
        %parallel_loop3A_1001 = vector.bitcast %parallel_loop3A_1000 : vector<16xi32> to vector<32xbf16>
        %parallel_loop3A_1002 = arith.constant 2 : i32
        %parallel_loop3A_1003 = arith.addi %parallel_loop3A_114, %parallel_loop3A_1002 : i32
        %parallel_loop3A_1004 = arith.index_cast %rem3A_73 : i32 to index
        %parallel_loop3A_1005 = arith.index_cast %parallel_loop3A_1003 : i32 to index
        %parallel_loop3A_1006 = arith.constant 400 : index
        %parallel_loop3A_1007 = tpu.vector_load %arg6[%parallel_loop3A_1004, %parallel_loop3A_1005, %parallel_loop3A_1006] {strides = array<i32>} : memref<2x48x512xi32, #tpu.memory_space<vmem>>, vector<16xi32>,
        %parallel_loop3A_1008 = vector.bitcast %parallel_loop3A_1007 : vector<16xi32> to vector<32xbf16>
        %parallel_loop3A_1009 = arith.addf %parallel_loop3A_994, %parallel_loop3A_1001 : vector<32xbf16>
        %parallel_loop3A_1010 = arith.addf %parallel_loop3A_1009, %parallel_loop3A_1008 : vector<32xbf16>
        %parallel_loop3A_1011 = vector.bitcast %parallel_loop3A_1010 : vector<32xbf16> to vector<16xi32>
        %parallel_loop3A_1012 = arith.constant 16 : i32
        %parallel_loop3A_1013 = vector.broadcast %parallel_loop3A_1012 : i32 to vector<16xi32>
        %parallel_loop3A_1014 = arith.shli %parallel_loop3A_1011, %parallel_loop3A_1013 : vector<16xi32>
        %parallel_loop3A_1015 = tpu.bitcast %parallel_loop3A_1014 : vector<16xi32> -> vector<16xf32>
        %parallel_loop3A_1016 = tpu.bitcast %parallel_loop3A_1011 : vector<16xi32> -> vector<16xf32>
        %parallel_loop3A_1017 = arith.index_cast %rem3A_73 : i32 to index
        %parallel_loop3A_1018 = arith.index_cast %parallel_loop3A_112 : i32 to index
        %parallel_loop3A_1019 = arith.constant 800 : index
        %parallel_loop3A_1020 = tpu.vector_load %arg7[%parallel_loop3A_1017, %parallel_loop3A_1018, %parallel_loop3A_1019] {strides = array<i32>} : memref<2x16x1024xf32, #tpu.memory_space<vmem>>, vector<16xf32>,
        tpu.vector_store %arg7[%parallel_loop3A_1017, %parallel_loop3A_1018, %parallel_loop3A_1019], %parallel_loop3A_1015 {strides = array<i32>} : memref<2x16x1024xf32, #tpu.memory_space<vmem>>, vector<16xf32>,
        %parallel_loop3A_1021 = arith.index_cast %rem3A_73 : i32 to index
        %parallel_loop3A_1022 = arith.index_cast %parallel_loop3A_112 : i32 to index
        %parallel_loop3A_1023 = arith.constant 816 : index
        %parallel_loop3A_1024 = tpu.vector_load %arg7[%parallel_loop3A_1021, %parallel_loop3A_1022, %parallel_loop3A_1023] {strides = array<i32>} : memref<2x16x1024xf32, #tpu.memory_space<vmem>>, vector<16xf32>,
        tpu.vector_store %arg7[%parallel_loop3A_1021, %parallel_loop3A_1022, %parallel_loop3A_1023], %parallel_loop3A_1016 {strides = array<i32>} : memref<2x16x1024xf32, #tpu.memory_space<vmem>>, vector<16xf32>,
        %parallel_loop3A_1025 = arith.index_cast %rem3A_73 : i32 to index
        %parallel_loop3A_1026 = arith.index_cast %parallel_loop3A_114 : i32 to index
        %parallel_loop3A_1027 = arith.constant 416 : index
        %parallel_loop3A_1028 = tpu.vector_load %arg6[%parallel_loop3A_1025, %parallel_loop3A_1026, %parallel_loop3A_1027] {strides = array<i32>} : memref<2x48x512xi32, #tpu.memory_space<vmem>>, vector<16xi32>,
        %parallel_loop3A_1029 = vector.bitcast %parallel_loop3A_1028 : vector<16xi32> to vector<32xbf16>
        %parallel_loop3A_1030 = arith.constant 1 : i32
        %parallel_loop3A_1031 = arith.addi %parallel_loop3A_114, %parallel_loop3A_1030 : i32
        %parallel_loop3A_1032 = arith.index_cast %rem3A_73 : i32 to index
        %parallel_loop3A_1033 = arith.index_cast %parallel_loop3A_1031 : i32 to index
        %parallel_loop3A_1034 = arith.constant 416 : index
        %parallel_loop3A_1035 = tpu.vector_load %arg6[%parallel_loop3A_1032, %parallel_loop3A_1033, %parallel_loop3A_1034] {strides = array<i32>} : memref<2x48x512xi32, #tpu.memory_space<vmem>>, vector<16xi32>,
        %parallel_loop3A_1036 = vector.bitcast %parallel_loop3A_1035 : vector<16xi32> to vector<32xbf16>
        %parallel_loop3A_1037 = arith.constant 2 : i32
        %parallel_loop3A_1038 = arith.addi %parallel_loop3A_114, %parallel_loop3A_1037 : i32
        %parallel_loop3A_1039 = arith.index_cast %rem3A_73 : i32 to index
        %parallel_loop3A_1040 = arith.index_cast %parallel_loop3A_1038 : i32 to index
        %parallel_loop3A_1041 = arith.constant 416 : index
        %parallel_loop3A_1042 = tpu.vector_load %arg6[%parallel_loop3A_1039, %parallel_loop3A_1040, %parallel_loop3A_1041] {strides = array<i32>} : memref<2x48x512xi32, #tpu.memory_space<vmem>>, vector<16xi32>,
        %parallel_loop3A_1043 = vector.bitcast %parallel_loop3A_1042 : vector<16xi32> to vector<32xbf16>
        %parallel_loop3A_1044 = arith.addf %parallel_loop3A_1029, %parallel_loop3A_1036 : vector<32xbf16>
        %parallel_loop3A_1045 = arith.addf %parallel_loop3A_1044, %parallel_loop3A_1043 : vector<32xbf16>
        %parallel_loop3A_1046 = vector.bitcast %parallel_loop3A_1045 : vector<32xbf16> to vector<16xi32>
        %parallel_loop3A_1047 = arith.constant 16 : i32
        %parallel_loop3A_1048 = vector.broadcast %parallel_loop3A_1047 : i32 to vector<16xi32>
        %parallel_loop3A_1049 = arith.shli %parallel_loop3A_1046, %parallel_loop3A_1048 : vector<16xi32>
        %parallel_loop3A_1050 = tpu.bitcast %parallel_loop3A_1049 : vector<16xi32> -> vector<16xf32>
        %parallel_loop3A_1051 = tpu.bitcast %parallel_loop3A_1046 : vector<16xi32> -> vector<16xf32>
        %parallel_loop3A_1052 = arith.index_cast %rem3A_73 : i32 to index
        %parallel_loop3A_1053 = arith.index_cast %parallel_loop3A_112 : i32 to index
        %parallel_loop3A_1054 = arith.constant 832 : index
        %parallel_loop3A_1055 = tpu.vector_load %arg7[%parallel_loop3A_1052, %parallel_loop3A_1053, %parallel_loop3A_1054] {strides = array<i32>} : memref<2x16x1024xf32, #tpu.memory_space<vmem>>, vector<16xf32>,
        tpu.vector_store %arg7[%parallel_loop3A_1052, %parallel_loop3A_1053, %parallel_loop3A_1054], %parallel_loop3A_1050 {strides = array<i32>} : memref<2x16x1024xf32, #tpu.memory_space<vmem>>, vector<16xf32>,
        %parallel_loop3A_1056 = arith.index_cast %rem3A_73 : i32 to index
        %parallel_loop3A_1057 = arith.index_cast %parallel_loop3A_112 : i32 to index
        %parallel_loop3A_1058 = arith.constant 848 : index
        %parallel_loop3A_1059 = tpu.vector_load %arg7[%parallel_loop3A_1056, %parallel_loop3A_1057, %parallel_loop3A_1058] {strides = array<i32>} : memref<2x16x1024xf32, #tpu.memory_space<vmem>>, vector<16xf32>,
        tpu.vector_store %arg7[%parallel_loop3A_1056, %parallel_loop3A_1057, %parallel_loop3A_1058], %parallel_loop3A_1051 {strides = array<i32>} : memref<2x16x1024xf32, #tpu.memory_space<vmem>>, vector<16xf32>,
        %parallel_loop3A_1060 = arith.index_cast %rem3A_73 : i32 to index
        %parallel_loop3A_1061 = arith.index_cast %parallel_loop3A_114 : i32 to index
        %parallel_loop3A_1062 = arith.constant 432 : index
        %parallel_loop3A_1063 = tpu.vector_load %arg6[%parallel_loop3A_1060, %parallel_loop3A_1061, %parallel_loop3A_1062] {strides = array<i32>} : memref<2x48x512xi32, #tpu.memory_space<vmem>>, vector<16xi32>,
        %parallel_loop3A_1064 = vector.bitcast %parallel_loop3A_1063 : vector<16xi32> to vector<32xbf16>
        %parallel_loop3A_1065 = arith.constant 1 : i32
        %parallel_loop3A_1066 = arith.addi %parallel_loop3A_114, %parallel_loop3A_1065 : i32
        %parallel_loop3A_1067 = arith.index_cast %rem3A_73 : i32 to index
        %parallel_loop3A_1068 = arith.index_cast %parallel_loop3A_1066 : i32 to index
        %parallel_loop3A_1069 = arith.constant 432 : index
        %parallel_loop3A_1070 = tpu.vector_load %arg6[%parallel_loop3A_1067, %parallel_loop3A_1068, %parallel_loop3A_1069] {strides = array<i32>} : memref<2x48x512xi32, #tpu.memory_space<vmem>>, vector<16xi32>,
        %parallel_loop3A_1071 = vector.bitcast %parallel_loop3A_1070 : vector<16xi32> to vector<32xbf16>
        %parallel_loop3A_1072 = arith.constant 2 : i32
        %parallel_loop3A_1073 = arith.addi %parallel_loop3A_114, %parallel_loop3A_1072 : i32
        %parallel_loop3A_1074 = arith.index_cast %rem3A_73 : i32 to index
        %parallel_loop3A_1075 = arith.index_cast %parallel_loop3A_1073 : i32 to index
        %parallel_loop3A_1076 = arith.constant 432 : index
        %parallel_loop3A_1077 = tpu.vector_load %arg6[%parallel_loop3A_1074, %parallel_loop3A_1075, %parallel_loop3A_1076] {strides = array<i32>} : memref<2x48x512xi32, #tpu.memory_space<vmem>>, vector<16xi32>,
        %parallel_loop3A_1078 = vector.bitcast %parallel_loop3A_1077 : vector<16xi32> to vector<32xbf16>
        %parallel_loop3A_1079 = arith.addf %parallel_loop3A_1064, %parallel_loop3A_1071 : vector<32xbf16>
        %parallel_loop3A_1080 = arith.addf %parallel_loop3A_1079, %parallel_loop3A_1078 : vector<32xbf16>
        %parallel_loop3A_1081 = vector.bitcast %parallel_loop3A_1080 : vector<32xbf16> to vector<16xi32>
        %parallel_loop3A_1082 = arith.constant 16 : i32
        %parallel_loop3A_1083 = vector.broadcast %parallel_loop3A_1082 : i32 to vector<16xi32>
        %parallel_loop3A_1084 = arith.shli %parallel_loop3A_1081, %parallel_loop3A_1083 : vector<16xi32>
        %parallel_loop3A_1085 = tpu.bitcast %parallel_loop3A_1084 : vector<16xi32> -> vector<16xf32>
        %parallel_loop3A_1086 = tpu.bitcast %parallel_loop3A_1081 : vector<16xi32> -> vector<16xf32>
        %parallel_loop3A_1087 = arith.index_cast %rem3A_73 : i32 to index
        %parallel_loop3A_1088 = arith.index_cast %parallel_loop3A_112 : i32 to index
        %parallel_loop3A_1089 = arith.constant 864 : index
        %parallel_loop3A_1090 = tpu.vector_load %arg7[%parallel_loop3A_1087, %parallel_loop3A_1088, %parallel_loop3A_1089] {strides = array<i32>} : memref<2x16x1024xf32, #tpu.memory_space<vmem>>, vector<16xf32>,
        tpu.vector_store %arg7[%parallel_loop3A_1087, %parallel_loop3A_1088, %parallel_loop3A_1089], %parallel_loop3A_1085 {strides = array<i32>} : memref<2x16x1024xf32, #tpu.memory_space<vmem>>, vector<16xf32>,
        %parallel_loop3A_1091 = arith.index_cast %rem3A_73 : i32 to index
        %parallel_loop3A_1092 = arith.index_cast %parallel_loop3A_112 : i32 to index
        %parallel_loop3A_1093 = arith.constant 880 : index
        %parallel_loop3A_1094 = tpu.vector_load %arg7[%parallel_loop3A_1091, %parallel_loop3A_1092, %parallel_loop3A_1093] {strides = array<i32>} : memref<2x16x1024xf32, #tpu.memory_space<vmem>>, vector<16xf32>,
        tpu.vector_store %arg7[%parallel_loop3A_1091, %parallel_loop3A_1092, %parallel_loop3A_1093], %parallel_loop3A_1086 {strides = array<i32>} : memref<2x16x1024xf32, #tpu.memory_space<vmem>>, vector<16xf32>,
        %parallel_loop3A_1095 = arith.index_cast %rem3A_73 : i32 to index
        %parallel_loop3A_1096 = arith.index_cast %parallel_loop3A_114 : i32 to index
        %parallel_loop3A_1097 = arith.constant 448 : index
        %parallel_loop3A_1098 = tpu.vector_load %arg6[%parallel_loop3A_1095, %parallel_loop3A_1096, %parallel_loop3A_1097] {strides = array<i32>} : memref<2x48x512xi32, #tpu.memory_space<vmem>>, vector<16xi32>,
        %parallel_loop3A_1099 = vector.bitcast %parallel_loop3A_1098 : vector<16xi32> to vector<32xbf16>
        %parallel_loop3A_1100 = arith.constant 1 : i32
        %parallel_loop3A_1101 = arith.addi %parallel_loop3A_114, %parallel_loop3A_1100 : i32
        %parallel_loop3A_1102 = arith.index_cast %rem3A_73 : i32 to index
        %parallel_loop3A_1103 = arith.index_cast %parallel_loop3A_1101 : i32 to index
        %parallel_loop3A_1104 = arith.constant 448 : index
        %parallel_loop3A_1105 = tpu.vector_load %arg6[%parallel_loop3A_1102, %parallel_loop3A_1103, %parallel_loop3A_1104] {strides = array<i32>} : memref<2x48x512xi32, #tpu.memory_space<vmem>>, vector<16xi32>,
        %parallel_loop3A_1106 = vector.bitcast %parallel_loop3A_1105 : vector<16xi32> to vector<32xbf16>
        %parallel_loop3A_1107 = arith.constant 2 : i32
        %parallel_loop3A_1108 = arith.addi %parallel_loop3A_114, %parallel_loop3A_1107 : i32
        %parallel_loop3A_1109 = arith.index_cast %rem3A_73 : i32 to index
        %parallel_loop3A_1110 = arith.index_cast %parallel_loop3A_1108 : i32 to index
        %parallel_loop3A_1111 = arith.constant 448 : index
        %parallel_loop3A_1112 = tpu.vector_load %arg6[%parallel_loop3A_1109, %parallel_loop3A_1110, %parallel_loop3A_1111] {strides = array<i32>} : memref<2x48x512xi32, #tpu.memory_space<vmem>>, vector<16xi32>,
        %parallel_loop3A_1113 = vector.bitcast %parallel_loop3A_1112 : vector<16xi32> to vector<32xbf16>
        %parallel_loop3A_1114 = arith.addf %parallel_loop3A_1099, %parallel_loop3A_1106 : vector<32xbf16>
        %parallel_loop3A_1115 = arith.addf %parallel_loop3A_1114, %parallel_loop3A_1113 : vector<32xbf16>
        %parallel_loop3A_1116 = vector.bitcast %parallel_loop3A_1115 : vector<32xbf16> to vector<16xi32>
        %parallel_loop3A_1117 = arith.constant 16 : i32
        %parallel_loop3A_1118 = vector.broadcast %parallel_loop3A_1117 : i32 to vector<16xi32>
        %parallel_loop3A_1119 = arith.shli %parallel_loop3A_1116, %parallel_loop3A_1118 : vector<16xi32>
        %parallel_loop3A_1120 = tpu.bitcast %parallel_loop3A_1119 : vector<16xi32> -> vector<16xf32>
        %parallel_loop3A_1121 = tpu.bitcast %parallel_loop3A_1116 : vector<16xi32> -> vector<16xf32>
        %parallel_loop3A_1122 = arith.index_cast %rem3A_73 : i32 to index
        %parallel_loop3A_1123 = arith.index_cast %parallel_loop3A_112 : i32 to index
        %parallel_loop3A_1124 = arith.constant 896 : index
        %parallel_loop3A_1125 = tpu.vector_load %arg7[%parallel_loop3A_1122, %parallel_loop3A_1123, %parallel_loop3A_1124] {strides = array<i32>} : memref<2x16x1024xf32, #tpu.memory_space<vmem>>, vector<16xf32>,
        tpu.vector_store %arg7[%parallel_loop3A_1122, %parallel_loop3A_1123, %parallel_loop3A_1124], %parallel_loop3A_1120 {strides = array<i32>} : memref<2x16x1024xf32, #tpu.memory_space<vmem>>, vector<16xf32>,
        %parallel_loop3A_1126 = arith.index_cast %rem3A_73 : i32 to index
        %parallel_loop3A_1127 = arith.index_cast %parallel_loop3A_112 : i32 to index
        %parallel_loop3A_1128 = arith.constant 912 : index
        %parallel_loop3A_1129 = tpu.vector_load %arg7[%parallel_loop3A_1126, %parallel_loop3A_1127, %parallel_loop3A_1128] {strides = array<i32>} : memref<2x16x1024xf32, #tpu.memory_space<vmem>>, vector<16xf32>,
        tpu.vector_store %arg7[%parallel_loop3A_1126, %parallel_loop3A_1127, %parallel_loop3A_1128], %parallel_loop3A_1121 {strides = array<i32>} : memref<2x16x1024xf32, #tpu.memory_space<vmem>>, vector<16xf32>,
        %parallel_loop3A_1130 = arith.index_cast %rem3A_73 : i32 to index
        %parallel_loop3A_1131 = arith.index_cast %parallel_loop3A_114 : i32 to index
        %parallel_loop3A_1132 = arith.constant 464 : index
        %parallel_loop3A_1133 = tpu.vector_load %arg6[%parallel_loop3A_1130, %parallel_loop3A_1131, %parallel_loop3A_1132] {strides = array<i32>} : memref<2x48x512xi32, #tpu.memory_space<vmem>>, vector<16xi32>,
        %parallel_loop3A_1134 = vector.bitcast %parallel_loop3A_1133 : vector<16xi32> to vector<32xbf16>
        %parallel_loop3A_1135 = arith.constant 1 : i32
        %parallel_loop3A_1136 = arith.addi %parallel_loop3A_114, %parallel_loop3A_1135 : i32
        %parallel_loop3A_1137 = arith.index_cast %rem3A_73 : i32 to index
        %parallel_loop3A_1138 = arith.index_cast %parallel_loop3A_1136 : i32 to index
        %parallel_loop3A_1139 = arith.constant 464 : index
        %parallel_loop3A_1140 = tpu.vector_load %arg6[%parallel_loop3A_1137, %parallel_loop3A_1138, %parallel_loop3A_1139] {strides = array<i32>} : memref<2x48x512xi32, #tpu.memory_space<vmem>>, vector<16xi32>,
        %parallel_loop3A_1141 = vector.bitcast %parallel_loop3A_1140 : vector<16xi32> to vector<32xbf16>
        %parallel_loop3A_1142 = arith.constant 2 : i32
        %parallel_loop3A_1143 = arith.addi %parallel_loop3A_114, %parallel_loop3A_1142 : i32
        %parallel_loop3A_1144 = arith.index_cast %rem3A_73 : i32 to index
        %parallel_loop3A_1145 = arith.index_cast %parallel_loop3A_1143 : i32 to index
        %parallel_loop3A_1146 = arith.constant 464 : index
        %parallel_loop3A_1147 = tpu.vector_load %arg6[%parallel_loop3A_1144, %parallel_loop3A_1145, %parallel_loop3A_1146] {strides = array<i32>} : memref<2x48x512xi32, #tpu.memory_space<vmem>>, vector<16xi32>,
        %parallel_loop3A_1148 = vector.bitcast %parallel_loop3A_1147 : vector<16xi32> to vector<32xbf16>
        %parallel_loop3A_1149 = arith.addf %parallel_loop3A_1134, %parallel_loop3A_1141 : vector<32xbf16>
        %parallel_loop3A_1150 = arith.addf %parallel_loop3A_1149, %parallel_loop3A_1148 : vector<32xbf16>
        %parallel_loop3A_1151 = vector.bitcast %parallel_loop3A_1150 : vector<32xbf16> to vector<16xi32>
        %parallel_loop3A_1152 = arith.constant 16 : i32
        %parallel_loop3A_1153 = vector.broadcast %parallel_loop3A_1152 : i32 to vector<16xi32>
        %parallel_loop3A_1154 = arith.shli %parallel_loop3A_1151, %parallel_loop3A_1153 : vector<16xi32>
        %parallel_loop3A_1155 = tpu.bitcast %parallel_loop3A_1154 : vector<16xi32> -> vector<16xf32>
        %parallel_loop3A_1156 = tpu.bitcast %parallel_loop3A_1151 : vector<16xi32> -> vector<16xf32>
        %parallel_loop3A_1157 = arith.index_cast %rem3A_73 : i32 to index
        %parallel_loop3A_1158 = arith.index_cast %parallel_loop3A_112 : i32 to index
        %parallel_loop3A_1159 = arith.constant 928 : index
        %parallel_loop3A_1160 = tpu.vector_load %arg7[%parallel_loop3A_1157, %parallel_loop3A_1158, %parallel_loop3A_1159] {strides = array<i32>} : memref<2x16x1024xf32, #tpu.memory_space<vmem>>, vector<16xf32>,
        tpu.vector_store %arg7[%parallel_loop3A_1157, %parallel_loop3A_1158, %parallel_loop3A_1159], %parallel_loop3A_1155 {strides = array<i32>} : memref<2x16x1024xf32, #tpu.memory_space<vmem>>, vector<16xf32>,
        %parallel_loop3A_1161 = arith.index_cast %rem3A_73 : i32 to index
        %parallel_loop3A_1162 = arith.index_cast %parallel_loop3A_112 : i32 to index
        %parallel_loop3A_1163 = arith.constant 944 : index
        %parallel_loop3A_1164 = tpu.vector_load %arg7[%parallel_loop3A_1161, %parallel_loop3A_1162, %parallel_loop3A_1163] {strides = array<i32>} : memref<2x16x1024xf32, #tpu.memory_space<vmem>>, vector<16xf32>,
        tpu.vector_store %arg7[%parallel_loop3A_1161, %parallel_loop3A_1162, %parallel_loop3A_1163], %parallel_loop3A_1156 {strides = array<i32>} : memref<2x16x1024xf32, #tpu.memory_space<vmem>>, vector<16xf32>,
        %parallel_loop3A_1165 = arith.index_cast %rem3A_73 : i32 to index
        %parallel_loop3A_1166 = arith.index_cast %parallel_loop3A_114 : i32 to index
        %parallel_loop3A_1167 = arith.constant 480 : index
        %parallel_loop3A_1168 = tpu.vector_load %arg6[%parallel_loop3A_1165, %parallel_loop3A_1166, %parallel_loop3A_1167] {strides = array<i32>} : memref<2x48x512xi32, #tpu.memory_space<vmem>>, vector<16xi32>,
        %parallel_loop3A_1169 = vector.bitcast %parallel_loop3A_1168 : vector<16xi32> to vector<32xbf16>
        %parallel_loop3A_1170 = arith.constant 1 : i32
        %parallel_loop3A_1171 = arith.addi %parallel_loop3A_114, %parallel_loop3A_1170 : i32
        %parallel_loop3A_1172 = arith.index_cast %rem3A_73 : i32 to index
        %parallel_loop3A_1173 = arith.index_cast %parallel_loop3A_1171 : i32 to index
        %parallel_loop3A_1174 = arith.constant 480 : index
        %parallel_loop3A_1175 = tpu.vector_load %arg6[%parallel_loop3A_1172, %parallel_loop3A_1173, %parallel_loop3A_1174] {strides = array<i32>} : memref<2x48x512xi32, #tpu.memory_space<vmem>>, vector<16xi32>,
        %parallel_loop3A_1176 = vector.bitcast %parallel_loop3A_1175 : vector<16xi32> to vector<32xbf16>
        %parallel_loop3A_1177 = arith.constant 2 : i32
        %parallel_loop3A_1178 = arith.addi %parallel_loop3A_114, %parallel_loop3A_1177 : i32
        %parallel_loop3A_1179 = arith.index_cast %rem3A_73 : i32 to index
        %parallel_loop3A_1180 = arith.index_cast %parallel_loop3A_1178 : i32 to index
        %parallel_loop3A_1181 = arith.constant 480 : index
        %parallel_loop3A_1182 = tpu.vector_load %arg6[%parallel_loop3A_1179, %parallel_loop3A_1180, %parallel_loop3A_1181] {strides = array<i32>} : memref<2x48x512xi32, #tpu.memory_space<vmem>>, vector<16xi32>,
        %parallel_loop3A_1183 = vector.bitcast %parallel_loop3A_1182 : vector<16xi32> to vector<32xbf16>
        %parallel_loop3A_1184 = arith.addf %parallel_loop3A_1169, %parallel_loop3A_1176 : vector<32xbf16>
        %parallel_loop3A_1185 = arith.addf %parallel_loop3A_1184, %parallel_loop3A_1183 : vector<32xbf16>
        %parallel_loop3A_1186 = vector.bitcast %parallel_loop3A_1185 : vector<32xbf16> to vector<16xi32>
        %parallel_loop3A_1187 = arith.constant 16 : i32
        %parallel_loop3A_1188 = vector.broadcast %parallel_loop3A_1187 : i32 to vector<16xi32>
        %parallel_loop3A_1189 = arith.shli %parallel_loop3A_1186, %parallel_loop3A_1188 : vector<16xi32>
        %parallel_loop3A_1190 = tpu.bitcast %parallel_loop3A_1189 : vector<16xi32> -> vector<16xf32>
        %parallel_loop3A_1191 = tpu.bitcast %parallel_loop3A_1186 : vector<16xi32> -> vector<16xf32>
        %parallel_loop3A_1192 = arith.index_cast %rem3A_73 : i32 to index
        %parallel_loop3A_1193 = arith.index_cast %parallel_loop3A_112 : i32 to index
        %parallel_loop3A_1194 = arith.constant 960 : index
        %parallel_loop3A_1195 = tpu.vector_load %arg7[%parallel_loop3A_1192, %parallel_loop3A_1193, %parallel_loop3A_1194] {strides = array<i32>} : memref<2x16x1024xf32, #tpu.memory_space<vmem>>, vector<16xf32>,
        tpu.vector_store %arg7[%parallel_loop3A_1192, %parallel_loop3A_1193, %parallel_loop3A_1194], %parallel_loop3A_1190 {strides = array<i32>} : memref<2x16x1024xf32, #tpu.memory_space<vmem>>, vector<16xf32>,
        %parallel_loop3A_1196 = arith.index_cast %rem3A_73 : i32 to index
        %parallel_loop3A_1197 = arith.index_cast %parallel_loop3A_112 : i32 to index
        %parallel_loop3A_1198 = arith.constant 976 : index
        %parallel_loop3A_1199 = tpu.vector_load %arg7[%parallel_loop3A_1196, %parallel_loop3A_1197, %parallel_loop3A_1198] {strides = array<i32>} : memref<2x16x1024xf32, #tpu.memory_space<vmem>>, vector<16xf32>,
        tpu.vector_store %arg7[%parallel_loop3A_1196, %parallel_loop3A_1197, %parallel_loop3A_1198], %parallel_loop3A_1191 {strides = array<i32>} : memref<2x16x1024xf32, #tpu.memory_space<vmem>>, vector<16xf32>,
        %parallel_loop3A_1200 = arith.index_cast %rem3A_73 : i32 to index
        %parallel_loop3A_1201 = arith.index_cast %parallel_loop3A_114 : i32 to index
        %parallel_loop3A_1202 = arith.constant 496 : index
        %parallel_loop3A_1203 = tpu.vector_load %arg6[%parallel_loop3A_1200, %parallel_loop3A_1201, %parallel_loop3A_1202] {strides = array<i32>} : memref<2x48x512xi32, #tpu.memory_space<vmem>>, vector<16xi32>,
        %parallel_loop3A_1204 = vector.bitcast %parallel_loop3A_1203 : vector<16xi32> to vector<32xbf16>
        %parallel_loop3A_1205 = arith.constant 1 : i32
        %parallel_loop3A_1206 = arith.addi %parallel_loop3A_114, %parallel_loop3A_1205 : i32
        %parallel_loop3A_1207 = arith.index_cast %rem3A_73 : i32 to index
        %parallel_loop3A_1208 = arith.index_cast %parallel_loop3A_1206 : i32 to index
        %parallel_loop3A_1209 = arith.constant 496 : index
        %parallel_loop3A_1210 = tpu.vector_load %arg6[%parallel_loop3A_1207, %parallel_loop3A_1208, %parallel_loop3A_1209] {strides = array<i32>} : memref<2x48x512xi32, #tpu.memory_space<vmem>>, vector<16xi32>,
        %parallel_loop3A_1211 = vector.bitcast %parallel_loop3A_1210 : vector<16xi32> to vector<32xbf16>
        %parallel_loop3A_1212 = arith.constant 2 : i32
        %parallel_loop3A_1213 = arith.addi %parallel_loop3A_114, %parallel_loop3A_1212 : i32
        %parallel_loop3A_1214 = arith.index_cast %rem3A_73 : i32 to index
        %parallel_loop3A_1215 = arith.index_cast %parallel_loop3A_1213 : i32 to index
        %parallel_loop3A_1216 = arith.constant 496 : index
        %parallel_loop3A_1217 = tpu.vector_load %arg6[%parallel_loop3A_1214, %parallel_loop3A_1215, %parallel_loop3A_1216] {strides = array<i32>} : memref<2x48x512xi32, #tpu.memory_space<vmem>>, vector<16xi32>,
        %parallel_loop3A_1218 = vector.bitcast %parallel_loop3A_1217 : vector<16xi32> to vector<32xbf16>
        %parallel_loop3A_1219 = arith.addf %parallel_loop3A_1204, %parallel_loop3A_1211 : vector<32xbf16>
        %parallel_loop3A_1220 = arith.addf %parallel_loop3A_1219, %parallel_loop3A_1218 : vector<32xbf16>
        %parallel_loop3A_1221 = vector.bitcast %parallel_loop3A_1220 : vector<32xbf16> to vector<16xi32>
        %parallel_loop3A_1222 = arith.constant 16 : i32
        %parallel_loop3A_1223 = vector.broadcast %parallel_loop3A_1222 : i32 to vector<16xi32>
        %parallel_loop3A_1224 = arith.shli %parallel_loop3A_1221, %parallel_loop3A_1223 : vector<16xi32>
        %parallel_loop3A_1225 = tpu.bitcast %parallel_loop3A_1224 : vector<16xi32> -> vector<16xf32>
        %parallel_loop3A_1226 = tpu.bitcast %parallel_loop3A_1221 : vector<16xi32> -> vector<16xf32>
        %parallel_loop3A_1227 = arith.index_cast %rem3A_73 : i32 to index
        %parallel_loop3A_1228 = arith.index_cast %parallel_loop3A_112 : i32 to index
        %parallel_loop3A_1229 = arith.constant 992 : index
        %parallel_loop3A_1230 = tpu.vector_load %arg7[%parallel_loop3A_1227, %parallel_loop3A_1228, %parallel_loop3A_1229] {strides = array<i32>} : memref<2x16x1024xf32, #tpu.memory_space<vmem>>, vector<16xf32>,
        tpu.vector_store %arg7[%parallel_loop3A_1227, %parallel_loop3A_1228, %parallel_loop3A_1229], %parallel_loop3A_1225 {strides = array<i32>} : memref<2x16x1024xf32, #tpu.memory_space<vmem>>, vector<16xf32>,
        %parallel_loop3A_1231 = arith.index_cast %rem3A_73 : i32 to index
        %parallel_loop3A_1232 = arith.index_cast %parallel_loop3A_112 : i32 to index
        %parallel_loop3A_1233 = arith.constant 1008 : index
        %parallel_loop3A_1234 = tpu.vector_load %arg7[%parallel_loop3A_1231, %parallel_loop3A_1232, %parallel_loop3A_1233] {strides = array<i32>} : memref<2x16x1024xf32, #tpu.memory_space<vmem>>, vector<16xf32>,
        tpu.vector_store %arg7[%parallel_loop3A_1231, %parallel_loop3A_1232, %parallel_loop3A_1233], %parallel_loop3A_1226 {strides = array<i32>} : memref<2x16x1024xf32, #tpu.memory_space<vmem>>, vector<16xf32>,
      } {sc.loop_unroll_factor = 2 : i64, sc.parallel_access}
      %mul3A_89 = arith.constant 16 : i32
      %mul3A_90 = arith.muli %scan3A_71, %mul3A_89 : i32
      %add3A_91 = arith.addi %mul3A_2, %mul3A_90 : i32
      %dma_start3A_92 = arith.constant 0 : i32
      %dma_start3A_93 = arith.constant 0 : i32
      %dma_start3A_94 = tpu.memref_slice %arg7[%rem3A_73, %dma_start3A_92, %dma_start3A_93] : memref<2x16x1024xf32, #tpu.memory_space<vmem>> -> memref<1x16x1024xf32, #tpu.memory_space<vmem>>
      %dma_start3A_95 = tpu.memref_squeeze %dma_start3A_94 : memref<1x16x1024xf32, #tpu.memory_space<vmem>> -> memref<16x1024xf32, #tpu.memory_space<vmem>>
      %dma_start3A_96 = arith.constant 0 : i32
      %dma_start3A_97 = tpu.memref_slice %arg4[%add3A_91, %dma_start3A_96] : memref<16384x1024xf32, #tpu.memory_space<hbm>> -> memref<16x1024xf32, #tpu.memory_space<hbm>>
      %dma_start3A_98 = tpu.memref_slice %arg9[%rem3A_73] : memref<2x!tpu.dma_semaphore, #tpu.memory_space<semaphore_mem>> -> memref<1x!tpu.dma_semaphore, #tpu.memory_space<semaphore_mem>>
      %dma_start3A_99 = tpu.memref_squeeze %dma_start3A_98 : memref<1x!tpu.dma_semaphore, #tpu.memory_space<semaphore_mem>> -> memref<!tpu.dma_semaphore, #tpu.memory_space<semaphore_mem>>
      %dma_start3A_100 = arith.constant 0 : i32
      %dma_start3A_101 = tpu.memref_slice %arg4[%add3A_91, %dma_start3A_100] : memref<16384x1024xf32, #tpu.memory_space<hbm>> -> memref<16x1024xf32, #tpu.memory_space<hbm>>
      %dma_start3A_102 = arith.constant 0 : i32
      %dma_start3A_103 = arith.constant 0 : i32
      %dma_start3A_104 = tpu.memref_slice %arg7[%rem3A_73, %dma_start3A_102, %dma_start3A_103] : memref<2x16x1024xf32, #tpu.memory_space<vmem>> -> memref<1x16x1024xf32, #tpu.memory_space<vmem>>
      %dma_start3A_105 = tpu.memref_squeeze %dma_start3A_104 : memref<1x16x1024xf32, #tpu.memory_space<vmem>> -> memref<16x1024xf32, #tpu.memory_space<vmem>>
      tpu.enqueue_dma source(%dma_start3A_105 : memref<16x1024xf32, #tpu.memory_space<vmem>>) target(%dma_start3A_101 : memref<16x1024xf32, #tpu.memory_space<hbm>>) target_semaphore(%dma_start3A_99 : memref<!tpu.dma_semaphore, #tpu.memory_space<semaphore_mem>>)
      %add3A_106 = arith.constant 2 : i32
      %add3A_107 = arith.addi %scan3A_71, %add3A_106 : i32
      %lt3A = arith.constant 32 : i32
      %lt3A_108 = arith.cmpi slt, %add3A_107, %lt3A : i32
      %convert_element_type3A_109 = arith.extui %lt3A_108 : i1 to i32
      %cond3A_110 = arith.constant 0 : i32
      %cond3A_111 = arith.cmpi ne, %convert_element_type3A_109, %cond3A_110 : i32
      scf.if %cond3A_111 {
        %add3A_112 = arith.constant 2 : i32
        %add3A_113 = arith.addi %scan3A_71, %add3A_112 : i32
        %mul3A_114 = arith.constant 48 : i32
        %mul3A_115 = arith.muli %add3A_113, %mul3A_114 : i32
        %dma_start3A_116 = arith.constant 0 : i32
        %dma_start3A_117 = arith.constant 0 : i32
        %dma_start3A_118 = tpu.memref_slice %arg6[%rem3A_73, %dma_start3A_116, %dma_start3A_117] : memref<2x48x512xi32, #tpu.memory_space<vmem>> -> memref<1x48x512xi32, #tpu.memory_space<vmem>>
        %dma_start3A_119 = tpu.memref_squeeze %dma_start3A_118 : memref<1x48x512xi32, #tpu.memory_space<vmem>> -> memref<48x512xi32, #tpu.memory_space<vmem>>
        %dma_start3A_120 = tpu.memref_slice %arg5[%mul3A_115] : memref<1536xi32, #tpu.memory_space<vmem>> -> memref<48xi32, #tpu.memory_space<vmem>>
        %dma_start3A_121 = arith.constant 0 : i32
        %dma_start3A_122 = arith.constant 0 : i32
        %dma_start3A_123 = tpu.memref_slice %arg3[%dma_start3A_121, %dma_start3A_122] : memref<256x512xi32, #tpu.memory_space<hbm>> -> memref<256x512xi32, #tpu.memory_space<hbm>>
        %dma_start3A_124 = tpu.memref_slice %arg8[%rem3A_73] : memref<2x!tpu.dma_semaphore, #tpu.memory_space<semaphore_mem>> -> memref<1x!tpu.dma_semaphore, #tpu.memory_space<semaphore_mem>>
        %dma_start3A_125 = tpu.memref_squeeze %dma_start3A_124 : memref<1x!tpu.dma_semaphore, #tpu.memory_space<semaphore_mem>> -> memref<!tpu.dma_semaphore, #tpu.memory_space<semaphore_mem>>
        tpu.enqueue_indirect_dma source(%dma_start3A_123 : memref<256x512xi32, #tpu.memory_space<hbm>>) target(%dma_start3A_119 : memref<48x512xi32, #tpu.memory_space<vmem>>) offsets(%dma_start3A_120 : memref<48xi32, #tpu.memory_space<vmem>>) semaphore(%dma_start3A_125 : memref<!tpu.dma_semaphore, #tpu.memory_space<semaphore_mem>>)
      } else {
      }
    }
    %scan3A_34 = arith.constant 32 : i32
    %rem3A = arith.constant 30 : i32
    %rem3A_35 = arith.constant 2 : i32
    %rem3A_36 = arith.remsi %rem3A, %rem3A_35 : i32
    %add3A_37 = arith.constant 480 : i32
    %add3A_38 = arith.addi %mul3A_2, %add3A_37 : i32
    %dma_wait3A = arith.constant 0 : i32
    %dma_wait3A_39 = arith.constant 0 : i32
    %dma_wait3A_40 = tpu.memref_slice %arg7[%rem3A_36, %dma_wait3A, %dma_wait3A_39] : memref<2x16x1024xf32, #tpu.memory_space<vmem>> -> memref<1x16x1024xf32, #tpu.memory_space<vmem>>
    %dma_wait3A_41 = tpu.memref_squeeze %dma_wait3A_40 : memref<1x16x1024xf32, #tpu.memory_space<vmem>> -> memref<16x1024xf32, #tpu.memory_space<vmem>>
    %dma_wait3A_42 = arith.constant 0 : i32
    %dma_wait3A_43 = tpu.memref_slice %arg4[%add3A_38, %dma_wait3A_42] : memref<16384x1024xf32, #tpu.memory_space<hbm>> -> memref<16x1024xf32, #tpu.memory_space<hbm>>
    %dma_wait3A_44 = tpu.memref_slice %arg9[%rem3A_36] : memref<2x!tpu.dma_semaphore, #tpu.memory_space<semaphore_mem>> -> memref<1x!tpu.dma_semaphore, #tpu.memory_space<semaphore_mem>>
    %dma_wait3A_45 = tpu.memref_squeeze %dma_wait3A_44 : memref<1x!tpu.dma_semaphore, #tpu.memory_space<semaphore_mem>> -> memref<!tpu.dma_semaphore, #tpu.memory_space<semaphore_mem>>
    %dma_wait3A_46 = arith.constant 0 : i32
    %dma_wait3A_47 = tpu.memref_slice %arg4[%add3A_38, %dma_wait3A_46] : memref<16384x1024xf32, #tpu.memory_space<hbm>> -> memref<16x1024xf32, #tpu.memory_space<hbm>>
    %dma_wait3A_48 = arith.constant 0 : i32
    %dma_wait3A_49 = arith.constant 0 : i32
    %dma_wait3A_50 = tpu.memref_slice %arg7[%rem3A_36, %dma_wait3A_48, %dma_wait3A_49] : memref<2x16x1024xf32, #tpu.memory_space<vmem>> -> memref<1x16x1024xf32, #tpu.memory_space<vmem>>
    %dma_wait3A_51 = tpu.memref_squeeze %dma_wait3A_50 : memref<1x16x1024xf32, #tpu.memory_space<vmem>> -> memref<16x1024xf32, #tpu.memory_space<vmem>>
    tpu.wait_dma2 semaphore(%dma_wait3A_45 : memref<!tpu.dma_semaphore, #tpu.memory_space<semaphore_mem>>) src(%dma_wait3A_51 : memref<16x1024xf32, #tpu.memory_space<vmem>>) dst(%dma_wait3A_47 : memref<16x1024xf32, #tpu.memory_space<hbm>>)
    %rem3A_52 = arith.constant 31 : i32
    %rem3A_53 = arith.constant 2 : i32
    %rem3A_54 = arith.remsi %rem3A_52, %rem3A_53 : i32
    %add3A_55 = arith.constant 496 : i32
    %add3A_56 = arith.addi %mul3A_2, %add3A_55 : i32
    %dma_wait3A_57 = arith.constant 0 : i32
    %dma_wait3A_58 = arith.constant 0 : i32
    %dma_wait3A_59 = tpu.memref_slice %arg7[%rem3A_54, %dma_wait3A_57, %dma_wait3A_58] : memref<2x16x1024xf32, #tpu.memory_space<vmem>> -> memref<1x16x1024xf32, #tpu.memory_space<vmem>>
    %dma_wait3A_60 = tpu.memref_squeeze %dma_wait3A_59 : memref<1x16x1024xf32, #tpu.memory_space<vmem>> -> memref<16x1024xf32, #tpu.memory_space<vmem>>
    %dma_wait3A_61 = arith.constant 0 : i32
    %dma_wait3A_62 = tpu.memref_slice %arg4[%add3A_56, %dma_wait3A_61] : memref<16384x1024xf32, #tpu.memory_space<hbm>> -> memref<16x1024xf32, #tpu.memory_space<hbm>>
    %dma_wait3A_63 = tpu.memref_slice %arg9[%rem3A_54] : memref<2x!tpu.dma_semaphore, #tpu.memory_space<semaphore_mem>> -> memref<1x!tpu.dma_semaphore, #tpu.memory_space<semaphore_mem>>
    %dma_wait3A_64 = tpu.memref_squeeze %dma_wait3A_63 : memref<1x!tpu.dma_semaphore, #tpu.memory_space<semaphore_mem>> -> memref<!tpu.dma_semaphore, #tpu.memory_space<semaphore_mem>>
    %dma_wait3A_65 = arith.constant 0 : i32
    %dma_wait3A_66 = tpu.memref_slice %arg4[%add3A_56, %dma_wait3A_65] : memref<16384x1024xf32, #tpu.memory_space<hbm>> -> memref<16x1024xf32, #tpu.memory_space<hbm>>
    %dma_wait3A_67 = arith.constant 0 : i32
    %dma_wait3A_68 = arith.constant 0 : i32
    %dma_wait3A_69 = tpu.memref_slice %arg7[%rem3A_54, %dma_wait3A_67, %dma_wait3A_68] : memref<2x16x1024xf32, #tpu.memory_space<vmem>> -> memref<1x16x1024xf32, #tpu.memory_space<vmem>>
    %dma_wait3A_70 = tpu.memref_squeeze %dma_wait3A_69 : memref<1x16x1024xf32, #tpu.memory_space<vmem>> -> memref<16x1024xf32, #tpu.memory_space<vmem>>
    tpu.wait_dma2 semaphore(%dma_wait3A_64 : memref<!tpu.dma_semaphore, #tpu.memory_space<semaphore_mem>>) src(%dma_wait3A_70 : memref<16x1024xf32, #tpu.memory_space<vmem>>) dst(%dma_wait3A_66 : memref<16x1024xf32, #tpu.memory_space<hbm>>)
    return
  }
}

</mosaic_0001>

<sc_bundles>
// kernel: _compose_words.3.cloned.1.call-start
scs
__scs_entry_jumppad:
0x0: {  	(pc) =	sbr.rel $0x88, $3  }
0x1: {  	(tag) =	ssettag $0x0;
	lr =	simm.s32 $0x1  }
0x2: {  	[smem:$0x3F9F] =	sst lr;
	_ =	strace $0xD0000000  }
0x3: {  	_ = 	snop  }
0x4: {  	_ = 	snop  }
0x5: {  	_ = 	snop  }
0x6: {  	_ = 	snop  }
0x7: {  	_ = 	snop  }
__scs_overlays_trampoline_lowered:
0x8: {  	[smem:$0x3FAE] =	sst s0  }
0x9: {  	[smem:$0x3FAF] =	sst s1  }
0xa: {  	[smem:$0x3FB0] =	sst s2  }
0xb: {  	[smem:$0x3FB1] =	sst s3  }
0xc: {  	[smem:$0x3FB2] =	sst s4  }
0xd: {  	[smem:$0x3FB3] =	sst s5  }
0xe: {  	[smem:$0x3FB4] =	sst s6  }
0xf: {  	[smem:$0x3FB5] =	sst s7  }
0x10: {  	[smem:$0x3FB6] =	sst s8  }
0x11: {  	[smem:$0x3FB7] =	sst s9;
	s0 =	simm.s32 @!p0 $0x0  }
0x12: {  	s1 =	sld [smem:$0x3F9D];
	s0 =	simm.s32 @p0 $0x1  }
0x13: {  	[smem:$0x3FB8] =	sst s0;
	s0 =	simm.s32 @!p1 $0x0  }
0x14: {  	s2 =	sld [smem:$0x3F9C];
	s0 =	simm.s32 @p1 $0x1  }
0x15: {  	[smem:$0x3FB9] =	sst s0;
	s0 =	simm.s32 @!p2 $0x0  }
0x16: {  	s3 =	sld [smem:$0x3FDB];
	s0 =	simm.s32 @p2 $0x1  }
0x17: {  	s4 =	simm.s32 $0x1BF5;
	[smem:$0x3FBB] =	sst s0  }
0x18: {  	s0 =	sld [smem:$0x3F9E];
	_ =	swait.ge [sflag:s4], $0x0  }
0x19: {  	s7 =	sld [smem:$0x3F9F]  }
0x1a: {  	s8 =	sadd.s32 $0xFFFFE003, lr  }
0x1b: {  	s9 =	sadd.s32 $0xFFFFFEF7, lr;
	s5 =	simm.s32 $0xFFFFFFFF;
	p2 =	slt.u32 s8, $0xFFFFF086  }
0x1c: {  	p1 =	slt.u32 s9, $0xF7A;
	s5 =	simm.s32 @!p2 $0x0  }
0x1d: {  	s5 =	simm.s32 @p1 $0x1;
	p0 =	seq.s32 s7, s2  }
0x1e: {  	s7 =	smul.u32 @!p0 $0xF7A, s2;
	p2 =	seq.s32 @!p0 s5, $0x0  }
0x1f: {  	s9 =	smul.u32 $0xF7A, s1;
	s8 =	simm.s32 @!p0 $0x1BF5;
	p2 =	por !p2, p0  }
0x20: {  	[sflag:s8] =	ssyncset.s32 @!p0 $0xFFFFF086;
	s6 =	sadd.s32 @!p0 s3, s7;
	s7 =	simm.s32 @!p0 $0x108  }
0x21: {  	s3 =	sadd.s32 s3, s9;
	s6 =	sadd.s32 @!p0 $0x88, s6;
	s7 =	simm.s32 @p2 $0x1082  }
0x22: {  	[simem:s7], [sflag:s8] =	dma.local @!p0 [hbm:s6], $0xF7A  }
0x23: {  	s9 =	sor.u32 $0xD0000000, s2;
	s6 =	simm.s32 $0x108;
	_ =	swait.ge @!p0 [sflag:s8], $0x0  }
0x24: {  	s3 =	sadd.s32 $0x88, s3;
	s6 =	simm.s32 @!p1 $0x1082;
	[sflag:s4] =	ssyncset.s32 $0xFFFFF086  }
0x25: {  	[simem:s6], [sflag:s4] =	dma.local [hbm:s3], $0xF7A  }
0x26: {  	[smem:$0x3F9F] =	sst s1;
	(tag) =	ssettag s2;
	_ =	strace s9  }
0x27: {  	s1 =	sld [smem:$0x3FAF]  }
0x28: {  	s2 =	sld [smem:$0x3FB0]  }
0x29: {  	s4 =	sld [smem:$0x3FB2]  }
0x2a: {  	p0 =	seq.s32 s5, $0x0;
	s5 =	sld [smem:$0x3FB3]  }
0x2b: {  	s6 =	sld [smem:$0x3FB4]  }
0x2c: {  	s7 =	sld [smem:$0x3FB5]  }
0x2d: {  	s3 =	simm.s32 $0x108;
	s8 =	sld [smem:$0x3FB6]  }
0x2e: {  	s3 =	simm.s32 @!p0 $0x1082;
	s9 =	sld [smem:$0x3FB7]  }
0x2f: {  	lr =	sadd.s32 s0, s3;
	s0 =	sld [smem:$0x3FAE]  }
0x30: {  	s3 =	sld [smem:$0x3FB1]  }
0x31: {  	[smem:$0x3FBA] =	sst s10  }
0x32: {  	s10 =	sld [smem:$0x3FB8];
	_ =	sdelay $0x3  }
0x33: {  	p0 =	seq.s32 s10, $0x1;
	s10 =	sld [smem:$0x3FBA];
	_ =	sdelay $0x3  }
0x34: {  	[smem:$0x3FBA] =	sst s10  }
0x35: {  	s10 =	sld [smem:$0x3FB9];
	_ =	sdelay $0x3  }
0x36: {  	p1 =	seq.s32 s10, $0x1;
	s10 =	sld [smem:$0x3FBA];
	_ =	sdelay $0x3  }
0x37: {  	[smem:$0x3FBA] =	sst s10  }
0x38: {  	s10 =	sld [smem:$0x3FBB]  }
0x39: {  	_ = 	snop;
	(pc) =	sbr.ind lr, $3  }
0x3a: {  	_ = 	snop  }
0x3b: {  	_ = 	snop  }
0x3c: {  	p2 =	seq.s32 s10, $0x1;
	s10 =	sld [smem:$0x3FBA]  }
0x3d: {  	_ =	shalt  }
0x3e: {  	_ =	shalt  }
0x3f: {  	_ =	shalt  }
0x40: {  	_ =	shalt  }
0x41: {  	_ =	shalt  }
0x42: {  	_ =	shalt  }
0x43: {  	_ =	shalt  }
0x44: {  	_ =	shalt  }
0x45: {  	_ =	shalt  }
0x46: {  	_ =	shalt  }
0x47: {  	_ =	shalt  }
0x48: {  	_ =	shalt  }
0x49: {  	_ =	shalt  }
0x4a: {  	_ =	shalt  }
0x4b: {  	_ =	shalt  }
0x4c: {  	_ =	shalt  }
0x4d: {  	_ =	shalt  }
0x4e: {  	_ =	shalt  }
0x4f: {  	_ =	shalt  }
0x50: {  	_ =	shalt  }
0x51: {  	_ =	shalt  }
0x52: {  	_ =	shalt  }
0x53: {  	_ =	shalt  }
0x54: {  	_ =	shalt  }
0x55: {  	_ =	shalt  }
0x56: {  	_ =	shalt  }
0x57: {  	_ =	shalt  }
0x58: {  	_ =	shalt  }
0x59: {  	_ =	shalt  }
0x5a: {  	_ =	shalt  }
0x5b: {  	_ =	shalt  }
0x5c: {  	_ =	shalt  }
0x5d: {  	_ =	shalt  }
0x5e: {  	_ =	shalt  }
0x5f: {  	_ =	shalt  }
0x60: {  	_ =	shalt  }
0x61: {  	_ =	shalt  }
0x62: {  	_ =	shalt  }
0x63: {  	_ =	shalt  }
0x64: {  	_ =	shalt  }
0x65: {  	_ =	shalt  }
0x66: {  	_ =	shalt  }
0x67: {  	_ =	shalt  }
0x68: {  	_ =	shalt  }
0x69: {  	_ =	shalt  }
0x6a: {  	_ =	shalt  }
0x6b: {  	_ =	shalt  }
0x6c: {  	_ =	shalt  }
0x6d: {  	_ =	shalt  }
0x6e: {  	_ =	shalt  }
0x6f: {  	_ =	shalt  }
0x70: {  	_ =	shalt  }
0x71: {  	_ =	shalt  }
0x72: {  	_ =	shalt  }
0x73: {  	_ =	shalt  }
0x74: {  	_ =	shalt  }
0x75: {  	_ =	shalt  }
0x76: {  	_ =	shalt  }
0x77: {  	_ =	shalt  }
0x78: {  	_ =	shalt  }
0x79: {  	_ =	shalt  }
0x7a: {  	_ =	shalt  }
0x7b: {  	_ =	shalt  }
0x7c: {  	_ =	shalt  }
0x7d: {  	_ =	shalt  }
0x7e: {  	_ =	shalt  }
0x7f: {  	_ =	shalt  }
0x80: {  	_ =	shalt  }
0x81: {  	_ =	shalt  }
0x82: {  	_ =	shalt  }
0x83: {  	_ =	shalt  }
0x84: {  	_ =	shalt  }
0x85: {  	_ =	shalt  }
0x86: {  	_ =	shalt  }
0x87: {  	_ =	shalt  }
.Lfunc_end0:
.L_simem_size_0:
called_computation_lowered:
.L_overlay_start_0:
0x88: {  	s2 =	sld [smem:$0x3FD9]  }
0x89: {  	s3 =	sld [smem:$0x3FFE];
	_ =	sdelay $0x1  }
0x8a: {  	s1 =	srdreg.scid  }
0x8b: {  	s0 =	sand.u32 $0x1, s1  }
0x8c: {  	s18 =	sshll.u32 s0, $0xA;
	s2 =	sadd.s32 s3, s2  }
0x8d: {  	s2 =	sadd.s32 s2, s18  }
0x8e: {  	[smem:$0x3FC6] =	sst s2  }
0x8f: {  	_ = 	snop  }
0x90: {  	s2 =	sld [smem:$0x3FC9]  }
0x91: {  	s19 =	sld [smem:$0x3FC8]  }
0x92: {  	s4 =	sld [smem:$0x3FD0];
	(tm) =	ssettm $0x1  }
0x93: {  	s5 =	sld [smem:$0x3FFB];
	_ =	sdelay $0x3  }
0x94: {  	_ =	strace s5  }
0x95: {  	s5 =	sld [smem:$0x3FFC];
	_ =	sdelay $0x3  }
0x96: {  	_ =	strace s5  }
0x97: {  	s5 =	sld [smem:$0x3FFD];
	_ =	sdelay $0x3  }
0x98: {  	_ =	strace s5  }
0x99: {  	_ =	strace $0x8FFFFFFF  }
0x9a: {  	s20 =	sld [smem:$0x3FDB];
	_ =	sdelay $0x1  }
0x9b: {  	s6 =	simm.s32 $_scs_section_size  }
0x9c: {  	s7 =	simm.s32 $_size__tile_overlayer_lowered;
	s8 =	simm.s32 $_tile_overlayer_lowered  }
0x9d: {  	s23 =	simm.s32 $0x1BFF;
	s22 =	sshll.u32 s8, $0x1;
	s5 =	sadd.s32 s6, s20  }
0x9e: {  	s9 =	simm.s32 $0x0;
	s21 =	sshll.u32 s7, $0x1;
	s7 =	sadd.s32 s22, s5  }
0x9f: {  	[timem:s9], [sflag:s23] =	dma.local [hbm:s7], s21  }
0xa0: {  	_ =	swait.ge [sflag:s23], s21  }
0xa1: {  	s6 =	ssub.s32 $0x0, s21;
	[sflag:s23] =	ssyncset.done $0x0  }
0xa2: {  	[sflag:s23] =	ssyncadd.s32 s6;
	_ =	sdelay $0x1  }
0xa3: {  	s24 =	simm.s32 $0x1B8B  }
0xa4: {  	_ =	swait.ge [sflag:s24], $0x1  }
0xa5: {  	[sflag:s24] =	ssyncset.done $0x0  }
0xa6: {  	s25 =	simm.s32 $0x1B8E;
	[sflag:s24] =	ssyncadd.s32 $0xFFFFFFFF  }
0xa7: {  	s26 =	simm.s32 $execute0_lowered;
	[smem:$0x3FD2] =	sst s25  }
0xa8: {  	s6 =	sshll.u32 s26, $0x1;
	_ =	strace $0x80000046;
	[dreg:$0x1] =	wrdreg $0xFFFFFFFF  }
0xa9: {  	s28 =	simm.s32 $_size_execute0_lowered;
	s5 =	sadd.s32 s5, s6;
	[dreg:$0x0] =	wrdreg $0x0  }
0xaa: {  	s6 =	sshll.u32 s28, $0x1;
	[dreg:$0x2] =	wrdreg s5  }
0xab: {  	[dreg:$0x3] =	wrdreg s6  }
0xac: {  	[dreg:$0x4] =	wrdreg $0xC0  }
0xad: {  	_ =	task [dreg:s9], $0x5FFFF  }
0xae: {  	[dreg:$0x1] =	wrdreg $0xFFFFFFFF  }
0xaf: {  	[dreg:$0x0] =	wrdreg $0x60  }
0xb0: {  	[dreg:$0x2] =	wrdreg s2  }
0xb1: {  	[dreg:$0x3] =	wrdreg s19  }
0xb2: {  	[dreg:$0x4] =	wrdreg s4  }
0xb3: {  	[dreg:$0x5] =	wrdreg $0x9  }
0xb4: {  	_ =	task.clear_ibuf [dreg:s9], $0x6FFFF;
	_ =	strace $0x90000046  }
0xb5: {  	s29 =	simm.s32 $0x9;
	_ =	strace $0x80000048  }
0xb6: {  	_ =	swait.ge [sflag:s29], $0x1  }
0xb7: {  	[sflag:s29] =	ssyncadd.s32 $0xFFFFFFFF  }
0xb8: {  	_ =	strace $0x90000048  }
0xb9: {  	_ =	sfence  }
0xba: {  	s30 =	sld [smem:$0x0];
	_ =	sdelay $0x2  }
0xbb: {  	s31 =	sshll.u32 s1, $0xD;
	s1 =	sshrl.u32 s1, $0x2  }
0xbc: {  	s3 =	sand.u32 $0x4000, s31;
	s1 =	sadd.s32 s1, s30  }
0xbd: {  	s0 =	sor.u32 s3, s0;
	s1 =	sshll.u32 s1, $0x11  }
0xbe: {  	s0 =	sor.u32 s1, s0  }
0xbf: {  	s0 =	sadd.s32 $0x8F2B, s0  }
0xc0: {  	[sflag:s0] =	ssyncadd.remote.s32 $0x1  }
0xc1: {  	_ =	sfence.sel $0xFFFF  }
0xc2: {  	[dreg:$0x0] =	wrdreg $0xFFFFFFFF;
	(pc) =	sbr.abs _section_cstart, $3  }
0xc3: {  	[dreg:$0x1] =	wrdreg $0xFFFFFFFF  }
0xc4: {  	_ =	task.clear_ibuf [dreg:s9], $0x2FFFF;
	_ =	strace $0x9FFFFFFF  }
0xc5: {  	(tm) =	ssettm $0x7FFFFFFF  }
tec
execute0_lowered:
.L_overlay_start_1:
0x0: {  	(tag) =	ssettag $0x1  }
0x1: {  	s0 =	rddreg [dreg:$0x0]  }
0x2: {  	s2 =	rddreg [dreg:$0x1]  }
0x3: {  	s3 =	srdreg.scid;
	s5 =	stileid.u32  }
0x4: {  	s1 =	rddreg [dreg:$0x2];
	s4 =	sand.u32 $0x1, s3;
	s5 =	sshll.u32 s5, $0x1  }
0x5: {  	s28 =	simm.s32 $0x0;
	s6 =	ssub.s32 $0x2, s4;
	s4 =	sor.u32 s4, s5  }
0x6: {  	[smem:$0x7FF] =	sst s28;
	s7 =	smul.u32 $0xC0, s4;
	s4 =	sshll.u32 s4, $0x10  }
0x7: {  	_ =	strace $0x80000047;
	s29 =	sshrl.u32 s6, $0x1;
	s30 =	sadd.s32 s1, s4  }
0x8: {  	v2 =	vlaneseq.u32;
	s8 =	ssub.s32 s6, s29;
	s0 =	sadd.s32 s0, s7;
	[dreg:$0x5] =	wrdreg s30  }
0x9: {  	vm0 =	vmmov $0xffff;
	v1 =	vshrl.u32 v2, $0x3;
	s31 =	smax.u32 s8, $0x1;
	[dreg:$0x4] =	wrdreg s0  }
0xa: {  	v0 =	vand.u32 $0x7, v2;
	v2 =	vor.u32 $0x8, v2;
	s3 =	simm.s32 $0x0;
	s5 =	sadd.s32 $0x100, s2;
	v1 =	vmul.u32 $0x8, v1;
	[dreg:$0x6] =	wrdreg s31  }
.LBB2_1:
0xb: {  	[dreg:$0x7] =	wrdreg s3  }
0xc: {  	s0 =	simm.s32 $0x0;
	s1 =	rddreg [dreg:$0x4];
	s6 =	simm.s32 $0x5  }
0xd: {  	[tilespmem:s0], [sflag:$0x5] =	stream.linear.gather [hbm4b:s1+s0], $0x600, $0x38;
	[tilespmem:$0x14600] =	vst v63  }
0xe: {  	_ =	swait.ge [sflag:s6], $0x600  }
0xf: {  	[sflag:s6] =	ssyncset.done $0x0  }
0x10: {  	[sflag:s6] =	ssyncadd.s32 $0xFFFFFA00  }
0x11: {  	v3 =	vld [tilespmem:$0x0];
	_ =	sdelay $0x4  }
0x12: {  	v4 =	vshll.u32 v3, $0x2  }
0x13: {  	v3 =	vand.u32 $0x7, v3;
	v4 =	vand.u32 $0xFFFFFFE0, v4  }
0x14: {  	v3 =	vor.u32 v3, v4  }
0x15: {  	v4 =	vperm.xlane v3, v0;
	_ =	sdelay $0x1  }
0x16: {  	v4 =	vadd.s32 v1, v4;
	_ =	sdelay $0x1  }
0x17: {  	v3 =	vperm.xlane v3, v2;
	_ =	sdelay $0x1  }
0x18: {  	s7 =	simm.s32 $0x600;
	v3 =	vadd.s32 v1, v3  }
0x19: {  	[tilespmem:s7], [sflag:$0x1] =	stream.indirect_vreg.gather [hbm4b:s2+s0], $0x80, v4, vm0, $0xb8;
	[tilespmem:$0x14600] =	vst v63  }
0x1a: {  	s8 =	simm.s32 $0xE00  }
0x1b: {  	[tilespmem:s8], [sflag:$0x1] =	stream.indirect_vreg.gather [hbm4b:s5+s0], $0x80, v4, vm0, $0xb8;
	[tilespmem:$0x14600] =	vst v63  }
0x1c: {  	s9 =	simm.s32 $0x1600  }
0x1d: {  	[tilespmem:s9], [sflag:$0x1] =	stream.indirect_vreg.gather [hbm4b:s2+s0], $0x80, v3, vm0, $0xb8;
	[tilespmem:$0x14600] =	vst v63  }
0x1e: {  	s10 =	simm.s32 $0x1E00  }
0x1f: {  	[tilespmem:s10], [sflag:$0x1] =	stream.indirect_vreg.gather [hbm4b:s5+s0], $0x80, v3, vm0, $0xb8;
	[tilespmem:$0x14600] =	vst v63  }
0x20: {  	v3 =	vld [tilespmem:$0x10];
	_ =	sdelay $0x4  }
0x21: {  	v59 =	vshll.u32 v3, $0x2  }
0x22: {  	v3 =	vand.u32 $0x7, v3;
	v4 =	vand.u32 $0xFFFFFFE0, v59  }
0x23: {  	v3 =	vor.u32 v3, v4  }
0x24: {  	v4 =	vperm.xlane v3, v0;
	_ =	sdelay $0x1  }
0x25: {  	v4 =	vadd.s32 v1, v4;
	_ =	sdelay $0x1  }
0x26: {  	v3 =	vperm.xlane v3, v2;
	_ =	sdelay $0x1  }
0x27: {  	s11 =	simm.s32 $0x2600;
	v3 =	vadd.s32 v1, v3  }
0x28: {  	[tilespmem:s11], [sflag:$0x1] =	stream.indirect_vreg.gather [hbm4b:s2+s0], $0x80, v4, vm0, $0xb8;
	[tilespmem:$0x14600] =	vst v63  }
0x29: {  	s12 =	simm.s32 $0x2E00  }
0x2a: {  	[tilespmem:s12], [sflag:$0x1] =	stream.indirect_vreg.gather [hbm4b:s5+s0], $0x80, v4, vm0, $0xb8;
	[tilespmem:$0x14600] =	vst v63  }
0x2b: {  	s13 =	simm.s32 $0x3600  }
0x2c: {  	[tilespmem:s13], [sflag:$0x1] =	stream.indirect_vreg.gather [hbm4b:s2+s0], $0x80, v3, vm0, $0xb8;
	[tilespmem:$0x14600] =	vst v63  }
0x2d: {  	s14 =	simm.s32 $0x3E00  }
0x2e: {  	[tilespmem:s14], [sflag:$0x1] =	stream.indirect_vreg.gather [hbm4b:s5+s0], $0x80, v3, vm0, $0xb8;
	[tilespmem:$0x14600] =	vst v63  }
0x2f: {  	v3 =	vld [tilespmem:$0x20];
	_ =	sdelay $0x4  }
0x30: {  	v60 =	vshll.u32 v3, $0x2  }
0x31: {  	v3 =	vand.u32 $0x7, v3;
	v4 =	vand.u32 $0xFFFFFFE0, v60  }
0x32: {  	v3 =	vor.u32 v3, v4  }
0x33: {  	v4 =	vperm.xlane v3, v0;
	_ =	sdelay $0x1  }
0x34: {  	v4 =	vadd.s32 v1, v4;
	_ =	sdelay $0x1  }
0x35: {  	v3 =	vperm.xlane v3, v2;
	_ =	sdelay $0x1  }
0x36: {  	s15 =	simm.s32 $0x4600;
	v3 =	vadd.s32 v1, v3  }
0x37: {  	[tilespmem:s15], [sflag:$0x1] =	stream.indirect_vreg.gather [hbm4b:s2+s0], $0x80, v4, vm0, $0xb8;
	[tilespmem:$0x14600] =	vst v63  }
0x38: {  	s16 =	simm.s32 $0x4E00  }
0x39: {  	[tilespmem:s16], [sflag:$0x1] =	stream.indirect_vreg.gather [hbm4b:s5+s0], $0x80, v4, vm0, $0xb8;
	[tilespmem:$0x14600] =	vst v63  }
0x3a: {  	s17 =	simm.s32 $0x5600  }
0x3b: {  	[tilespmem:s17], [sflag:$0x1] =	stream.indirect_vreg.gather [hbm4b:s2+s0], $0x80, v3, vm0, $0xb8;
	[tilespmem:$0x14600] =	vst v63  }
0x3c: {  	s18 =	simm.s32 $0x5E00  }
0x3d: {  	[tilespmem:s18], [sflag:$0x1] =	stream.indirect_vreg.gather [hbm4b:s5+s0], $0x80, v3, vm0, $0xb8;
	[tilespmem:$0x14600] =	vst v63  }
0x3e: {  	v3 =	vld [tilespmem:$0x30];
	_ =	sdelay $0x4  }
0x3f: {  	v61 =	vshll.u32 v3, $0x2  }
0x40: {  	v3 =	vand.u32 $0x7, v3;
	v4 =	vand.u32 $0xFFFFFFE0, v61  }
0x41: {  	v3 =	vor.u32 v3, v4  }
0x42: {  	v4 =	vperm.xlane v3, v0;
	_ =	sdelay $0x1  }
0x43: {  	v4 =	vadd.s32 v1, v4;
	_ =	sdelay $0x1  }
0x44: {  	v3 =	vperm.xlane v3, v2;
	_ =	sdelay $0x1  }
0x45: {  	s19 =	simm.s32 $0x6600;
	v3 =	vadd.s32 v1, v3  }
0x46: {  	[tilespmem:s19], [sflag:$0x2] =	stream.indirect_vreg.gather [hbm4b:s2+s0], $0x80, v4, vm0, $0xb8;
	[tilespmem:$0x14600] =	vst v63  }
0x47: {  	s20 =	simm.s32 $0x6E00  }
0x48: {  	[tilespmem:s20], [sflag:$0x2] =	stream.indirect_vreg.gather [hbm4b:s5+s0], $0x80, v4, vm0, $0xb8;
	[tilespmem:$0x14600] =	vst v63  }
0x49: {  	s21 =	simm.s32 $0x7600  }
0x4a: {  	[tilespmem:s21], [sflag:$0x2] =	stream.indirect_vreg.gather [hbm4b:s2+s0], $0x80, v3, vm0, $0xb8;
	[tilespmem:$0x14600] =	vst v63  }
0x4b: {  	s22 =	simm.s32 $0x7E00  }
0x4c: {  	[tilespmem:s22], [sflag:$0x2] =	stream.indirect_vreg.gather [hbm4b:s5+s0], $0x80, v3, vm0, $0xb8;
	[tilespmem:$0x14600] =	vst v63  }
0x4d: {  	v3 =	vld [tilespmem:$0x40];
	_ =	sdelay $0x4  }
0x4e: {  	v62 =	vshll.u32 v3, $0x2  }
0x4f: {  	v3 =	vand.u32 $0x7, v3;
	v4 =	vand.u32 $0xFFFFFFE0, v62  }
0x50: {  	v3 =	vor.u32 v3, v4  }
0x51: {  	v4 =	vperm.xlane v3, v0;
	_ =	sdelay $0x1  }
0x52: {  	v4 =	vadd.s32 v1, v4;
	_ =	sdelay $0x1  }
0x53: {  	v3 =	vperm.xlane v3, v2;
	_ =	sdelay $0x1  }
0x54: {  	s23 =	simm.s32 $0x8600;
	v3 =	vadd.s32 v1, v3  }
0x55: {  	[tilespmem:s23], [sflag:$0x2] =	stream.indirect_vreg.gather [hbm4b:s2+s0], $0x80, v4, vm0, $0xb8;
	[tilespmem:$0x14600] =	vst v63  }
0x56: {  	s24 =	simm.s32 $0x8E00  }
0x57: {  	[tilespmem:s24], [sflag:$0x2] =	stream.indirect_vreg.gather [hbm4b:s5+s0], $0x80, v4, vm0, $0xb8;
	[tilespmem:$0x14600] =	vst v63  }
0x58: {  	s25 =	simm.s32 $0x9600  }
0x59: {  	[tilespmem:s25], [sflag:$0x2] =	stream.indirect_vreg.gather [hbm4b:s2+s0], $0x80, v3, vm0, $0xb8;
	[tilespmem:$0x14600] =	vst v63  }
0x5a: {  	s26 =	simm.s32 $0x9E00  }
0x5b: {  	[tilespmem:s26], [sflag:$0x2] =	stream.indirect_vreg.gather [hbm4b:s5+s0], $0x80, v3, vm0, $0xb8;
	[tilespmem:$0x14600] =	vst v63  }
0x5c: {  	v3 =	vld [tilespmem:$0x50];
	_ =	sdelay $0x4  }
0x5d: {  	v63 =	vshll.u32 v3, $0x2  }
0x5e: {  	v3 =	vand.u32 $0x7, v3;
	v4 =	vand.u32 $0xFFFFFFE0, v63  }
0x5f: {  	v3 =	vor.u32 v3, v4  }
0x60: {  	v4 =	vperm.xlane v3, v0;
	_ =	sdelay $0x1  }
0x61: {  	v4 =	vadd.s32 v1, v4;
	_ =	sdelay $0x1  }
0x62: {  	v3 =	vperm.xlane v3, v2;
	_ =	sdelay $0x1  }
0x63: {  	s28 =	simm.s32 $0xA600;
	v3 =	vadd.s32 v1, v3  }
0x64: {  	[tilespmem:s28], [sflag:$0x2] =	stream.indirect_vreg.gather [hbm4b:s2+s0], $0x80, v4, vm0, $0xb8;
	[tilespmem:$0x14600] =	vst v63  }
0x65: {  	s29 =	simm.s32 $0xAE00  }
0x66: {  	[tilespmem:s29], [sflag:$0x2] =	stream.indirect_vreg.gather [hbm4b:s5+s0], $0x80, v4, vm0, $0xb8;
	[tilespmem:$0x14600] =	vst v63  }
0x67: {  	s30 =	simm.s32 $0xB600  }
0x68: {  	[tilespmem:s30], [sflag:$0x2] =	stream.indirect_vreg.gather [hbm4b:s2+s0], $0x80, v3, vm0, $0xb8;
	[tilespmem:$0x14600] =	vst v63  }
0x69: {  	s31 =	simm.s32 $0xBE00;
	s12 =	simm.s32 $0x0  }
0x6a: {  	[tilespmem:s31], [sflag:$0x2] =	stream.indirect_vreg.gather [hbm4b:s5+s0], $0x80, v3, vm0, $0xb8;
	[tilespmem:$0x14600] =	vst v63  }
.LBB2_2:
0x6b: {  	s14 =	sand.u32 $0x1, s12  }
0x6c: {  	p0 =	slt.u32 s12, $0x2;
	s18 =	simm.s32 $0x180;
	s13 =	sadd.s32 $0x1, s14  }
0x6d: {  	s19 =	simm.s32 $0x600;
	s4 =	simm.s32 $0xA00;
	_ =	swait.ge [sflag:s13], $0x6000  }
0x6e: {  	s7 =	simm.s32 $0x800;
	s1 =	smul.u32 $0x18000, s14;
	[sflag:s13] =	ssyncset.done $0x0  }
0x6f: {  	s8 =	simm.s32 $0x200;
	s0 =	sadd.s32 @!p0 $0x3, s14;
	[sflag:s13] =	ssyncadd.s32 $0xFFFFA000  }
0x70: {  	s7 =	sand.u32 $0xF000, s7;
	s17 =	sshrl.u32 s1, $0x2;
	_ =	swait.ge @!p0 [sflag:s0], $0x4000  }
0x71: {  	s20 =	sand.u32 $0x300, s8;
	s17 =	sor.u32 $0x600, s17;
	[sflag:s0] =	ssyncset.done @!p0 $0x0  }
0x72: {  	s7 =	sadd.s32 s7, s17;
	[sflag:s0] =	ssyncadd.s32 @!p0 $0xFFFFC000;
	s0 =	sand.u32 $0x7000, s19  }
0x73: {  	s1 =	sand.u32 $0x380, s18;
	s22 =	sadd.s32 s20, s7;
	s0 =	sadd.s32 s0, s17  }
0x74: {  	s21 =	simm.s32 $0x280;
	s4 =	sand.u32 $0xF000, s4;
	v4 =	vld [tilespmem:s22+$0x0];
	s1 =	sadd.s32 s1, s0  }
0x75: {  	s23 =	sand.u32 $0x380, s21;
	s4 =	sadd.s32 s4, s17;
	v3 =	vld [tilespmem:s1+$0x0]  }
0x76: {  	s24 =	simm.s32 $0x0;
	s4 =	sadd.s32 s23, s4  }
0x77: {  	s26 =	simm.s32 $0x0;
	s31 =	simm.s32 $0x80;
	s7 =	sand.u32 $0x7000, s24;
	v5 =	vld [tilespmem:s4+$0x0]  }
0x78: {  	s9 =	simm.s32 $0x400;
	s30 =	sand.u32 $0x300, s26;
	s7 =	sadd.s32 s7, s17  }
0x79: {  	s3 =	simm.s32 $0x0;
	s10 =	simm.s32 $0x100;
	s30 =	sadd.s32 s30, s7  }
0x7a: {  	s25 =	sshll.u32 s14, $0xE;
	s6 =	sand.u32 $0xF000, s9;
	s9 =	sand.u32 $0x300, s10;
	v6 =	vld [tilespmem:s30+$0x0];
	v3 =	vadd.bf16 v4, v3  }
0x7b: {  	s10 =	sand.u32 $0x2000, s3;
	s15 =	sadd.s32 $0xC600, s25;
	s7 =	sadd.s32 s6, s17;
	v4 =	vld [tilespmem:s30+$0x80]  }
0x7c: {  	s8 =	sand.u32 $0x380, s31;
	s11 =	sadd.s32 s10, s15;
	s0 =	sadd.s32 s9, s7;
	v3 =	vadd.bf16 v5, v3  }
0x7d: {  	s31 =	sadd.s32 s8, s11;
	v5 =	vld [tilespmem:s0+$0x0]  }
0x7e: {  	v7 =	vshll.u32 v3, $0x10;
	[tilespmem:s31+$0x10] =	vst v3  }
0x7f: {  	[tilespmem:s31+$0x0] =	vst v7  }
0x80: {  	v3 =	vadd.bf16 v4, v6;
	v4 =	vld [tilespmem:s1+$0x10]  }
0x81: {  	s16 =	simm.s32 $0x0;
	v6 =	vld [tilespmem:s22+$0x10]  }
0x82: {  	s8 =	sand.u32 $0x300, s16;
	v3 =	vadd.bf16 v5, v3  }
0x83: {  	s16 =	sadd.s32 s8, s11;
	v5 =	vld [tilespmem:s4+$0x10]  }
0x84: {  	v7 =	vshll.u32 v3, $0x10;
	[tilespmem:s16+$0x10] =	vst v3  }
0x85: {  	[tilespmem:s16+$0x0] =	vst v7  }
0x86: {  	v3 =	vadd.bf16 v6, v4;
	v4 =	vld [tilespmem:s30+$0x10]  }
0x87: {  	v6 =	vld [tilespmem:s30+$0x90]  }
0x88: {  	v3 =	vadd.bf16 v5, v3  }
0x89: {  	v5 =	vld [tilespmem:s0+$0x10]  }
0x8a: {  	v7 =	vshll.u32 v3, $0x10;
	[tilespmem:s31+$0x30] =	vst v3  }
0x8b: {  	[tilespmem:s31+$0x20] =	vst v7  }
0x8c: {  	v4 =	vadd.bf16 v6, v4;
	v3 =	vld [tilespmem:s1+$0x20]  }
0x8d: {  	v6 =	vld [tilespmem:s22+$0x20]  }
0x8e: {  	v4 =	vadd.bf16 v5, v4  }
0x8f: {  	v5 =	vld [tilespmem:s4+$0x20]  }
0x90: {  	v7 =	vshll.u32 v4, $0x10;
	[tilespmem:s16+$0x30] =	vst v4  }
0x91: {  	[tilespmem:s16+$0x20] =	vst v7  }
0x92: {  	v3 =	vadd.bf16 v6, v3;
	v4 =	vld [tilespmem:s30+$0x20]  }
0x93: {  	v6 =	vld [tilespmem:s30+$0xA0]  }
0x94: {  	v3 =	vadd.bf16 v5, v3  }
0x95: {  	v5 =	vld [tilespmem:s0+$0x20]  }
0x96: {  	v7 =	vshll.u32 v3, $0x10;
	[tilespmem:s31+$0x50] =	vst v3  }
0x97: {  	[tilespmem:s31+$0x40] =	vst v7  }
0x98: {  	v4 =	vadd.bf16 v6, v4;
	v3 =	vld [tilespmem:s1+$0x30]  }
0x99: {  	v6 =	vld [tilespmem:s22+$0x30]  }
0x9a: {  	v4 =	vadd.bf16 v5, v4  }
0x9b: {  	v5 =	vld [tilespmem:s4+$0x30]  }
0x9c: {  	v7 =	vshll.u32 v4, $0x10;
	[tilespmem:s16+$0x50] =	vst v4  }
0x9d: {  	[tilespmem:s16+$0x40] =	vst v7  }
0x9e: {  	v3 =	vadd.bf16 v6, v3;
	v4 =	vld [tilespmem:s30+$0x30]  }
0x9f: {  	v6 =	vld [tilespmem:s30+$0xB0]  }
0xa0: {  	v3 =	vadd.bf16 v5, v3  }
0xa1: {  	v5 =	vld [tilespmem:s0+$0x30]  }
0xa2: {  	v7 =	vshll.u32 v3, $0x10;
	[tilespmem:s31+$0x70] =	vst v3  }
0xa3: {  	[tilespmem:s31+$0x60] =	vst v7  }
0xa4: {  	v4 =	vadd.bf16 v6, v4;
	v3 =	vld [tilespmem:s1+$0x40]  }
0xa5: {  	v6 =	vld [tilespmem:s22+$0x40]  }
0xa6: {  	v4 =	vadd.bf16 v5, v4  }
0xa7: {  	v5 =	vld [tilespmem:s4+$0x40]  }
0xa8: {  	v7 =	vshll.u32 v4, $0x10;
	[tilespmem:s16+$0x70] =	vst v4  }
0xa9: {  	[tilespmem:s16+$0x60] =	vst v7  }
0xaa: {  	v3 =	vadd.bf16 v6, v3;
	v4 =	vld [tilespmem:s30+$0x40]  }
0xab: {  	v6 =	vld [tilespmem:s30+$0xC0]  }
0xac: {  	v3 =	vadd.bf16 v5, v3  }
0xad: {  	v5 =	vld [tilespmem:s0+$0x40]  }
0xae: {  	v7 =	vshll.u32 v3, $0x10;
	[tilespmem:s31+$0x410] =	vst v3  }
0xaf: {  	[tilespmem:s31+$0x400] =	vst v7  }
0xb0: {  	v4 =	vadd.bf16 v6, v4;
	v3 =	vld [tilespmem:s1+$0x50]  }
0xb1: {  	v6 =	vld [tilespmem:s22+$0x50]  }
0xb2: {  	v4 =	vadd.bf16 v5, v4  }
0xb3: {  	v5 =	vld [tilespmem:s4+$0x50]  }
0xb4: {  	v7 =	vshll.u32 v4, $0x10;
	[tilespmem:s16+$0x410] =	vst v4  }
0xb5: {  	[tilespmem:s16+$0x400] =	vst v7  }
0xb6: {  	v3 =	vadd.bf16 v6, v3;
	v4 =	vld [tilespmem:s30+$0x50]  }
0xb7: {  	v6 =	vld [tilespmem:s30+$0xD0]  }
0xb8: {  	v3 =	vadd.bf16 v5, v3  }
0xb9: {  	v5 =	vld [tilespmem:s0+$0x50]  }
0xba: {  	v7 =	vshll.u32 v3, $0x10;
	[tilespmem:s31+$0x430] =	vst v3  }
0xbb: {  	[tilespmem:s31+$0x420] =	vst v7  }
0xbc: {  	v4 =	vadd.bf16 v6, v4;
	v3 =	vld [tilespmem:s1+$0x60]  }
0xbd: {  	v6 =	vld [tilespmem:s22+$0x60]  }
0xbe: {  	v4 =	vadd.bf16 v5, v4  }
0xbf: {  	v5 =	vld [tilespmem:s4+$0x60]  }
0xc0: {  	v7 =	vshll.u32 v4, $0x10;
	[tilespmem:s16+$0x430] =	vst v4  }
0xc1: {  	[tilespmem:s16+$0x420] =	vst v7  }
0xc2: {  	v3 =	vadd.bf16 v6, v3;
	v4 =	vld [tilespmem:s30+$0x60]  }
0xc3: {  	v6 =	vld [tilespmem:s30+$0xE0]  }
0xc4: {  	v3 =	vadd.bf16 v5, v3  }
0xc5: {  	v5 =	vld [tilespmem:s0+$0x60]  }
0xc6: {  	v7 =	vshll.u32 v3, $0x10;
	[tilespmem:s31+$0x450] =	vst v3  }
0xc7: {  	[tilespmem:s31+$0x440] =	vst v7  }
0xc8: {  	v4 =	vadd.bf16 v6, v4;
	v3 =	vld [tilespmem:s1+$0x70]  }
0xc9: {  	v6 =	vld [tilespmem:s22+$0x70]  }
0xca: {  	v4 =	vadd.bf16 v5, v4  }
0xcb: {  	v5 =	vld [tilespmem:s4+$0x70]  }
0xcc: {  	v7 =	vshll.u32 v4, $0x10;
	[tilespmem:s16+$0x450] =	vst v4  }
0xcd: {  	[tilespmem:s16+$0x440] =	vst v7  }
0xce: {  	v3 =	vadd.bf16 v6, v3;
	v4 =	vld [tilespmem:s30+$0x70]  }
0xcf: {  	v6 =	vld [tilespmem:s30+$0xF0]  }
0xd0: {  	v3 =	vadd.bf16 v5, v3  }
0xd1: {  	v5 =	vld [tilespmem:s0+$0x70]  }
0xd2: {  	v7 =	vshll.u32 v3, $0x10;
	[tilespmem:s31+$0x470] =	vst v3  }
0xd3: {  	[tilespmem:s31+$0x460] =	vst v7  }
0xd4: {  	v4 =	vadd.bf16 v6, v4;
	v3 =	vld [tilespmem:s1+$0x400]  }
0xd5: {  	v6 =	vld [tilespmem:s22+$0x400]  }
0xd6: {  	v4 =	vadd.bf16 v5, v4  }
0xd7: {  	v5 =	vld [tilespmem:s4+$0x400]  }
0xd8: {  	v7 =	vshll.u32 v4, $0x10;
	[tilespmem:s16+$0x470] =	vst v4  }
0xd9: {  	[tilespmem:s16+$0x460] =	vst v7  }
0xda: {  	v3 =	vadd.bf16 v6, v3;
	v4 =	vld [tilespmem:s30+$0x400]  }
0xdb: {  	v6 =	vld [tilespmem:s30+$0x480]  }
0xdc: {  	v3 =	vadd.bf16 v5, v3  }
0xdd: {  	v5 =	vld [tilespmem:s0+$0x400]  }
0xde: {  	v7 =	vshll.u32 v3, $0x10;
	[tilespmem:s31+$0x810] =	vst v3  }
0xdf: {  	[tilespmem:s31+$0x800] =	vst v7  }
0xe0: {  	v4 =	vadd.bf16 v6, v4;
	v3 =	vld [tilespmem:s1+$0x410]  }
0xe1: {  	v6 =	vld [tilespmem:s22+$0x410]  }
0xe2: {  	v4 =	vadd.bf16 v5, v4  }
0xe3: {  	v5 =	vld [tilespmem:s4+$0x410]  }
0xe4: {  	v7 =	vshll.u32 v4, $0x10;
	[tilespmem:s16+$0x810] =	vst v4  }
0xe5: {  	[tilespmem:s16+$0x800] =	vst v7  }
0xe6: {  	v3 =	vadd.bf16 v6, v3;
	v4 =	vld [tilespmem:s30+$0x410]  }
0xe7: {  	v6 =	vld [tilespmem:s30+$0x490]  }
0xe8: {  	v3 =	vadd.bf16 v5, v3  }
0xe9: {  	v5 =	vld [tilespmem:s0+$0x410]  }
0xea: {  	v7 =	vshll.u32 v3, $0x10;
	[tilespmem:s31+$0x830] =	vst v3  }
0xeb: {  	[tilespmem:s31+$0x820] =	vst v7  }
0xec: {  	v4 =	vadd.bf16 v6, v4;
	v3 =	vld [tilespmem:s1+$0x420]  }
0xed: {  	v6 =	vld [tilespmem:s22+$0x420]  }
0xee: {  	v4 =	vadd.bf16 v5, v4  }
0xef: {  	v5 =	vld [tilespmem:s4+$0x420]  }
0xf0: {  	v7 =	vshll.u32 v4, $0x10;
	[tilespmem:s16+$0x830] =	vst v4  }
0xf1: {  	[tilespmem:s16+$0x820] =	vst v7  }
0xf2: {  	v3 =	vadd.bf16 v6, v3;
	v4 =	vld [tilespmem:s30+$0x420]  }
0xf3: {  	v6 =	vld [tilespmem:s30+$0x4A0]  }
0xf4: {  	v3 =	vadd.bf16 v5, v3  }
0xf5: {  	v5 =	vld [tilespmem:s0+$0x420]  }
0xf6: {  	v7 =	vshll.u32 v3, $0x10;
	[tilespmem:s31+$0x850] =	vst v3  }
0xf7: {  	[tilespmem:s31+$0x840] =	vst v7  }
0xf8: {  	v4 =	vadd.bf16 v6, v4;
	v3 =	vld [tilespmem:s1+$0x430]  }
0xf9: {  	v6 =	vld [tilespmem:s22+$0x430]  }
0xfa: {  	v4 =	vadd.bf16 v5, v4  }
0xfb: {  	v5 =	vld [tilespmem:s4+$0x430]  }
0xfc: {  	v7 =	vshll.u32 v4, $0x10;
	[tilespmem:s16+$0x850] =	vst v4  }
0xfd: {  	[tilespmem:s16+$0x840] =	vst v7  }
0xfe: {  	v3 =	vadd.bf16 v6, v3;
	v4 =	vld [tilespmem:s30+$0x430]  }
0xff: {  	v6 =	vld [tilespmem:s30+$0x4B0]  }
0x100: {  	v3 =	vadd.bf16 v5, v3  }
0x101: {  	v5 =	vld [tilespmem:s0+$0x430]  }
0x102: {  	v7 =	vshll.u32 v3, $0x10;
	[tilespmem:s31+$0x870] =	vst v3  }
0x103: {  	[tilespmem:s31+$0x860] =	vst v7  }
0x104: {  	v4 =	vadd.bf16 v6, v4;
	v3 =	vld [tilespmem:s1+$0x440]  }
0x105: {  	v6 =	vld [tilespmem:s22+$0x440]  }
0x106: {  	v4 =	vadd.bf16 v5, v4  }
0x107: {  	v5 =	vld [tilespmem:s4+$0x440]  }
0x108: {  	v7 =	vshll.u32 v4, $0x10;
	[tilespmem:s16+$0x870] =	vst v4  }
0x109: {  	[tilespmem:s16+$0x860] =	vst v7  }
0x10a: {  	v3 =	vadd.bf16 v6, v3;
	v4 =	vld [tilespmem:s30+$0x440]  }
0x10b: {  	v6 =	vld [tilespmem:s30+$0x4C0]  }
0x10c: {  	v3 =	vadd.bf16 v5, v3  }
0x10d: {  	v5 =	vld [tilespmem:s0+$0x440]  }
0x10e: {  	v7 =	vshll.u32 v3, $0x10;
	[tilespmem:s31+$0xC10] =	vst v3  }
0x10f: {  	[tilespmem:s31+$0xC00] =	vst v7  }
0x110: {  	v4 =	vadd.bf16 v6, v4;
	v3 =	vld [tilespmem:s1+$0x450]  }
0x111: {  	v6 =	vld [tilespmem:s22+$0x450]  }
0x112: {  	v4 =	vadd.bf16 v5, v4  }
0x113: {  	v5 =	vld [tilespmem:s4+$0x450]  }
0x114: {  	v7 =	vshll.u32 v4, $0x10;
	[tilespmem:s16+$0xC10] =	vst v4  }
0x115: {  	[tilespmem:s16+$0xC00] =	vst v7  }
0x116: {  	v3 =	vadd.bf16 v6, v3;
	v4 =	vld [tilespmem:s30+$0x450]  }
0x117: {  	v6 =	vld [tilespmem:s30+$0x4D0]  }
0x118: {  	v3 =	vadd.bf16 v5, v3  }
0x119: {  	v5 =	vld [tilespmem:s0+$0x450]  }
0x11a: {  	v7 =	vshll.u32 v3, $0x10;
	[tilespmem:s31+$0xC30] =	vst v3  }
0x11b: {  	[tilespmem:s31+$0xC20] =	vst v7  }
0x11c: {  	v3 =	vadd.bf16 v6, v4;
	v4 =	vld [tilespmem:s1+$0x460]  }
0x11d: {  	v6 =	vld [tilespmem:s22+$0x460]  }
0x11e: {  	v3 =	vadd.bf16 v5, v3  }
0x11f: {  	v5 =	vld [tilespmem:s4+$0x460]  }
0x120: {  	v7 =	vshll.u32 v3, $0x10;
	[tilespmem:s16+$0xC30] =	vst v3  }
0x121: {  	[tilespmem:s16+$0xC20] =	vst v7  }
0x122: {  	v3 =	vld [tilespmem:s30+$0x460];
	v4 =	vadd.bf16 v6, v4  }
0x123: {  	v6 =	vld [tilespmem:s30+$0x4E0]  }
0x124: {  	v4 =	vadd.bf16 v5, v4  }
0x125: {  	v5 =	vld [tilespmem:s0+$0x460]  }
0x126: {  	v7 =	vshll.u32 v4, $0x10;
	[tilespmem:s31+$0xC50] =	vst v4  }
0x127: {  	[tilespmem:s31+$0xC40] =	vst v7  }
0x128: {  	v3 =	vadd.bf16 v6, v3;
	v4 =	vld [tilespmem:s1+$0x470]  }
0x129: {  	v6 =	vld [tilespmem:s22+$0x470]  }
0x12a: {  	v3 =	vadd.bf16 v5, v3  }
0x12b: {  	v5 =	vld [tilespmem:s4+$0x470]  }
0x12c: {  	s21 =	simm.s32 $0x580;
	s11 =	simm.s32 $0x1400;
	v7 =	vshll.u32 v3, $0x10;
	[tilespmem:s16+$0xC50] =	vst v3  }
0x12d: {  	s18 =	simm.s32 $0x480;
	s11 =	sand.u32 $0xF000, s11;
	s19 =	simm.s32 $0x1200;
	[tilespmem:s16+$0xC40] =	vst v7  }
0x12e: {  	s20 =	simm.s32 $0x1600;
	s11 =	sadd.s32 s11, s17;
	s8 =	sand.u32 $0x7000, s19;
	v3 =	vld [tilespmem:s30+$0x470];
	v4 =	vadd.bf16 v6, v4  }
0x12f: {  	s7 =	sand.u32 $0x380, s18;
	s18 =	simm.s32 $0x500;
	s8 =	sadd.s32 s8, s17;
	v6 =	vld [tilespmem:s30+$0x4F0]  }
0x130: {  	s9 =	sand.u32 $0xF000, s20;
	s7 =	sadd.s32 s7, s8;
	s23 =	sand.u32 $0x300, s18;
	v7 =	vld [tilespmem:s0+$0x470];
	v4 =	vadd.bf16 v5, v4  }
0x131: {  	s10 =	sand.u32 $0x380, s21;
	s9 =	sadd.s32 s9, s17;
	s8 =	sadd.s32 s23, s11;
	v5 =	vld [tilespmem:s7+$0x0]  }
0x132: {  	s24 =	simm.s32 $0xC00;
	s9 =	sadd.s32 s10, s9;
	v8 =	vshll.u32 v4, $0x10;
	[tilespmem:s31+$0xC70] =	vst v4;
	v4 =	vld [tilespmem:s8+$0x0]  }
0x133: {  	s25 =	simm.s32 $0x300;
	s11 =	sand.u32 $0x7000, s24;
	[tilespmem:s31+$0xC60] =	vst v8;
	v8 =	vld [tilespmem:s9+$0x0]  }
0x134: {  	s10 =	sand.u32 $0x300, s25;
	s11 =	sadd.s32 s11, s17;
	v3 =	vadd.bf16 v6, v3;
	v6 =	vld [tilespmem:s1+$0x800]  }
0x135: {  	s19 =	simm.s32 $0x1000;
	s18 =	sadd.s32 s10, s11;
	v9 =	vld [tilespmem:s22+$0x800]  }
0x136: {  	s3 =	simm.s32 $0x400;
	s26 =	sand.u32 $0xF000, s19;
	v3 =	vadd.bf16 v7, v3;
	v7 =	vld [tilespmem:s18+$0x0]  }
0x137: {  	s6 =	simm.s32 $0x800;
	s11 =	sand.u32 $0x300, s3;
	s10 =	sadd.s32 s26, s17;
	v4 =	vadd.bf16 v4, v5;
	v5 =	vld [tilespmem:s4+$0x800]  }
0x138: {  	s21 =	sand.u32 $0x2000, s6;
	s23 =	simm.s32 $0x180;
	s20 =	sadd.s32 s11, s10;
	v10 =	vshll.u32 v3, $0x10;
	[tilespmem:s16+$0xC70] =	vst v3;
	v3 =	vld [tilespmem:s18+$0x80]  }
0x139: {  	s10 =	sadd.s32 s21, s15;
	s11 =	sand.u32 $0x380, s23;
	[tilespmem:s16+$0xC60] =	vst v10;
	v10 =	vld [tilespmem:s20+$0x0];
	v4 =	vadd.bf16 v8, v4  }
0x13a: {  	s19 =	sadd.s32 s11, s10;
	v8 =	vld [tilespmem:s30+$0x800];
	v6 =	vadd.bf16 v9, v6  }
0x13b: {  	v9 =	vshll.u32 v4, $0x10;
	[tilespmem:s19+$0x10] =	vst v4;
	v4 =	vld [tilespmem:s30+$0x880]  }
0x13c: {  	[tilespmem:s19+$0x0] =	vst v9;
	v9 =	vld [tilespmem:s0+$0x800];
	v5 =	vadd.bf16 v5, v6  }
0x13d: {  	v6 =	vld [tilespmem:s7+$0x10]  }
0x13e: {  	v3 =	vadd.bf16 v3, v7;
	v7 =	vld [tilespmem:s8+$0x10];
	v11 =	vshll.u32 v5, $0x10;
	[tilespmem:s31+$0x1010] =	vst v5  }
0x13f: {  	s24 =	simm.s32 $0x100;
	v5 =	vld [tilespmem:s9+$0x10];
	[tilespmem:s31+$0x1000] =	vst v11  }
0x140: {  	s11 =	sand.u32 $0x300, s24;
	v3 =	vadd.bf16 v10, v3;
	v10 =	vld [tilespmem:s1+$0x810]  }
0x141: {  	s21 =	sadd.s32 s11, s10;
	v4 =	vadd.bf16 v4, v8;
	v8 =	vld [tilespmem:s22+$0x810]  }
0x142: {  	v11 =	vshll.u32 v3, $0x10;
	[tilespmem:s21+$0x10] =	vst v3  }
0x143: {  	[tilespmem:s21+$0x0] =	vst v11;
	v3 =	vadd.bf16 v9, v4;
	v4 =	vadd.bf16 v7, v6;
	v6 =	vld [tilespmem:s4+$0x810]  }
0x144: {  	v7 =	vld [tilespmem:s18+$0x10]  }
0x145: {  	v9 =	vshll.u32 v3, $0x10;
	[tilespmem:s16+$0x1010] =	vst v3;
	v3 =	vld [tilespmem:s18+$0x90];
	v4 =	vadd.bf16 v5, v4  }
0x146: {  	v5 =	vld [tilespmem:s20+$0x10];
	[tilespmem:s16+$0x1000] =	vst v9;
	v8 =	vadd.bf16 v8, v10  }
0x147: {  	v9 =	vshll.u32 v4, $0x10;
	[tilespmem:s19+$0x30] =	vst v4;
	v4 =	vld [tilespmem:s30+$0x810]  }
0x148: {  	[tilespmem:s19+$0x20] =	vst v9;
	v9 =	vld [tilespmem:s30+$0x890];
	v6 =	vadd.bf16 v6, v8  }
0x149: {  	v8 =	vld [tilespmem:s7+$0x20]  }
0x14a: {  	v3 =	vadd.bf16 v3, v7;
	v7 =	vld [tilespmem:s8+$0x20];
	v10 =	vshll.u32 v6, $0x10;
	[tilespmem:s31+$0x1030] =	vst v6  }
0x14b: {  	v6 =	vld [tilespmem:s9+$0x20];
	[tilespmem:s31+$0x1020] =	vst v10  }
0x14c: {  	v3 =	vadd.bf16 v5, v3;
	v5 =	vld [tilespmem:s1+$0x820]  }
0x14d: {  	v10 =	vld [tilespmem:s22+$0x820]  }
0x14e: {  	v11 =	vshll.u32 v3, $0x10;
	[tilespmem:s21+$0x30] =	vst v3;
	v3 =	vld [tilespmem:s0+$0x810]  }
0x14f: {  	[tilespmem:s21+$0x20] =	vst v11;
	v7 =	vadd.bf16 v7, v8;
	v8 =	vld [tilespmem:s4+$0x820]  }
0x150: {  	v11 =	vld [tilespmem:s18+$0x20]  }
0x151: {  	v12 =	vld [tilespmem:s18+$0xA0];
	v6 =	vadd.bf16 v6, v7  }
0x152: {  	v5 =	vadd.bf16 v10, v5  }
0x153: {  	v7 =	vld [tilespmem:s20+$0x20];
	v10 =	vshll.u32 v6, $0x10;
	[tilespmem:s19+$0x50] =	vst v6  }
0x154: {  	v4 =	vadd.bf16 v9, v4;
	[tilespmem:s19+$0x40] =	vst v10;
	v5 =	vadd.bf16 v8, v5  }
0x155: {  	v6 =	vld [tilespmem:s7+$0x30]  }
0x156: {  	v3 =	vadd.bf16 v3, v4;
	v4 =	vadd.bf16 v12, v11;
	v8 =	vld [tilespmem:s8+$0x30];
	v9 =	vshll.u32 v5, $0x10;
	[tilespmem:s31+$0x1050] =	vst v5  }
0x157: {  	v5 =	vld [tilespmem:s9+$0x30];
	[tilespmem:s31+$0x1040] =	vst v9  }
0x158: {  	[tilespmem:s16+$0x1030] =	vst v3;
	v9 =	vshll.u32 v3, $0x10;
	v3 =	vadd.bf16 v7, v4;
	v4 =	vld [tilespmem:s1+$0x830]  }
0x159: {  	[tilespmem:s16+$0x1020] =	vst v9;
	v7 =	vld [tilespmem:s22+$0x830]  }
0x15a: {  	v9 =	vshll.u32 v3, $0x10;
	[tilespmem:s21+$0x50] =	vst v3;
	v3 =	vld [tilespmem:s30+$0x820]  }
0x15b: {  	[tilespmem:s21+$0x40] =	vst v9;
	v6 =	vadd.bf16 v8, v6;
	v8 =	vld [tilespmem:s4+$0x830]  }
0x15c: {  	v9 =	vld [tilespmem:s18+$0x30]  }
0x15d: {  	v10 =	vld [tilespmem:s18+$0xB0];
	v5 =	vadd.bf16 v5, v6  }
0x15e: {  	v6 =	vld [tilespmem:s20+$0x30];
	v4 =	vadd.bf16 v7, v4  }
0x15f: {  	v7 =	vshll.u32 v5, $0x10;
	[tilespmem:s19+$0x70] =	vst v5;
	v5 =	vld [tilespmem:s30+$0x8A0]  }
0x160: {  	[tilespmem:s19+$0x60] =	vst v7;
	v7 =	vld [tilespmem:s0+$0x820];
	v4 =	vadd.bf16 v8, v4  }
0x161: {  	v8 =	vld [tilespmem:s7+$0x40]  }
0x162: {  	v9 =	vadd.bf16 v10, v9;
	v10 =	vld [tilespmem:s8+$0x40];
	v11 =	vshll.u32 v4, $0x10;
	[tilespmem:s31+$0x1070] =	vst v4  }
0x163: {  	v4 =	vld [tilespmem:s9+$0x40];
	[tilespmem:s31+$0x1060] =	vst v11  }
0x164: {  	v6 =	vadd.bf16 v6, v9;
	v9 =	vld [tilespmem:s1+$0x840]  }
0x165: {  	v3 =	vadd.bf16 v5, v3;
	v5 =	vld [tilespmem:s22+$0x840]  }
0x166: {  	v11 =	vshll.u32 v6, $0x10;
	[tilespmem:s21+$0x70] =	vst v6  }
0x167: {  	v3 =	vadd.bf16 v7, v3;
	[tilespmem:s21+$0x60] =	vst v11;
	v6 =	vadd.bf16 v10, v8;
	v7 =	vld [tilespmem:s4+$0x840]  }
0x168: {  	v8 =	vld [tilespmem:s18+$0x40]  }
0x169: {  	v10 =	vshll.u32 v3, $0x10;
	[tilespmem:s16+$0x1050] =	vst v3;
	v3 =	vld [tilespmem:s18+$0xC0];
	v4 =	vadd.bf16 v4, v6  }
0x16a: {  	v6 =	vld [tilespmem:s20+$0x40];
	[tilespmem:s16+$0x1040] =	vst v10;
	v5 =	vadd.bf16 v5, v9  }
0x16b: {  	v9 =	vshll.u32 v4, $0x10;
	[tilespmem:s19+$0x410] =	vst v4;
	v4 =	vld [tilespmem:s30+$0x830]  }
0x16c: {  	[tilespmem:s19+$0x400] =	vst v9;
	v9 =	vld [tilespmem:s30+$0x8B0];
	v5 =	vadd.bf16 v7, v5  }
0x16d: {  	v7 =	vld [tilespmem:s7+$0x50]  }
0x16e: {  	v3 =	vadd.bf16 v3, v8;
	v8 =	vld [tilespmem:s8+$0x50];
	v10 =	vshll.u32 v5, $0x10;
	[tilespmem:s31+$0x1410] =	vst v5  }
0x16f: {  	v5 =	vld [tilespmem:s9+$0x50];
	[tilespmem:s31+$0x1400] =	vst v10  }
0x170: {  	v3 =	vadd.bf16 v6, v3;
	v6 =	vld [tilespmem:s1+$0x850]  }
0x171: {  	v10 =	vld [tilespmem:s22+$0x850]  }
0x172: {  	v11 =	vshll.u32 v3, $0x10;
	[tilespmem:s21+$0x410] =	vst v3;
	v3 =	vld [tilespmem:s0+$0x830]  }
0x173: {  	[tilespmem:s21+$0x400] =	vst v11;
	v7 =	vadd.bf16 v8, v7;
	v8 =	vld [tilespmem:s4+$0x850]  }
0x174: {  	v11 =	vld [tilespmem:s18+$0x50]  }
0x175: {  	v22 =	vld [tilespmem:s18+$0xD0];
	v5 =	vadd.bf16 v5, v7  }
0x176: {  	v6 =	vadd.bf16 v10, v6  }
0x177: {  	v7 =	vld [tilespmem:s20+$0x50];
	v10 =	vshll.u32 v5, $0x10;
	[tilespmem:s19+$0x430] =	vst v5  }
0x178: {  	[tilespmem:s19+$0x420] =	vst v10;
	v5 =	vadd.bf16 v8, v6  }
0x179: {  	v6 =	vld [tilespmem:s7+$0x60]  }
0x17a: {  	v8 =	vadd.bf16 v22, v11;
	v10 =	vld [tilespmem:s8+$0x60];
	v11 =	vshll.u32 v5, $0x10;
	[tilespmem:s31+$0x1430] =	vst v5  }
0x17b: {  	v5 =	vld [tilespmem:s9+$0x60];
	[tilespmem:s31+$0x1420] =	vst v11  }
0x17c: {  	v4 =	vadd.bf16 v9, v4;
	v7 =	vadd.bf16 v7, v8;
	v8 =	vld [tilespmem:s1+$0x860]  }
0x17d: {  	v9 =	vld [tilespmem:s22+$0x860]  }
0x17e: {  	v3 =	vadd.bf16 v3, v4;
	v4 =	vshll.u32 v7, $0x10;
	[tilespmem:s21+$0x430] =	vst v7  }
0x17f: {  	[tilespmem:s21+$0x420] =	vst v4;
	v4 =	vadd.bf16 v10, v6;
	v6 =	vld [tilespmem:s4+$0x860]  }
0x180: {  	[tilespmem:s16+$0x1070] =	vst v3;
	v7 =	vshll.u32 v3, $0x10;
	v3 =	vld [tilespmem:s18+$0x60]  }
0x181: {  	[tilespmem:s16+$0x1060] =	vst v7;
	v7 =	vld [tilespmem:s18+$0xE0];
	v4 =	vadd.bf16 v5, v4  }
0x182: {  	v11 =	vld [tilespmem:s0+$0x840];
	v8 =	vadd.bf16 v9, v8  }
0x183: {  	v9 =	vld [tilespmem:s20+$0x60];
	v10 =	vshll.u32 v4, $0x10;
	[tilespmem:s19+$0x450] =	vst v4  }
0x184: {  	v5 =	vld [tilespmem:s30+$0x840];
	[tilespmem:s19+$0x440] =	vst v10;
	v6 =	vadd.bf16 v6, v8  }
0x185: {  	v8 =	vld [tilespmem:s7+$0x70]  }
0x186: {  	v3 =	vadd.bf16 v7, v3;
	v7 =	vld [tilespmem:s8+$0x70];
	v10 =	vshll.u32 v6, $0x10;
	[tilespmem:s31+$0x1450] =	vst v6  }
0x187: {  	v6 =	vld [tilespmem:s9+$0x70];
	[tilespmem:s31+$0x1440] =	vst v10  }
0x188: {  	v3 =	vadd.bf16 v9, v3;
	v9 =	vld [tilespmem:s1+$0x870]  }
0x189: {  	v10 =	vld [tilespmem:s22+$0x870]  }
0x18a: {  	v4 =	vld [tilespmem:s30+$0x8C0];
	v23 =	vshll.u32 v3, $0x10;
	[tilespmem:s21+$0x450] =	vst v3  }
0x18b: {  	[tilespmem:s21+$0x440] =	vst v23;
	v3 =	vadd.bf16 v7, v8;
	v7 =	vld [tilespmem:s4+$0x870]  }
0x18c: {  	v8 =	vld [tilespmem:s18+$0x70]  }
0x18d: {  	v12 =	vld [tilespmem:s18+$0xF0];
	v3 =	vadd.bf16 v6, v3  }
0x18e: {  	v6 =	vadd.bf16 v10, v9  }
0x18f: {  	v9 =	vld [tilespmem:s20+$0x70];
	v10 =	vshll.u32 v3, $0x10;
	[tilespmem:s19+$0x470] =	vst v3  }
0x190: {  	v3 =	vadd.bf16 v4, v5;
	[tilespmem:s19+$0x460] =	vst v10;
	v4 =	vadd.bf16 v7, v6  }
0x191: {  	v5 =	vld [tilespmem:s7+$0x400]  }
0x192: {  	v3 =	vadd.bf16 v11, v3;
	v6 =	vadd.bf16 v12, v8;
	v7 =	vld [tilespmem:s8+$0x400];
	v8 =	vshll.u32 v4, $0x10;
	[tilespmem:s31+$0x1470] =	vst v4  }
0x193: {  	v4 =	vld [tilespmem:s9+$0x400];
	[tilespmem:s31+$0x1460] =	vst v8  }
0x194: {  	v8 =	vshll.u32 v3, $0x10;
	[tilespmem:s16+$0x1410] =	vst v3;
	v3 =	vadd.bf16 v9, v6;
	v6 =	vld [tilespmem:s1+$0xC00]  }
0x195: {  	[tilespmem:s16+$0x1400] =	vst v8;
	v8 =	vld [tilespmem:s22+$0xC00]  }
0x196: {  	v9 =	vld [tilespmem:s30+$0x850];
	v10 =	vshll.u32 v3, $0x10;
	[tilespmem:s21+$0x470] =	vst v3  }
0x197: {  	[tilespmem:s21+$0x460] =	vst v10;
	v3 =	vadd.bf16 v7, v5;
	v5 =	vld [tilespmem:s4+$0xC00]  }
0x198: {  	v7 =	vld [tilespmem:s18+$0x400]  }
0x199: {  	v10 =	vld [tilespmem:s18+$0x480];
	v3 =	vadd.bf16 v4, v3  }
0x19a: {  	v4 =	vld [tilespmem:s30+$0x8D0];
	v6 =	vadd.bf16 v8, v6  }
0x19b: {  	v8 =	vld [tilespmem:s20+$0x400];
	v11 =	vshll.u32 v3, $0x10;
	[tilespmem:s19+$0x810] =	vst v3  }
0x19c: {  	v3 =	vld [tilespmem:s0+$0x850];
	[tilespmem:s19+$0x800] =	vst v11;
	v5 =	vadd.bf16 v5, v6  }
0x19d: {  	v6 =	vld [tilespmem:s7+$0x410]  }
0x19e: {  	v7 =	vadd.bf16 v10, v7;
	v10 =	vld [tilespmem:s8+$0x410];
	v11 =	vshll.u32 v5, $0x10;
	[tilespmem:s31+$0x1810] =	vst v5  }
0x19f: {  	v5 =	vld [tilespmem:s9+$0x410];
	[tilespmem:s31+$0x1800] =	vst v11  }
0x1a0: {  	v4 =	vadd.bf16 v4, v9;
	v7 =	vadd.bf16 v8, v7;
	v8 =	vld [tilespmem:s1+$0xC10]  }
0x1a1: {  	v9 =	vld [tilespmem:s22+$0xC10]  }
0x1a2: {  	v3 =	vadd.bf16 v3, v4;
	v4 =	vshll.u32 v7, $0x10;
	[tilespmem:s21+$0x810] =	vst v7  }
0x1a3: {  	[tilespmem:s21+$0x800] =	vst v4;
	v4 =	vadd.bf16 v10, v6;
	v6 =	vld [tilespmem:s4+$0xC10]  }
0x1a4: {  	v7 =	vshll.u32 v3, $0x10;
	[tilespmem:s16+$0x1430] =	vst v3;
	v3 =	vld [tilespmem:s18+$0x410]  }
0x1a5: {  	[tilespmem:s16+$0x1420] =	vst v7;
	v7 =	vld [tilespmem:s18+$0x490];
	v4 =	vadd.bf16 v5, v4  }
0x1a6: {  	v5 =	vld [tilespmem:s30+$0x860];
	v8 =	vadd.bf16 v9, v8  }
0x1a7: {  	v9 =	vld [tilespmem:s20+$0x410];
	v10 =	vshll.u32 v4, $0x10;
	[tilespmem:s19+$0x830] =	vst v4  }
0x1a8: {  	v11 =	vld [tilespmem:s0+$0x860];
	[tilespmem:s19+$0x820] =	vst v10;
	v6 =	vadd.bf16 v6, v8  }
0x1a9: {  	v8 =	vld [tilespmem:s7+$0x420]  }
0x1aa: {  	v3 =	vadd.bf16 v7, v3;
	v7 =	vld [tilespmem:s8+$0x420];
	v10 =	vshll.u32 v6, $0x10;
	[tilespmem:s31+$0x1830] =	vst v6  }
0x1ab: {  	v6 =	vld [tilespmem:s9+$0x420];
	[tilespmem:s31+$0x1820] =	vst v10  }
0x1ac: {  	v3 =	vadd.bf16 v9, v3;
	v9 =	vld [tilespmem:s1+$0xC20]  }
0x1ad: {  	v10 =	vld [tilespmem:s22+$0xC20]  }
0x1ae: {  	v4 =	vld [tilespmem:s30+$0x8E0];
	v24 =	vshll.u32 v3, $0x10;
	[tilespmem:s21+$0x830] =	vst v3  }
0x1af: {  	[tilespmem:s21+$0x820] =	vst v24;
	v3 =	vadd.bf16 v7, v8;
	v7 =	vld [tilespmem:s4+$0xC20]  }
0x1b0: {  	v8 =	vld [tilespmem:s18+$0x420]  }
0x1b1: {  	v12 =	vld [tilespmem:s18+$0x4A0];
	v3 =	vadd.bf16 v6, v3  }
0x1b2: {  	v6 =	vadd.bf16 v10, v9  }
0x1b3: {  	v9 =	vld [tilespmem:s20+$0x420];
	v10 =	vshll.u32 v3, $0x10;
	[tilespmem:s19+$0x850] =	vst v3  }
0x1b4: {  	v3 =	vadd.bf16 v4, v5;
	[tilespmem:s19+$0x840] =	vst v10;
	v4 =	vadd.bf16 v7, v6  }
0x1b5: {  	v5 =	vld [tilespmem:s7+$0x430]  }
0x1b6: {  	v3 =	vadd.bf16 v11, v3;
	v6 =	vadd.bf16 v12, v8;
	v7 =	vld [tilespmem:s8+$0x430];
	v8 =	vshll.u32 v4, $0x10;
	[tilespmem:s31+$0x1850] =	vst v4  }
0x1b7: {  	v4 =	vld [tilespmem:s9+$0x430];
	[tilespmem:s31+$0x1840] =	vst v8  }
0x1b8: {  	v8 =	vshll.u32 v3, $0x10;
	[tilespmem:s16+$0x1450] =	vst v3;
	v3 =	vadd.bf16 v9, v6;
	v6 =	vld [tilespmem:s1+$0xC30]  }
0x1b9: {  	[tilespmem:s16+$0x1440] =	vst v8;
	v8 =	vld [tilespmem:s22+$0xC30]  }
0x1ba: {  	v9 =	vld [tilespmem:s30+$0x870];
	v10 =	vshll.u32 v3, $0x10;
	[tilespmem:s21+$0x850] =	vst v3  }
0x1bb: {  	[tilespmem:s21+$0x840] =	vst v10;
	v3 =	vadd.bf16 v7, v5;
	v5 =	vld [tilespmem:s4+$0xC30]  }
0x1bc: {  	v7 =	vld [tilespmem:s18+$0x430]  }
0x1bd: {  	v10 =	vld [tilespmem:s18+$0x4B0];
	v3 =	vadd.bf16 v4, v3  }
0x1be: {  	v4 =	vld [tilespmem:s30+$0x8F0];
	v6 =	vadd.bf16 v8, v6  }
0x1bf: {  	v8 =	vld [tilespmem:s20+$0x430];
	v11 =	vshll.u32 v3, $0x10;
	[tilespmem:s19+$0x870] =	vst v3  }
0x1c0: {  	v3 =	vld [tilespmem:s0+$0x870];
	[tilespmem:s19+$0x860] =	vst v11;
	v5 =	vadd.bf16 v5, v6  }
0x1c1: {  	v6 =	vld [tilespmem:s7+$0x440]  }
0x1c2: {  	v7 =	vadd.bf16 v10, v7;
	v10 =	vld [tilespmem:s8+$0x440];
	v11 =	vshll.u32 v5, $0x10;
	[tilespmem:s31+$0x1870] =	vst v5  }
0x1c3: {  	v5 =	vld [tilespmem:s9+$0x440];
	[tilespmem:s31+$0x1860] =	vst v11  }
0x1c4: {  	v4 =	vadd.bf16 v4, v9;
	v7 =	vadd.bf16 v8, v7;
	v8 =	vld [tilespmem:s1+$0xC40]  }
0x1c5: {  	v9 =	vld [tilespmem:s22+$0xC40]  }
0x1c6: {  	v3 =	vadd.bf16 v3, v4;
	v4 =	vshll.u32 v7, $0x10;
	[tilespmem:s21+$0x870] =	vst v7  }
0x1c7: {  	[tilespmem:s21+$0x860] =	vst v4;
	v4 =	vadd.bf16 v10, v6;
	v6 =	vld [tilespmem:s4+$0xC40]  }
0x1c8: {  	v7 =	vshll.u32 v3, $0x10;
	[tilespmem:s16+$0x1470] =	vst v3;
	v3 =	vld [tilespmem:s18+$0x440]  }
0x1c9: {  	[tilespmem:s16+$0x1460] =	vst v7;
	v7 =	vld [tilespmem:s18+$0x4C0];
	v4 =	vadd.bf16 v5, v4  }
0x1ca: {  	v5 =	vld [tilespmem:s30+$0xC00];
	v8 =	vadd.bf16 v9, v8  }
0x1cb: {  	v9 =	vld [tilespmem:s20+$0x440];
	v10 =	vshll.u32 v4, $0x10;
	[tilespmem:s19+$0xC10] =	vst v4  }
0x1cc: {  	v11 =	vld [tilespmem:s0+$0xC00];
	[tilespmem:s19+$0xC00] =	vst v10;
	v6 =	vadd.bf16 v6, v8  }
0x1cd: {  	v8 =	vld [tilespmem:s7+$0x450]  }
0x1ce: {  	v3 =	vadd.bf16 v7, v3;
	v7 =	vld [tilespmem:s8+$0x450];
	v10 =	vshll.u32 v6, $0x10;
	[tilespmem:s31+$0x1C10] =	vst v6  }
0x1cf: {  	v6 =	vld [tilespmem:s9+$0x450];
	[tilespmem:s31+$0x1C00] =	vst v10  }
0x1d0: {  	v3 =	vadd.bf16 v9, v3;
	v9 =	vld [tilespmem:s1+$0xC50]  }
0x1d1: {  	v10 =	vld [tilespmem:s22+$0xC50]  }
0x1d2: {  	v4 =	vld [tilespmem:s30+$0xC80];
	v25 =	vshll.u32 v3, $0x10;
	[tilespmem:s21+$0xC10] =	vst v3  }
0x1d3: {  	[tilespmem:s21+$0xC00] =	vst v25;
	v3 =	vadd.bf16 v7, v8;
	v7 =	vld [tilespmem:s4+$0xC50]  }
0x1d4: {  	v8 =	vld [tilespmem:s18+$0x450]  }
0x1d5: {  	v12 =	vld [tilespmem:s18+$0x4D0];
	v3 =	vadd.bf16 v6, v3  }
0x1d6: {  	v6 =	vadd.bf16 v10, v9  }
0x1d7: {  	v9 =	vld [tilespmem:s20+$0x450];
	v10 =	vshll.u32 v3, $0x10;
	[tilespmem:s19+$0xC30] =	vst v3  }
0x1d8: {  	v3 =	vadd.bf16 v4, v5;
	[tilespmem:s19+$0xC20] =	vst v10;
	v4 =	vadd.bf16 v7, v6  }
0x1d9: {  	v5 =	vld [tilespmem:s9+$0x460]  }
0x1da: {  	v3 =	vadd.bf16 v11, v3;
	v6 =	vadd.bf16 v12, v8;
	v7 =	vld [tilespmem:s7+$0x460];
	v8 =	vshll.u32 v4, $0x10;
	[tilespmem:s31+$0x1C30] =	vst v4  }
0x1db: {  	v4 =	vld [tilespmem:s8+$0x460];
	[tilespmem:s31+$0x1C20] =	vst v8  }
0x1dc: {  	v8 =	vshll.u32 v3, $0x10;
	[tilespmem:s16+$0x1810] =	vst v3;
	v3 =	vadd.bf16 v9, v6;
	v6 =	vld [tilespmem:s1+$0xC60]  }
0x1dd: {  	[tilespmem:s16+$0x1800] =	vst v8;
	v8 =	vld [tilespmem:s22+$0xC60]  }
0x1de: {  	v9 =	vld [tilespmem:s30+$0xC10];
	v10 =	vshll.u32 v3, $0x10;
	[tilespmem:s21+$0xC30] =	vst v3  }
0x1df: {  	v3 =	vld [tilespmem:s4+$0xC60];
	[tilespmem:s21+$0xC20] =	vst v10  }
0x1e0: {  	v10 =	vld [tilespmem:s18+$0x460];
	v4 =	vadd.bf16 v4, v7  }
0x1e1: {  	v7 =	vld [tilespmem:s18+$0x4E0]  }
0x1e2: {  	v11 =	vld [tilespmem:s30+$0xC90];
	v4 =	vadd.bf16 v5, v4;
	v5 =	vadd.bf16 v8, v6  }
0x1e3: {  	v6 =	vld [tilespmem:s20+$0x460]  }
0x1e4: {  	v8 =	vshll.u32 v4, $0x10;
	[tilespmem:s19+$0xC50] =	vst v4;
	v3 =	vadd.bf16 v3, v5  }
0x1e5: {  	v4 =	vld [tilespmem:s0+$0xC10];
	[tilespmem:s19+$0xC40] =	vst v8  }
0x1e6: {  	v5 =	vadd.bf16 v7, v10;
	v7 =	vld [tilespmem:s7+$0x470];
	v8 =	vshll.u32 v3, $0x10;
	[tilespmem:s31+$0x1C50] =	vst v3  }
0x1e7: {  	v10 =	vld [tilespmem:s8+$0x470];
	[tilespmem:s31+$0x1C40] =	vst v8  }
0x1e8: {  	v8 =	vadd.bf16 v11, v9;
	v6 =	vadd.bf16 v6, v5;
	v3 =	vld [tilespmem:s1+$0xC70]  }
0x1e9: {  	v5 =	vld [tilespmem:s22+$0xC70]  }
0x1ea: {  	s6 =	simm.s32 $0x880;
	s25 =	simm.s32 $0x780;
	s3 =	simm.s32 $0x2200;
	v8 =	vadd.bf16 v4, v8;
	v4 =	vshll.u32 v6, $0x10;
	[tilespmem:s21+$0xC50] =	vst v6;
	v6 =	vld [tilespmem:s9+$0x470]  }
0x1eb: {  	s10 =	sand.u32 $0xF000, s3;
	s1 =	sand.u32 $0x380, s25;
	s25 =	simm.s32 $0x2000;
	[tilespmem:s21+$0xC40] =	vst v4;
	v4 =	vld [tilespmem:s4+$0xC70]  }
0x1ec: {  	s6 =	sand.u32 $0x380, s6;
	s10 =	sadd.s32 s10, s17;
	s24 =	sand.u32 $0xF000, s25;
	v11 =	vld [tilespmem:s18+$0x470]  }
0x1ed: {  	s26 =	simm.s32 $0x1E00;
	s3 =	sadd.s32 s24, s17;
	s24 =	sadd.s32 s6, s10;
	v9 =	vshll.u32 v8, $0x10;
	[tilespmem:s16+$0x1830] =	vst v8;
	v8 =	vld [tilespmem:s20+$0x470]  }
0x1ee: {  	s4 =	sand.u32 $0x7000, s26;
	v7 =	vadd.bf16 v10, v7;
	v27 =	vld [tilespmem:s24+$0x0]  }
0x1ef: {  	s23 =	simm.s32 $0x800;
	s4 =	sadd.s32 s4, s17;
	[tilespmem:s16+$0x1820] =	vst v9;
	v9 =	vld [tilespmem:s18+$0x4F0]  }
0x1f0: {  	s26 =	sand.u32 $0x300, s23;
	s22 =	sadd.s32 s1, s4;
	v10 =	vld [tilespmem:s30+$0xC20];
	v6 =	vadd.bf16 v6, v7  }
0x1f1: {  	s11 =	simm.s32 $0x1800;
	s25 =	simm.s32 $0x600;
	s23 =	sadd.s32 s26, s3;
	v26 =	vld [tilespmem:s22+$0x0]  }
0x1f2: {  	s10 =	simm.s32 $0x700;
	s26 =	sand.u32 $0x7000, s11;
	s3 =	simm.s32 $0x1C00;
	v13 =	vshll.u32 v6, $0x10;
	[tilespmem:s19+$0xC70] =	vst v6;
	v6 =	vld [tilespmem:s23+$0x0]  }
0x1f3: {  	s1 =	sand.u32 $0x300, s25;
	s4 =	sadd.s32 s26, s17;
	s6 =	sand.u32 $0xF000, s3;
	v7 =	vld [tilespmem:s30+$0xCA0];
	[tilespmem:s19+$0xC60] =	vst v13  }
0x1f4: {  	s25 =	sadd.s32 s1, s4;
	s4 =	sand.u32 $0x300, s10;
	s10 =	sadd.s32 s6, s17;
	v9 =	vadd.bf16 v9, v11;
	v11 =	vld [tilespmem:s7+$0x800]  }
0x1f5: {  	s26 =	sadd.s32 s4, s10;
	v14 =	vld [tilespmem:s8+$0x800]  }
0x1f6: {  	v29 =	vld [tilespmem:s26+$0x0];
	v8 =	vadd.bf16 v8, v9  }
0x1f7: {  	s1 =	simm.s32 $0x1000;
	v28 =	vld [tilespmem:s9+$0x800];
	v6 =	vadd.bf16 v6, v26  }
0x1f8: {  	s11 =	sand.u32 $0x2000, s1;
	s4 =	simm.s32 $0x280;
	v9 =	vld [tilespmem:s25+$0x0];
	v15 =	vshll.u32 v8, $0x10;
	[tilespmem:s21+$0xC70] =	vst v8  }
0x1f9: {  	s10 =	sadd.s32 s11, s15;
	s3 =	sand.u32 $0x380, s4;
	v8 =	vld [tilespmem:s25+$0x80];
	[tilespmem:s21+$0xC60] =	vst v15;
	v6 =	vadd.bf16 v27, v6  }
0x1fa: {  	s28 =	sadd.s32 s3, s10;
	v30 =	vld [tilespmem:s18+$0x800];
	v11 =	vadd.bf16 v14, v11  }
0x1fb: {  	v32 =	vld [tilespmem:s20+$0x800];
	v31 =	vshll.u32 v6, $0x10;
	[tilespmem:s28+$0x10] =	vst v6  }
0x1fc: {  	v6 =	vld [tilespmem:s18+$0x880];
	v11 =	vadd.bf16 v28, v11;
	[tilespmem:s28+$0x0] =	vst v31  }
0x1fd: {  	v33 =	vld [tilespmem:s22+$0x10]  }
0x1fe: {  	v8 =	vadd.bf16 v8, v9;
	v9 =	vld [tilespmem:s23+$0x10];
	v16 =	vshll.u32 v11, $0x10;
	[tilespmem:s19+$0x1010] =	vst v11  }
0x1ff: {  	s6 =	simm.s32 $0x200;
	v11 =	vld [tilespmem:s24+$0x10];
	[tilespmem:s19+$0x1000] =	vst v16  }
0x200: {  	s11 =	sand.u32 $0x300, s6;
	v8 =	vadd.bf16 v29, v8;
	v34 =	vld [tilespmem:s7+$0x810]  }
0x201: {  	s29 =	sadd.s32 s11, s10;
	v35 =	vld [tilespmem:s8+$0x810];
	v6 =	vadd.bf16 v6, v30  }
0x202: {  	v37 =	vld [tilespmem:s9+$0x810];
	v36 =	vshll.u32 v8, $0x10;
	[tilespmem:s29+$0x10] =	vst v8  }
0x203: {  	v8 =	vld [tilespmem:s0+$0xC20];
	[tilespmem:s29+$0x0] =	vst v36;
	v6 =	vadd.bf16 v32, v6;
	v9 =	vadd.bf16 v9, v33  }
0x204: {  	v38 =	vld [tilespmem:s25+$0x10]  }
0x205: {  	v39 =	vshll.u32 v6, $0x10;
	[tilespmem:s21+$0x1010] =	vst v6;
	v6 =	vld [tilespmem:s25+$0x90];
	v9 =	vadd.bf16 v11, v9  }
0x206: {  	v11 =	vld [tilespmem:s26+$0x10];
	v13 =	vadd.bf16 v35, v34;
	[tilespmem:s21+$0x1000] =	vst v39  }
0x207: {  	v40 =	vshll.u32 v9, $0x10;
	[tilespmem:s28+$0x30] =	vst v9;
	v9 =	vld [tilespmem:s18+$0x810]  }
0x208: {  	v41 =	vld [tilespmem:s18+$0x890];
	v12 =	vadd.bf16 v37, v13;
	[tilespmem:s28+$0x20] =	vst v40  }
0x209: {  	v42 =	vld [tilespmem:s22+$0x20]  }
0x20a: {  	v43 =	vld [tilespmem:s23+$0x20];
	v44 =	vshll.u32 v12, $0x10;
	[tilespmem:s19+$0x1030] =	vst v12;
	v6 =	vadd.bf16 v6, v38  }
0x20b: {  	v45 =	vld [tilespmem:s24+$0x20];
	[tilespmem:s19+$0x1020] =	vst v44  }
0x20c: {  	v7 =	vadd.bf16 v7, v10;
	v10 =	vld [tilespmem:s8+$0x820];
	v6 =	vadd.bf16 v11, v6  }
0x20d: {  	v11 =	vld [tilespmem:s7+$0x820]  }
0x20e: {  	v47 =	vld [tilespmem:s9+$0x820];
	v46 =	vshll.u32 v6, $0x10;
	[tilespmem:s29+$0x30] =	vst v6  }
0x20f: {  	v7 =	vadd.bf16 v8, v7;
	v6 =	vld [tilespmem:s20+$0x810];
	v8 =	vadd.bf16 v43, v42;
	[tilespmem:s29+$0x20] =	vst v46  }
0x210: {  	v48 =	vld [tilespmem:s25+$0x20]  }
0x211: {  	v49 =	vshll.u32 v7, $0x10;
	[tilespmem:s16+$0x1850] =	vst v7;
	v7 =	vld [tilespmem:s25+$0xA0];
	v8 =	vadd.bf16 v45, v8  }
0x212: {  	[tilespmem:s16+$0x1840] =	vst v49;
	v50 =	vld [tilespmem:s26+$0x20];
	v10 =	vadd.bf16 v10, v11  }
0x213: {  	v11 =	vshll.u32 v8, $0x10;
	[tilespmem:s28+$0x50] =	vst v8;
	v8 =	vld [tilespmem:s30+$0xC30]  }
0x214: {  	v9 =	vadd.bf16 v41, v9;
	[tilespmem:s28+$0x40] =	vst v11;
	v10 =	vadd.bf16 v47, v10;
	v11 =	vld [tilespmem:s30+$0xCB0]  }
0x215: {  	v51 =	vld [tilespmem:s22+$0x30]  }
0x216: {  	v6 =	vadd.bf16 v6, v9;
	v9 =	vld [tilespmem:s23+$0x30];
	v7 =	vadd.bf16 v7, v48;
	v52 =	vshll.u32 v10, $0x10;
	[tilespmem:s19+$0x1050] =	vst v10  }
0x217: {  	v10 =	vld [tilespmem:s24+$0x30];
	[tilespmem:s19+$0x1040] =	vst v52  }
0x218: {  	v53 =	vshll.u32 v6, $0x10;
	[tilespmem:s21+$0x1030] =	vst v6;
	v6 =	vadd.bf16 v50, v7;
	v7 =	vld [tilespmem:s7+$0x830]  }
0x219: {  	[tilespmem:s21+$0x1020] =	vst v53;
	v54 =	vld [tilespmem:s8+$0x830]  }
0x21a: {  	v56 =	vld [tilespmem:s9+$0x830];
	v55 =	vshll.u32 v6, $0x10;
	[tilespmem:s29+$0x50] =	vst v6  }
0x21b: {  	v59 =	vld [tilespmem:s20+$0x820];
	v9 =	vadd.bf16 v9, v51;
	[tilespmem:s29+$0x40] =	vst v55  }
0x21c: {  	v14 =	vld [tilespmem:s25+$0x30]  }
0x21d: {  	v57 =	vld [tilespmem:s25+$0xB0];
	v9 =	vadd.bf16 v10, v9  }
0x21e: {  	v6 =	vld [tilespmem:s18+$0x820];
	v7 =	vadd.bf16 v54, v7  }
0x21f: {  	v10 =	vld [tilespmem:s26+$0x30];
	v58 =	vshll.u32 v9, $0x10;
	[tilespmem:s28+$0x70] =	vst v9  }
0x220: {  	v9 =	vld [tilespmem:s18+$0x8A0];
	[tilespmem:s28+$0x60] =	vst v58;
	v7 =	vadd.bf16 v56, v7  }
0x221: {  	v60 =	vld [tilespmem:s22+$0x40]  }
0x222: {  	v61 =	vld [tilespmem:s23+$0x40];
	v14 =	vadd.bf16 v57, v14;
	v62 =	vshll.u32 v7, $0x10;
	[tilespmem:s19+$0x1070] =	vst v7  }
0x223: {  	v7 =	vld [tilespmem:s24+$0x40];
	[tilespmem:s19+$0x1060] =	vst v62  }
0x224: {  	v10 =	vadd.bf16 v10, v14;
	v63 =	vld [tilespmem:s7+$0x840]  }
0x225: {  	v6 =	vadd.bf16 v9, v6;
	v9 =	vld [tilespmem:s8+$0x840]  }
0x226: {  	v22 =	vld [tilespmem:s9+$0x840];
	v20 =	vshll.u32 v10, $0x10;
	[tilespmem:s29+$0x70] =	vst v10  }
0x227: {  	v10 =	vld [tilespmem:s0+$0xC30];
	v6 =	vadd.bf16 v59, v6;
	v21 =	vadd.bf16 v61, v60;
	[tilespmem:s29+$0x60] =	vst v20  }
0x228: {  	v23 =	vld [tilespmem:s25+$0x40]  }
0x229: {  	v24 =	vshll.u32 v6, $0x10;
	[tilespmem:s21+$0x1050] =	vst v6;
	v6 =	vld [tilespmem:s25+$0xC0];
	v7 =	vadd.bf16 v7, v21  }
0x22a: {  	v25 =	vld [tilespmem:s26+$0x40];
	[tilespmem:s21+$0x1040] =	vst v24;
	v9 =	vadd.bf16 v9, v63  }
0x22b: {  	v26 =	vshll.u32 v7, $0x10;
	[tilespmem:s28+$0x410] =	vst v7;
	v7 =	vld [tilespmem:s18+$0x830]  }
0x22c: {  	v27 =	vld [tilespmem:s18+$0x8B0];
	[tilespmem:s28+$0x400] =	vst v26;
	v9 =	vadd.bf16 v22, v9  }
0x22d: {  	v28 =	vld [tilespmem:s22+$0x50]  }
0x22e: {  	v29 =	vld [tilespmem:s23+$0x50];
	v6 =	vadd.bf16 v6, v23;
	v30 =	vshll.u32 v9, $0x10;
	[tilespmem:s19+$0x1410] =	vst v9  }
0x22f: {  	v9 =	vld [tilespmem:s24+$0x50];
	[tilespmem:s19+$0x1400] =	vst v30  }
0x230: {  	v8 =	vadd.bf16 v11, v8;
	v6 =	vadd.bf16 v25, v6;
	v31 =	vld [tilespmem:s7+$0x850]  }
0x231: {  	v11 =	vld [tilespmem:s8+$0x850]  }
0x232: {  	v8 =	vadd.bf16 v10, v8;
	v33 =	vld [tilespmem:s9+$0x850];
	v32 =	vshll.u32 v6, $0x10;
	[tilespmem:s29+$0x410] =	vst v6  }
0x233: {  	v6 =	vld [tilespmem:s20+$0x830];
	v10 =	vadd.bf16 v29, v28;
	[tilespmem:s29+$0x400] =	vst v32  }
0x234: {  	v35 =	vshll.u32 v8, $0x10;
	[tilespmem:s16+$0x1870] =	vst v8;
	v34 =	vld [tilespmem:s25+$0x50]  }
0x235: {  	[tilespmem:s16+$0x1860] =	vst v35;
	v8 =	vld [tilespmem:s25+$0xD0];
	v9 =	vadd.bf16 v9, v10  }
0x236: {  	v37 =	vld [tilespmem:s30+$0xCC0];
	v11 =	vadd.bf16 v11, v31  }
0x237: {  	v10 =	vld [tilespmem:s26+$0x50];
	v36 =	vshll.u32 v9, $0x10;
	[tilespmem:s28+$0x430] =	vst v9  }
0x238: {  	v7 =	vadd.bf16 v27, v7;
	v9 =	vld [tilespmem:s30+$0xC40];
	[tilespmem:s28+$0x420] =	vst v36;
	v11 =	vadd.bf16 v33, v11  }
0x239: {  	v38 =	vld [tilespmem:s22+$0x60]  }
0x23a: {  	v6 =	vadd.bf16 v6, v7;
	v7 =	vadd.bf16 v8, v34;
	v8 =	vld [tilespmem:s23+$0x60];
	v39 =	vshll.u32 v11, $0x10;
	[tilespmem:s19+$0x1430] =	vst v11  }
0x23b: {  	v11 =	vld [tilespmem:s24+$0x60];
	[tilespmem:s19+$0x1420] =	vst v39  }
0x23c: {  	v40 =	vshll.u32 v6, $0x10;
	[tilespmem:s21+$0x1070] =	vst v6;
	v6 =	vadd.bf16 v10, v7;
	v7 =	vld [tilespmem:s7+$0x860]  }
0x23d: {  	[tilespmem:s21+$0x1060] =	vst v40;
	v10 =	vld [tilespmem:s8+$0x860]  }
0x23e: {  	v42 =	vld [tilespmem:s9+$0x860];
	v41 =	vshll.u32 v6, $0x10;
	[tilespmem:s29+$0x430] =	vst v6  }
0x23f: {  	v6 =	vld [tilespmem:s18+$0x840];
	[tilespmem:s29+$0x420] =	vst v41;
	v8 =	vadd.bf16 v8, v38  }
0x240: {  	v14 =	vld [tilespmem:s25+$0x60]  }
0x241: {  	v43 =	vld [tilespmem:s25+$0xE0];
	v8 =	vadd.bf16 v11, v8  }
0x242: {  	v11 =	vld [tilespmem:s26+$0x60];
	v7 =	vadd.bf16 v10, v7  }
0x243: {  	v10 =	vshll.u32 v8, $0x10;
	[tilespmem:s28+$0x450] =	vst v8;
	v8 =	vld [tilespmem:s18+$0x8C0]  }
0x244: {  	v7 =	vadd.bf16 v42, v7;
	[tilespmem:s28+$0x440] =	vst v10;
	v10 =	vld [tilespmem:s20+$0x840]  }
0x245: {  	v44 =	vld [tilespmem:s22+$0x70]  }
0x246: {  	v14 =	vadd.bf16 v43, v14;
	v45 =	vld [tilespmem:s23+$0x70];
	v46 =	vshll.u32 v7, $0x10;
	[tilespmem:s19+$0x1450] =	vst v7  }
0x247: {  	v7 =	vld [tilespmem:s24+$0x70];
	[tilespmem:s19+$0x1440] =	vst v46  }
0x248: {  	v11 =	vadd.bf16 v11, v14;
	v47 =	vld [tilespmem:s7+$0x870]  }
0x249: {  	v6 =	vadd.bf16 v8, v6;
	v8 =	vld [tilespmem:s8+$0x870]  }
0x24a: {  	v49 =	vld [tilespmem:s9+$0x870];
	v48 =	vshll.u32 v11, $0x10;
	[tilespmem:s29+$0x450] =	vst v11  }
0x24b: {  	v11 =	vld [tilespmem:s0+$0xC40];
	v6 =	vadd.bf16 v10, v6;
	[tilespmem:s29+$0x440] =	vst v48;
	v10 =	vadd.bf16 v45, v44  }
0x24c: {  	v50 =	vld [tilespmem:s25+$0x70]  }
0x24d: {  	v51 =	vshll.u32 v6, $0x10;
	[tilespmem:s21+$0x1410] =	vst v6;
	v6 =	vld [tilespmem:s25+$0xF0];
	v7 =	vadd.bf16 v7, v10  }
0x24e: {  	v10 =	vld [tilespmem:s26+$0x70];
	[tilespmem:s21+$0x1400] =	vst v51;
	v8 =	vadd.bf16 v8, v47  }
0x24f: {  	v52 =	vshll.u32 v7, $0x10;
	[tilespmem:s28+$0x470] =	vst v7;
	v7 =	vld [tilespmem:s18+$0x850]  }
0x250: {  	v53 =	vld [tilespmem:s18+$0x8D0];
	[tilespmem:s28+$0x460] =	vst v52;
	v8 =	vadd.bf16 v49, v8  }
0x251: {  	v54 =	vld [tilespmem:s22+$0x400]  }
0x252: {  	v55 =	vld [tilespmem:s23+$0x400];
	v6 =	vadd.bf16 v6, v50;
	v56 =	vshll.u32 v8, $0x10;
	[tilespmem:s19+$0x1470] =	vst v8  }
0x253: {  	v8 =	vld [tilespmem:s24+$0x400];
	[tilespmem:s19+$0x1460] =	vst v56  }
0x254: {  	v9 =	vadd.bf16 v37, v9;
	v6 =	vadd.bf16 v10, v6;
	v10 =	vld [tilespmem:s7+$0xC00]  }
0x255: {  	v57 =	vld [tilespmem:s8+$0xC00]  }
0x256: {  	v9 =	vadd.bf16 v11, v9;
	v59 =	vld [tilespmem:s9+$0xC00];
	v58 =	vshll.u32 v6, $0x10;
	[tilespmem:s29+$0x470] =	vst v6  }
0x257: {  	v6 =	vld [tilespmem:s20+$0x850];
	v11 =	vadd.bf16 v55, v54;
	[tilespmem:s29+$0x460] =	vst v58  }
0x258: {  	v61 =	vshll.u32 v9, $0x10;
	[tilespmem:s16+$0x1C10] =	vst v9;
	v60 =	vld [tilespmem:s25+$0x400]  }
0x259: {  	[tilespmem:s16+$0x1C00] =	vst v61;
	v9 =	vld [tilespmem:s25+$0x480];
	v8 =	vadd.bf16 v8, v11  }
0x25a: {  	v63 =	vld [tilespmem:s30+$0xCD0];
	v10 =	vadd.bf16 v57, v10  }
0x25b: {  	v11 =	vld [tilespmem:s26+$0x400];
	v62 =	vshll.u32 v8, $0x10;
	[tilespmem:s28+$0x810] =	vst v8  }
0x25c: {  	v7 =	vadd.bf16 v53, v7;
	v8 =	vld [tilespmem:s30+$0xC50];
	[tilespmem:s28+$0x800] =	vst v62;
	v10 =	vadd.bf16 v59, v10  }
0x25d: {  	v18 =	vld [tilespmem:s22+$0x410]  }
0x25e: {  	v6 =	vadd.bf16 v6, v7;
	v7 =	vadd.bf16 v9, v60;
	v9 =	vld [tilespmem:s23+$0x410];
	v19 =	vshll.u32 v10, $0x10;
	[tilespmem:s19+$0x1810] =	vst v10  }
0x25f: {  	v10 =	vld [tilespmem:s24+$0x410];
	[tilespmem:s19+$0x1800] =	vst v19  }
0x260: {  	v20 =	vshll.u32 v6, $0x10;
	[tilespmem:s21+$0x1430] =	vst v6;
	v6 =	vadd.bf16 v11, v7;
	v7 =	vld [tilespmem:s7+$0xC10]  }
0x261: {  	[tilespmem:s21+$0x1420] =	vst v20;
	v11 =	vld [tilespmem:s8+$0xC10]  }
0x262: {  	v22 =	vld [tilespmem:s9+$0xC10];
	v21 =	vshll.u32 v6, $0x10;
	[tilespmem:s29+$0x810] =	vst v6  }
0x263: {  	v6 =	vld [tilespmem:s18+$0x860];
	[tilespmem:s29+$0x800] =	vst v21;
	v9 =	vadd.bf16 v9, v18  }
0x264: {  	v14 =	vld [tilespmem:s25+$0x410]  }
0x265: {  	v23 =	vld [tilespmem:s25+$0x490];
	v9 =	vadd.bf16 v10, v9  }
0x266: {  	v10 =	vld [tilespmem:s26+$0x410];
	v7 =	vadd.bf16 v11, v7  }
0x267: {  	v11 =	vshll.u32 v9, $0x10;
	[tilespmem:s28+$0x830] =	vst v9;
	v9 =	vld [tilespmem:s18+$0x8E0]  }
0x268: {  	v7 =	vadd.bf16 v22, v7;
	[tilespmem:s28+$0x820] =	vst v11;
	v11 =	vld [tilespmem:s20+$0x860]  }
0x269: {  	v24 =	vld [tilespmem:s22+$0x420]  }
0x26a: {  	v14 =	vadd.bf16 v23, v14;
	v25 =	vld [tilespmem:s23+$0x420];
	v26 =	vshll.u32 v7, $0x10;
	[tilespmem:s19+$0x1830] =	vst v7  }
0x26b: {  	v7 =	vld [tilespmem:s24+$0x420];
	[tilespmem:s19+$0x1820] =	vst v26  }
0x26c: {  	v10 =	vadd.bf16 v10, v14;
	v27 =	vld [tilespmem:s7+$0xC20]  }
0x26d: {  	v6 =	vadd.bf16 v9, v6;
	v9 =	vld [tilespmem:s8+$0xC20]  }
0x26e: {  	v29 =	vld [tilespmem:s9+$0xC20];
	v28 =	vshll.u32 v10, $0x10;
	[tilespmem:s29+$0x830] =	vst v10  }
0x26f: {  	v10 =	vld [tilespmem:s0+$0xC50];
	v6 =	vadd.bf16 v11, v6;
	[tilespmem:s29+$0x820] =	vst v28;
	v11 =	vadd.bf16 v25, v24  }
0x270: {  	v30 =	vld [tilespmem:s25+$0x420]  }
0x271: {  	v31 =	vshll.u32 v6, $0x10;
	[tilespmem:s21+$0x1450] =	vst v6;
	v6 =	vld [tilespmem:s25+$0x4A0];
	v7 =	vadd.bf16 v7, v11  }
0x272: {  	v11 =	vld [tilespmem:s26+$0x420];
	[tilespmem:s21+$0x1440] =	vst v31;
	v9 =	vadd.bf16 v9, v27  }
0x273: {  	v32 =	vshll.u32 v7, $0x10;
	[tilespmem:s28+$0x850] =	vst v7;
	v7 =	vld [tilespmem:s18+$0x870]  }
0x274: {  	v33 =	vld [tilespmem:s18+$0x8F0];
	[tilespmem:s28+$0x840] =	vst v32;
	v9 =	vadd.bf16 v29, v9  }
0x275: {  	v34 =	vld [tilespmem:s22+$0x430]  }
0x276: {  	v35 =	vld [tilespmem:s23+$0x430];
	v6 =	vadd.bf16 v6, v30;
	v36 =	vshll.u32 v9, $0x10;
	[tilespmem:s19+$0x1850] =	vst v9  }
0x277: {  	v9 =	vld [tilespmem:s24+$0x430];
	[tilespmem:s19+$0x1840] =	vst v36  }
0x278: {  	v8 =	vadd.bf16 v63, v8;
	v6 =	vadd.bf16 v11, v6;
	v11 =	vld [tilespmem:s7+$0xC30]  }
0x279: {  	v37 =	vld [tilespmem:s8+$0xC30]  }
0x27a: {  	v8 =	vadd.bf16 v10, v8;
	v39 =	vld [tilespmem:s9+$0xC30];
	v38 =	vshll.u32 v6, $0x10;
	[tilespmem:s29+$0x850] =	vst v6  }
0x27b: {  	v6 =	vld [tilespmem:s20+$0x870];
	v10 =	vadd.bf16 v35, v34;
	[tilespmem:s29+$0x840] =	vst v38  }
0x27c: {  	v41 =	vshll.u32 v8, $0x10;
	[tilespmem:s16+$0x1C30] =	vst v8;
	v40 =	vld [tilespmem:s25+$0x430]  }
0x27d: {  	[tilespmem:s16+$0x1C20] =	vst v41;
	v8 =	vld [tilespmem:s25+$0x4B0];
	v9 =	vadd.bf16 v9, v10  }
0x27e: {  	v43 =	vld [tilespmem:s30+$0xCE0];
	v11 =	vadd.bf16 v37, v11  }
0x27f: {  	v10 =	vld [tilespmem:s26+$0x430];
	v42 =	vshll.u32 v9, $0x10;
	[tilespmem:s28+$0x870] =	vst v9  }
0x280: {  	v7 =	vadd.bf16 v33, v7;
	v9 =	vld [tilespmem:s30+$0xC60];
	[tilespmem:s28+$0x860] =	vst v42;
	v11 =	vadd.bf16 v39, v11  }
0x281: {  	v44 =	vld [tilespmem:s22+$0x440]  }
0x282: {  	v6 =	vadd.bf16 v6, v7;
	v7 =	vadd.bf16 v8, v40;
	v8 =	vld [tilespmem:s23+$0x440];
	v45 =	vshll.u32 v11, $0x10;
	[tilespmem:s19+$0x1870] =	vst v11  }
0x283: {  	v11 =	vld [tilespmem:s24+$0x440];
	[tilespmem:s19+$0x1860] =	vst v45  }
0x284: {  	v46 =	vshll.u32 v6, $0x10;
	[tilespmem:s21+$0x1470] =	vst v6;
	v6 =	vadd.bf16 v10, v7;
	v7 =	vld [tilespmem:s7+$0xC40]  }
0x285: {  	[tilespmem:s21+$0x1460] =	vst v46;
	v10 =	vld [tilespmem:s8+$0xC40]  }
0x286: {  	v48 =	vld [tilespmem:s9+$0xC40];
	v47 =	vshll.u32 v6, $0x10;
	[tilespmem:s29+$0x870] =	vst v6  }
0x287: {  	v6 =	vld [tilespmem:s18+$0xC00];
	[tilespmem:s29+$0x860] =	vst v47;
	v8 =	vadd.bf16 v8, v44  }
0x288: {  	v14 =	vld [tilespmem:s25+$0x440]  }
0x289: {  	v49 =	vld [tilespmem:s25+$0x4C0];
	v8 =	vadd.bf16 v11, v8  }
0x28a: {  	v11 =	vld [tilespmem:s26+$0x440];
	v7 =	vadd.bf16 v10, v7  }
0x28b: {  	v10 =	vshll.u32 v8, $0x10;
	[tilespmem:s28+$0xC10] =	vst v8;
	v8 =	vld [tilespmem:s18+$0xC80]  }
0x28c: {  	v7 =	vadd.bf16 v48, v7;
	[tilespmem:s28+$0xC00] =	vst v10;
	v10 =	vld [tilespmem:s20+$0xC00]  }
0x28d: {  	v50 =	vld [tilespmem:s22+$0x450]  }
0x28e: {  	v14 =	vadd.bf16 v49, v14;
	v51 =	vld [tilespmem:s23+$0x450];
	v52 =	vshll.u32 v7, $0x10;
	[tilespmem:s19+$0x1C10] =	vst v7  }
0x28f: {  	v7 =	vld [tilespmem:s24+$0x450];
	[tilespmem:s19+$0x1C00] =	vst v52  }
0x290: {  	v11 =	vadd.bf16 v11, v14;
	v53 =	vld [tilespmem:s7+$0xC50]  }
0x291: {  	v6 =	vadd.bf16 v8, v6;
	v8 =	vld [tilespmem:s8+$0xC50]  }
0x292: {  	v55 =	vld [tilespmem:s9+$0xC50];
	v54 =	vshll.u32 v11, $0x10;
	[tilespmem:s29+$0xC10] =	vst v11  }
0x293: {  	v11 =	vld [tilespmem:s0+$0xC60];
	v6 =	vadd.bf16 v10, v6;
	[tilespmem:s29+$0xC00] =	vst v54;
	v10 =	vadd.bf16 v51, v50  }
0x294: {  	v56 =	vld [tilespmem:s25+$0x450]  }
0x295: {  	[tilespmem:s21+$0x1810] =	vst v6;
	v6 =	vshll.u32 v6, $0x10;
	v7 =	vadd.bf16 v7, v10;
	v10 =	vld [tilespmem:s25+$0x4D0]  }
0x296: {  	[tilespmem:s21+$0x1800] =	vst v6;
	v6 =	vld [tilespmem:s26+$0x450];
	v8 =	vadd.bf16 v8, v53  }
0x297: {  	v57 =	vshll.u32 v7, $0x10;
	[tilespmem:s28+$0xC30] =	vst v7;
	v7 =	vld [tilespmem:s18+$0xC10]  }
0x298: {  	v58 =	vld [tilespmem:s18+$0xC90];
	[tilespmem:s28+$0xC20] =	vst v57;
	v8 =	vadd.bf16 v55, v8  }
0x299: {  	v59 =	vld [tilespmem:s24+$0x460]  }
0x29a: {  	v60 =	vld [tilespmem:s22+$0x460];
	v10 =	vadd.bf16 v10, v56;
	[tilespmem:s19+$0x1C30] =	vst v8;
	v8 =	vshll.u32 v8, $0x10  }
0x29b: {  	[tilespmem:s19+$0x1C20] =	vst v8;
	v8 =	vld [tilespmem:s23+$0x460]  }
0x29c: {  	v9 =	vadd.bf16 v43, v9;
	v6 =	vadd.bf16 v6, v10;
	v10 =	vld [tilespmem:s7+$0xC60]  }
0x29d: {  	v3 =	vadd.bf16 v5, v3;
	v61 =	vld [tilespmem:s8+$0xC60]  }
0x29e: {  	v9 =	vadd.bf16 v11, v9;
	v5 =	vshll.u32 v6, $0x10;
	[tilespmem:s29+$0xC30] =	vst v6;
	v6 =	vld [tilespmem:s20+$0xC10]  }
0x29f: {  	v3 =	vadd.bf16 v4, v3;
	[tilespmem:s29+$0xC20] =	vst v5;
	v5 =	vld [tilespmem:s9+$0xC60]  }
0x2a0: {  	v11 =	vshll.u32 v9, $0x10;
	[tilespmem:s16+$0x1C50] =	vst v9;
	v4 =	vld [tilespmem:s25+$0x460];
	v8 =	vadd.bf16 v8, v60  }
0x2a1: {  	[tilespmem:s16+$0x1C40] =	vst v11;
	v11 =	vshll.u32 v3, $0x10;
	v9 =	vld [tilespmem:s25+$0x4E0]  }
0x2a2: {  	[tilespmem:s31+$0x1C60] =	vst v11;
	v11 =	vld [tilespmem:s30+$0xC70];
	v10 =	vadd.bf16 v61, v10;
	v8 =	vadd.bf16 v59, v8  }
0x2a3: {  	[tilespmem:s31+$0x1C70] =	vst v3;
	v62 =	vld [tilespmem:s26+$0x460]  }
0x2a4: {  	v7 =	vadd.bf16 v58, v7;
	[tilespmem:s28+$0xC50] =	vst v8;
	v8 =	vshll.u32 v8, $0x10;
	v5 =	vadd.bf16 v5, v10;
	v10 =	vld [tilespmem:s30+$0xCF0]  }
0x2a5: {  	v63 =	vld [tilespmem:s0+$0xC70];
	[tilespmem:s28+$0xC40] =	vst v8  }
0x2a6: {  	v6 =	vadd.bf16 v6, v7;
	v4 =	vadd.bf16 v9, v4;
	v7 =	vld [tilespmem:s22+$0x470];
	v9 =	vshll.u32 v5, $0x10;
	[tilespmem:s19+$0x1C50] =	vst v5  }
0x2a7: {  	v8 =	vld [tilespmem:s23+$0x470];
	[tilespmem:s19+$0x1C40] =	vst v9  }
0x2a8: {  	[tilespmem:s21+$0x1830] =	vst v6;
	v5 =	vshll.u32 v6, $0x10;
	v4 =	vadd.bf16 v62, v4;
	v3 =	vld [tilespmem:s7+$0xC70]  }
0x2a9: {  	[tilespmem:s21+$0x1820] =	vst v5;
	v5 =	vld [tilespmem:s8+$0xC70];
	v9 =	vadd.bf16 v10, v11  }
0x2aa: {  	v11 =	vshll.u32 v4, $0x10;
	[tilespmem:s29+$0xC50] =	vst v4;
	v10 =	vld [tilespmem:s24+$0x470]  }
0x2ab: {  	v4 =	vld [tilespmem:s9+$0xC70];
	[tilespmem:s29+$0xC40] =	vst v11;
	v6 =	vadd.bf16 v63, v9  }
0x2ac: {  	s0 =	simm.s32 $0x4;
	s7 =	simm.s32 $0xA80;
	s8 =	simm.s32 $0x2A00;
	v9 =	vld [tilespmem:s25+$0x470]  }
.LBB2_3:
0x2ad: {  	s9 =	sand.u32 $0x380, s7;
	s10 =	sadd.s32 $0x400, s8;
	s11 =	sadd.s32 $0x100, s7;
	v11 =	vld [tilespmem:s25+$0x4F0];
	v7 =	vadd.bf16 v8, v7;
	v8 =	vshll.u32 v6, $0x10;
	[tilespmem:s16+$0x1C70] =	vst v6  }
0x2ae: {  	s30 =	sand.u32 $0x7000, s8;
	s31 =	sadd.s32 $0x200, s8;
	s3 =	sadd.s32 $0x80, s7;
	v6 =	vld [tilespmem:s26+$0x470];
	v3 =	vadd.bf16 v5, v3;
	[tilespmem:s16+$0x1C60] =	vst v8  }
0x2af: {  	s16 =	sadd.s32 s30, s17;
	s30 =	sand.u32 $0xF000, s31;
	s10 =	sand.u32 $0xF000, s10;
	v5 =	vadd.bf16 v10, v7;
	v7 =	vld [tilespmem:s18+$0xC20]  }
0x2b0: {  	s3 =	sand.u32 $0x300, s3;
	s9 =	sadd.s32 s9, s16;
	s16 =	sadd.s32 s30, s17;
	v8 =	vld [tilespmem:s18+$0xCA0];
	v3 =	vadd.bf16 v4, v3  }
0x2b1: {  	s10 =	sadd.s32 s10, s17;
	s30 =	sadd.s32 s3, s16;
	s3 =	sand.u32 $0x380, s11;
	v4 =	vld [tilespmem:s9+$0x0];
	v10 =	vshll.u32 v5, $0x10;
	[tilespmem:s28+$0xC70] =	vst v5  }
0x2b2: {  	s11 =	sadd.s32 $0xFFFFFA00, s8;
	s16 =	sadd.s32 $0xFFFFFE80, s7;
	s31 =	sadd.s32 s3, s10;
	v5 =	vld [tilespmem:s30+$0x0];
	v9 =	vadd.bf16 v11, v9;
	[tilespmem:s28+$0xC60] =	vst v10;
	v10 =	vshll.u32 v3, $0x10  }
0x2b3: {  	s3 =	sand.u32 $0x7000, s11;
	s10 =	sand.u32 $0x300, s16;
	s11 =	sadd.s32 $0xFFFFFE00, s8;
	v11 =	vld [tilespmem:s31+$0x0];
	[tilespmem:s19+$0x1C60] =	vst v10  }
0x2b4: {  	s16 =	sadd.s32 $0xFFFFFF80, s7;
	s3 =	sadd.s32 s3, s17;
	s11 =	sand.u32 $0xF000, s11;
	v6 =	vadd.bf16 v6, v9;
	v9 =	vld [tilespmem:s22+$0x800];
	[tilespmem:s19+$0x1C70] =	vst v3  }
0x2b5: {  	s10 =	sadd.s32 s10, s3;
	s3 =	sand.u32 $0x300, s16;
	s11 =	sadd.s32 s11, s17;
	v3 =	vld [tilespmem:s23+$0x800];
	v7 =	vadd.bf16 v8, v7  }
0x2b6: {  	s16 =	smov.u32 s21;
	s11 =	sadd.s32 s3, s11;
	s19 =	smov.u32 s28;
	v8 =	vld [tilespmem:s10+$0x0];
	v10 =	vshll.u32 v6, $0x10;
	[tilespmem:s29+$0xC70] =	vst v6  }
0x2b7: {  	s1 =	sadd.s32 $0x800, s1;
	s21 =	smov.u32 s29;
	v4 =	vadd.bf16 v5, v4;
	[tilespmem:s29+$0xC60] =	vst v10;
	v5 =	vld [tilespmem:s24+$0x800]  }
0x2b8: {  	s4 =	sadd.s32 $0x100, s4;
	s3 =	sand.u32 $0x2000, s1;
	v6 =	vld [tilespmem:s10+$0x80]  }
0x2b9: {  	s28 =	sadd.s32 $0xFFFFFF80, s4;
	s3 =	sadd.s32 s3, s15;
	s29 =	sand.u32 $0x380, s4;
	v10 =	vld [tilespmem:s11+$0x0];
	v4 =	vadd.bf16 v11, v4  }
0x2ba: {  	s6 =	sand.u32 $0x300, s28;
	s28 =	sadd.s32 s29, s3;
	v11 =	vld [tilespmem:s25+$0x800];
	v3 =	vadd.bf16 v3, v9  }
0x2bb: {  	s29 =	sadd.s32 s6, s3;
	v9 =	vshll.u32 v4, $0x10;
	[tilespmem:s28+$0x10] =	vst v4;
	v4 =	vld [tilespmem:s25+$0x880]  }
0x2bc: {  	[tilespmem:s28+$0x0] =	vst v9;
	v9 =	vld [tilespmem:s26+$0x800];
	v3 =	vadd.bf16 v5, v3  }
0x2bd: {  	v5 =	vadd.bf16 v6, v8;
	v6 =	vld [tilespmem:s9+$0x10]  }
0x2be: {  	v8 =	vld [tilespmem:s30+$0x10];
	v12 =	vshll.u32 v3, $0x10;
	[tilespmem:s19+$0x1010] =	vst v3  }
0x2bf: {  	v3 =	vadd.bf16 v10, v5;
	v5 =	vld [tilespmem:s31+$0x10];
	[tilespmem:s19+$0x1000] =	vst v12  }
0x2c0: {  	v4 =	vadd.bf16 v4, v11;
	v10 =	vld [tilespmem:s22+$0x810]  }
0x2c1: {  	v11 =	vshll.u32 v3, $0x10;
	[tilespmem:s29+$0x10] =	vst v3;
	v3 =	vld [tilespmem:s23+$0x810]  }
0x2c2: {  	[tilespmem:s29+$0x0] =	vst v11;
	v4 =	vadd.bf16 v9, v4;
	v9 =	vld [tilespmem:s20+$0xC20]  }
0x2c3: {  	v6 =	vadd.bf16 v8, v6;
	v8 =	vld [tilespmem:s24+$0x810]  }
0x2c4: {  	v11 =	vld [tilespmem:s10+$0x10];
	v12 =	vshll.u32 v4, $0x10;
	[tilespmem:s21+$0x1010] =	vst v4  }
0x2c5: {  	v4 =	vld [tilespmem:s10+$0x90];
	v5 =	vadd.bf16 v5, v6;
	[tilespmem:s21+$0x1000] =	vst v12  }
0x2c6: {  	v6 =	vld [tilespmem:s11+$0x10];
	v3 =	vadd.bf16 v3, v10  }
0x2c7: {  	v10 =	vshll.u32 v5, $0x10;
	[tilespmem:s28+$0x30] =	vst v5;
	v5 =	vld [tilespmem:s25+$0x810];
	v7 =	vadd.bf16 v9, v7  }
0x2c8: {  	[tilespmem:s28+$0x20] =	vst v10;
	v9 =	vld [tilespmem:s25+$0x890];
	v3 =	vadd.bf16 v8, v3  }
0x2c9: {  	v8 =	vld [tilespmem:s9+$0x20];
	v10 =	vshll.u32 v7, $0x10;
	[tilespmem:s16+$0x1850] =	vst v7  }
0x2ca: {  	v4 =	vadd.bf16 v4, v11;
	v7 =	vld [tilespmem:s30+$0x20];
	v11 =	vshll.u32 v3, $0x10;
	[tilespmem:s19+$0x1030] =	vst v3  }
0x2cb: {  	v3 =	vld [tilespmem:s31+$0x20];
	[tilespmem:s19+$0x1020] =	vst v11  }
0x2cc: {  	v4 =	vadd.bf16 v6, v4;
	v6 =	vld [tilespmem:s22+$0x820];
	[tilespmem:s16+$0x1840] =	vst v10  }
0x2cd: {  	v5 =	vadd.bf16 v9, v5;
	v9 =	vld [tilespmem:s23+$0x820]  }
0x2ce: {  	v10 =	vshll.u32 v4, $0x10;
	[tilespmem:s29+$0x30] =	vst v4;
	v4 =	vld [tilespmem:s26+$0x810]  }
0x2cf: {  	[tilespmem:s29+$0x20] =	vst v10;
	v7 =	vadd.bf16 v7, v8;
	v8 =	vld [tilespmem:s24+$0x820]  }
0x2d0: {  	s0 =	sadd.s32 $0x2, s0;
	v10 =	vld [tilespmem:s10+$0x20]  }
0x2d1: {  	p0 =	slt.u32 s0, $0xE;
	v11 =	vld [tilespmem:s10+$0xA0];
	v3 =	vadd.bf16 v3, v7  }
0x2d2: {  	v7 =	vld [tilespmem:s11+$0x20];
	v6 =	vadd.bf16 v9, v6  }
0x2d3: {  	v9 =	vshll.u32 v3, $0x10;
	[tilespmem:s28+$0x50] =	vst v3;
	v3 =	vadd.bf16 v4, v5;
	v4 =	vld [tilespmem:s18+$0xC30]  }
0x2d4: {  	[tilespmem:s28+$0x40] =	vst v9;
	v5 =	vadd.bf16 v8, v6;
	v6 =	vld [tilespmem:s18+$0xCB0]  }
0x2d5: {  	v8 =	vld [tilespmem:s9+$0x30];
	v9 =	vshll.u32 v3, $0x10;
	[tilespmem:s21+$0x1030] =	vst v3  }
0x2d6: {  	v3 =	vadd.bf16 v11, v10;
	v10 =	vld [tilespmem:s30+$0x30];
	v11 =	vshll.u32 v5, $0x10;
	[tilespmem:s19+$0x1050] =	vst v5  }
0x2d7: {  	v5 =	vld [tilespmem:s31+$0x30];
	[tilespmem:s19+$0x1040] =	vst v11  }
0x2d8: {  	v3 =	vadd.bf16 v7, v3;
	[tilespmem:s21+$0x1020] =	vst v9;
	v7 =	vld [tilespmem:s22+$0x830]  }
0x2d9: {  	v9 =	vld [tilespmem:s23+$0x830];
	v4 =	vadd.bf16 v6, v4  }
0x2da: {  	v6 =	vshll.u32 v3, $0x10;
	[tilespmem:s29+$0x50] =	vst v3;
	v3 =	vld [tilespmem:s25+$0x820]  }
0x2db: {  	[tilespmem:s29+$0x40] =	vst v6;
	v6 =	vadd.bf16 v10, v8;
	v8 =	vld [tilespmem:s24+$0x830]  }
0x2dc: {  	v10 =	vld [tilespmem:s10+$0x30]  }
0x2dd: {  	v11 =	vld [tilespmem:s10+$0xB0];
	v5 =	vadd.bf16 v5, v6  }
0x2de: {  	v6 =	vld [tilespmem:s11+$0x30];
	v7 =	vadd.bf16 v9, v7  }
0x2df: {  	v9 =	vshll.u32 v5, $0x10;
	[tilespmem:s28+$0x70] =	vst v5;
	v5 =	vld [tilespmem:s25+$0x8A0]  }
0x2e0: {  	[tilespmem:s28+$0x60] =	vst v9;
	v9 =	vld [tilespmem:s26+$0x820];
	v7 =	vadd.bf16 v8, v7  }
0x2e1: {  	v8 =	vld [tilespmem:s9+$0x40]  }
0x2e2: {  	v10 =	vadd.bf16 v11, v10;
	v11 =	vld [tilespmem:s30+$0x40];
	v12 =	vshll.u32 v7, $0x10;
	[tilespmem:s19+$0x1070] =	vst v7  }
0x2e3: {  	v7 =	vld [tilespmem:s31+$0x40];
	[tilespmem:s19+$0x1060] =	vst v12  }
0x2e4: {  	v6 =	vadd.bf16 v6, v10;
	v3 =	vadd.bf16 v5, v3;
	v5 =	vld [tilespmem:s22+$0x840]  }
0x2e5: {  	v10 =	vld [tilespmem:s23+$0x840]  }
0x2e6: {  	v12 =	vshll.u32 v6, $0x10;
	[tilespmem:s29+$0x70] =	vst v6;
	v3 =	vadd.bf16 v9, v3;
	v6 =	vld [tilespmem:s20+$0xC30]  }
0x2e7: {  	[tilespmem:s29+$0x60] =	vst v12;
	v8 =	vadd.bf16 v11, v8;
	v9 =	vld [tilespmem:s24+$0x840]  }
0x2e8: {  	v11 =	vld [tilespmem:s10+$0x40];
	v12 =	vshll.u32 v3, $0x10;
	[tilespmem:s21+$0x1050] =	vst v3  }
0x2e9: {  	v3 =	vld [tilespmem:s10+$0xC0];
	v7 =	vadd.bf16 v7, v8;
	[tilespmem:s21+$0x1040] =	vst v12  }
0x2ea: {  	v8 =	vld [tilespmem:s11+$0x40];
	v5 =	vadd.bf16 v10, v5  }
0x2eb: {  	v10 =	vshll.u32 v7, $0x10;
	[tilespmem:s28+$0x410] =	vst v7;
	v7 =	vld [tilespmem:s25+$0x830];
	v4 =	vadd.bf16 v6, v4  }
0x2ec: {  	[tilespmem:s28+$0x400] =	vst v10;
	v6 =	vld [tilespmem:s25+$0x8B0];
	v5 =	vadd.bf16 v9, v5  }
0x2ed: {  	v9 =	vld [tilespmem:s9+$0x50];
	v10 =	vshll.u32 v4, $0x10;
	[tilespmem:s16+$0x1870] =	vst v4  }
0x2ee: {  	v3 =	vadd.bf16 v3, v11;
	v4 =	vld [tilespmem:s30+$0x50];
	v11 =	vshll.u32 v5, $0x10;
	[tilespmem:s19+$0x1410] =	vst v5  }
0x2ef: {  	v5 =	vld [tilespmem:s31+$0x50];
	[tilespmem:s19+$0x1400] =	vst v11  }
0x2f0: {  	v3 =	vadd.bf16 v8, v3;
	v8 =	vld [tilespmem:s22+$0x850];
	[tilespmem:s16+$0x1860] =	vst v10  }
0x2f1: {  	v6 =	vadd.bf16 v6, v7;
	v7 =	vld [tilespmem:s23+$0x850]  }
0x2f2: {  	v10 =	vshll.u32 v3, $0x10;
	[tilespmem:s29+$0x410] =	vst v3;
	v3 =	vld [tilespmem:s26+$0x830]  }
0x2f3: {  	[tilespmem:s29+$0x400] =	vst v10;
	v4 =	vadd.bf16 v4, v9;
	v9 =	vld [tilespmem:s24+$0x850]  }
0x2f4: {  	v10 =	vld [tilespmem:s10+$0x50]  }
0x2f5: {  	v11 =	vld [tilespmem:s10+$0xD0];
	v4 =	vadd.bf16 v5, v4  }
0x2f6: {  	v5 =	vld [tilespmem:s11+$0x50];
	v7 =	vadd.bf16 v7, v8  }
0x2f7: {  	v8 =	vshll.u32 v4, $0x10;
	[tilespmem:s28+$0x430] =	vst v4;
	v3 =	vadd.bf16 v3, v6;
	v4 =	vld [tilespmem:s18+$0xC40]  }
0x2f8: {  	[tilespmem:s28+$0x420] =	vst v8;
	v6 =	vadd.bf16 v9, v7;
	v7 =	vld [tilespmem:s18+$0xCC0]  }
0x2f9: {  	v8 =	vld [tilespmem:s9+$0x60];
	v9 =	vshll.u32 v3, $0x10;
	[tilespmem:s21+$0x1070] =	vst v3  }
0x2fa: {  	v3 =	vadd.bf16 v11, v10;
	v10 =	vld [tilespmem:s30+$0x60];
	v11 =	vshll.u32 v6, $0x10;
	[tilespmem:s19+$0x1430] =	vst v6  }
0x2fb: {  	v6 =	vld [tilespmem:s31+$0x60];
	[tilespmem:s19+$0x1420] =	vst v11  }
0x2fc: {  	v3 =	vadd.bf16 v5, v3;
	[tilespmem:s21+$0x1060] =	vst v9;
	v5 =	vld [tilespmem:s22+$0x860]  }
0x2fd: {  	v9 =	vld [tilespmem:s23+$0x860];
	v4 =	vadd.bf16 v7, v4  }
0x2fe: {  	v7 =	vshll.u32 v3, $0x10;
	[tilespmem:s29+$0x430] =	vst v3;
	v3 =	vld [tilespmem:s25+$0x840]  }
0x2ff: {  	[tilespmem:s29+$0x420] =	vst v7;
	v7 =	vadd.bf16 v10, v8;
	v8 =	vld [tilespmem:s24+$0x860]  }
0x300: {  	v10 =	vld [tilespmem:s10+$0x60]  }
0x301: {  	v11 =	vld [tilespmem:s10+$0xE0];
	v6 =	vadd.bf16 v6, v7  }
0x302: {  	v7 =	vld [tilespmem:s11+$0x60];
	v5 =	vadd.bf16 v9, v5  }
0x303: {  	v9 =	vshll.u32 v6, $0x10;
	[tilespmem:s28+$0x450] =	vst v6;
	v6 =	vld [tilespmem:s25+$0x8C0]  }
0x304: {  	[tilespmem:s28+$0x440] =	vst v9;
	v9 =	vld [tilespmem:s26+$0x840];
	v5 =	vadd.bf16 v8, v5  }
0x305: {  	v8 =	vld [tilespmem:s9+$0x70]  }
0x306: {  	v10 =	vadd.bf16 v11, v10;
	v11 =	vld [tilespmem:s30+$0x70];
	v12 =	vshll.u32 v5, $0x10;
	[tilespmem:s19+$0x1450] =	vst v5  }
0x307: {  	v5 =	vld [tilespmem:s31+$0x70];
	[tilespmem:s19+$0x1440] =	vst v12  }
0x308: {  	v7 =	vadd.bf16 v7, v10;
	v3 =	vadd.bf16 v6, v3;
	v6 =	vld [tilespmem:s22+$0x870]  }
0x309: {  	v10 =	vld [tilespmem:s23+$0x870]  }
0x30a: {  	v12 =	vshll.u32 v7, $0x10;
	[tilespmem:s29+$0x450] =	vst v7;
	v3 =	vadd.bf16 v9, v3;
	v7 =	vld [tilespmem:s20+$0xC40]  }
0x30b: {  	[tilespmem:s29+$0x440] =	vst v12;
	v8 =	vadd.bf16 v11, v8;
	v9 =	vld [tilespmem:s24+$0x870]  }
0x30c: {  	v11 =	vld [tilespmem:s10+$0x70];
	v12 =	vshll.u32 v3, $0x10;
	[tilespmem:s21+$0x1410] =	vst v3  }
0x30d: {  	v3 =	vld [tilespmem:s10+$0xF0];
	v5 =	vadd.bf16 v5, v8;
	[tilespmem:s21+$0x1400] =	vst v12  }
0x30e: {  	v8 =	vld [tilespmem:s11+$0x70];
	v6 =	vadd.bf16 v10, v6  }
0x30f: {  	v10 =	vshll.u32 v5, $0x10;
	[tilespmem:s28+$0x470] =	vst v5;
	v5 =	vld [tilespmem:s25+$0x850];
	v4 =	vadd.bf16 v7, v4  }
0x310: {  	[tilespmem:s28+$0x460] =	vst v10;
	v7 =	vld [tilespmem:s25+$0x8D0];
	v6 =	vadd.bf16 v9, v6  }
0x311: {  	v9 =	vld [tilespmem:s9+$0x400];
	v10 =	vshll.u32 v4, $0x10;
	[tilespmem:s16+$0x1C10] =	vst v4  }
0x312: {  	v3 =	vadd.bf16 v3, v11;
	v4 =	vld [tilespmem:s30+$0x400];
	v11 =	vshll.u32 v6, $0x10;
	[tilespmem:s19+$0x1470] =	vst v6  }
0x313: {  	v6 =	vld [tilespmem:s31+$0x400];
	[tilespmem:s19+$0x1460] =	vst v11  }
0x314: {  	v3 =	vadd.bf16 v8, v3;
	v8 =	vld [tilespmem:s22+$0xC00];
	[tilespmem:s16+$0x1C00] =	vst v10  }
0x315: {  	v5 =	vadd.bf16 v7, v5;
	v7 =	vld [tilespmem:s23+$0xC00]  }
0x316: {  	v10 =	vshll.u32 v3, $0x10;
	[tilespmem:s29+$0x470] =	vst v3;
	v3 =	vld [tilespmem:s26+$0x850]  }
0x317: {  	[tilespmem:s29+$0x460] =	vst v10;
	v4 =	vadd.bf16 v4, v9;
	v9 =	vld [tilespmem:s24+$0xC00]  }
0x318: {  	v10 =	vld [tilespmem:s10+$0x400]  }
0x319: {  	v11 =	vld [tilespmem:s10+$0x480];
	v4 =	vadd.bf16 v6, v4  }
0x31a: {  	v6 =	vld [tilespmem:s11+$0x400];
	v7 =	vadd.bf16 v7, v8  }
0x31b: {  	v8 =	vshll.u32 v4, $0x10;
	[tilespmem:s28+$0x810] =	vst v4;
	v3 =	vadd.bf16 v3, v5;
	v4 =	vld [tilespmem:s18+$0xC50]  }
0x31c: {  	[tilespmem:s28+$0x800] =	vst v8;
	v5 =	vadd.bf16 v9, v7;
	v7 =	vld [tilespmem:s18+$0xCD0]  }
0x31d: {  	v8 =	vld [tilespmem:s9+$0x410];
	v9 =	vshll.u32 v3, $0x10;
	[tilespmem:s21+$0x1430] =	vst v3  }
0x31e: {  	v3 =	vadd.bf16 v11, v10;
	v10 =	vld [tilespmem:s30+$0x410];
	v11 =	vshll.u32 v5, $0x10;
	[tilespmem:s19+$0x1810] =	vst v5  }
0x31f: {  	v5 =	vld [tilespmem:s31+$0x410];
	[tilespmem:s19+$0x1800] =	vst v11  }
0x320: {  	v3 =	vadd.bf16 v6, v3;
	[tilespmem:s21+$0x1420] =	vst v9;
	v6 =	vld [tilespmem:s22+$0xC10]  }
0x321: {  	v9 =	vld [tilespmem:s23+$0xC10];
	v4 =	vadd.bf16 v7, v4  }
0x322: {  	v7 =	vshll.u32 v3, $0x10;
	[tilespmem:s29+$0x810] =	vst v3;
	v3 =	vld [tilespmem:s25+$0x860]  }
0x323: {  	[tilespmem:s29+$0x800] =	vst v7;
	v7 =	vadd.bf16 v10, v8;
	v8 =	vld [tilespmem:s24+$0xC10]  }
0x324: {  	v10 =	vld [tilespmem:s10+$0x410]  }
0x325: {  	v11 =	vld [tilespmem:s10+$0x490];
	v5 =	vadd.bf16 v5, v7  }
0x326: {  	v7 =	vld [tilespmem:s11+$0x410];
	v6 =	vadd.bf16 v9, v6  }
0x327: {  	v9 =	vshll.u32 v5, $0x10;
	[tilespmem:s28+$0x830] =	vst v5;
	v5 =	vld [tilespmem:s25+$0x8E0]  }
0x328: {  	[tilespmem:s28+$0x820] =	vst v9;
	v9 =	vld [tilespmem:s26+$0x860];
	v6 =	vadd.bf16 v8, v6  }
0x329: {  	v8 =	vld [tilespmem:s9+$0x420]  }
0x32a: {  	v10 =	vadd.bf16 v11, v10;
	v11 =	vld [tilespmem:s30+$0x420];
	v12 =	vshll.u32 v6, $0x10;
	[tilespmem:s19+$0x1830] =	vst v6  }
0x32b: {  	v6 =	vld [tilespmem:s31+$0x420];
	[tilespmem:s19+$0x1820] =	vst v12  }
0x32c: {  	v7 =	vadd.bf16 v7, v10;
	v3 =	vadd.bf16 v5, v3;
	v5 =	vld [tilespmem:s22+$0xC20]  }
0x32d: {  	v10 =	vld [tilespmem:s23+$0xC20]  }
0x32e: {  	v12 =	vshll.u32 v7, $0x10;
	[tilespmem:s29+$0x830] =	vst v7;
	v3 =	vadd.bf16 v9, v3;
	v7 =	vld [tilespmem:s20+$0xC50]  }
0x32f: {  	[tilespmem:s29+$0x820] =	vst v12;
	v8 =	vadd.bf16 v11, v8;
	v9 =	vld [tilespmem:s24+$0xC20]  }
0x330: {  	v11 =	vld [tilespmem:s10+$0x420];
	v12 =	vshll.u32 v3, $0x10;
	[tilespmem:s21+$0x1450] =	vst v3  }
0x331: {  	v3 =	vld [tilespmem:s10+$0x4A0];
	v6 =	vadd.bf16 v6, v8;
	[tilespmem:s21+$0x1440] =	vst v12  }
0x332: {  	v8 =	vld [tilespmem:s11+$0x420];
	v5 =	vadd.bf16 v10, v5  }
0x333: {  	v10 =	vshll.u32 v6, $0x10;
	[tilespmem:s28+$0x850] =	vst v6;
	v6 =	vld [tilespmem:s25+$0x870];
	v4 =	vadd.bf16 v7, v4  }
0x334: {  	[tilespmem:s28+$0x840] =	vst v10;
	v7 =	vld [tilespmem:s25+$0x8F0];
	v5 =	vadd.bf16 v9, v5  }
0x335: {  	v9 =	vld [tilespmem:s9+$0x430];
	v10 =	vshll.u32 v4, $0x10;
	[tilespmem:s16+$0x1C30] =	vst v4  }
0x336: {  	v3 =	vadd.bf16 v3, v11;
	v4 =	vld [tilespmem:s30+$0x430];
	v11 =	vshll.u32 v5, $0x10;
	[tilespmem:s19+$0x1850] =	vst v5  }
0x337: {  	v5 =	vld [tilespmem:s31+$0x430];
	[tilespmem:s19+$0x1840] =	vst v11  }
0x338: {  	v3 =	vadd.bf16 v8, v3;
	v8 =	vld [tilespmem:s22+$0xC30];
	[tilespmem:s16+$0x1C20] =	vst v10  }
0x339: {  	v6 =	vadd.bf16 v7, v6;
	v7 =	vld [tilespmem:s23+$0xC30]  }
0x33a: {  	v10 =	vshll.u32 v3, $0x10;
	[tilespmem:s29+$0x850] =	vst v3;
	v3 =	vld [tilespmem:s26+$0x870]  }
0x33b: {  	[tilespmem:s29+$0x840] =	vst v10;
	v4 =	vadd.bf16 v4, v9;
	v9 =	vld [tilespmem:s24+$0xC30]  }
0x33c: {  	v10 =	vld [tilespmem:s10+$0x430]  }
0x33d: {  	v11 =	vld [tilespmem:s10+$0x4B0];
	v4 =	vadd.bf16 v5, v4  }
0x33e: {  	v5 =	vld [tilespmem:s11+$0x430];
	v7 =	vadd.bf16 v7, v8  }
0x33f: {  	v8 =	vshll.u32 v4, $0x10;
	[tilespmem:s28+$0x870] =	vst v4;
	v3 =	vadd.bf16 v3, v6;
	v4 =	vld [tilespmem:s18+$0xC60]  }
0x340: {  	[tilespmem:s28+$0x860] =	vst v8;
	v6 =	vadd.bf16 v9, v7;
	v7 =	vld [tilespmem:s18+$0xCE0]  }
0x341: {  	v8 =	vld [tilespmem:s9+$0x440];
	v9 =	vshll.u32 v3, $0x10;
	[tilespmem:s21+$0x1470] =	vst v3  }
0x342: {  	v3 =	vadd.bf16 v11, v10;
	v10 =	vld [tilespmem:s30+$0x440];
	v11 =	vshll.u32 v6, $0x10;
	[tilespmem:s19+$0x1870] =	vst v6  }
0x343: {  	v6 =	vld [tilespmem:s31+$0x440];
	[tilespmem:s19+$0x1860] =	vst v11  }
0x344: {  	v3 =	vadd.bf16 v5, v3;
	[tilespmem:s21+$0x1460] =	vst v9;
	v5 =	vld [tilespmem:s22+$0xC40]  }
0x345: {  	v9 =	vld [tilespmem:s23+$0xC40];
	v4 =	vadd.bf16 v7, v4  }
0x346: {  	v7 =	vshll.u32 v3, $0x10;
	[tilespmem:s29+$0x870] =	vst v3;
	v3 =	vld [tilespmem:s25+$0xC00]  }
0x347: {  	[tilespmem:s29+$0x860] =	vst v7;
	v7 =	vadd.bf16 v10, v8;
	v8 =	vld [tilespmem:s24+$0xC40]  }
0x348: {  	v10 =	vld [tilespmem:s10+$0x440]  }
0x349: {  	v11 =	vld [tilespmem:s10+$0x4C0];
	v6 =	vadd.bf16 v6, v7  }
0x34a: {  	v7 =	vld [tilespmem:s11+$0x440];
	v5 =	vadd.bf16 v9, v5  }
0x34b: {  	v9 =	vshll.u32 v6, $0x10;
	[tilespmem:s28+$0xC10] =	vst v6;
	v6 =	vld [tilespmem:s25+$0xC80]  }
0x34c: {  	[tilespmem:s28+$0xC00] =	vst v9;
	v9 =	vld [tilespmem:s26+$0xC00];
	v5 =	vadd.bf16 v8, v5  }
0x34d: {  	v8 =	vld [tilespmem:s9+$0x450]  }
0x34e: {  	v10 =	vadd.bf16 v11, v10;
	v11 =	vld [tilespmem:s30+$0x450];
	v12 =	vshll.u32 v5, $0x10;
	[tilespmem:s19+$0x1C10] =	vst v5  }
0x34f: {  	v5 =	vld [tilespmem:s31+$0x450];
	[tilespmem:s19+$0x1C00] =	vst v12  }
0x350: {  	v7 =	vadd.bf16 v7, v10;
	v3 =	vadd.bf16 v6, v3;
	v6 =	vld [tilespmem:s22+$0xC50]  }
0x351: {  	v10 =	vld [tilespmem:s23+$0xC50]  }
0x352: {  	v12 =	vshll.u32 v7, $0x10;
	[tilespmem:s29+$0xC10] =	vst v7;
	v3 =	vadd.bf16 v9, v3;
	v7 =	vld [tilespmem:s20+$0xC60]  }
0x353: {  	[tilespmem:s29+$0xC00] =	vst v12;
	v8 =	vadd.bf16 v11, v8;
	v9 =	vld [tilespmem:s24+$0xC50]  }
0x354: {  	v11 =	vld [tilespmem:s10+$0x450];
	v12 =	vshll.u32 v3, $0x10;
	[tilespmem:s21+$0x1810] =	vst v3  }
0x355: {  	v3 =	vld [tilespmem:s10+$0x4D0];
	v5 =	vadd.bf16 v5, v8;
	[tilespmem:s21+$0x1800] =	vst v12  }
0x356: {  	v8 =	vld [tilespmem:s11+$0x450];
	v6 =	vadd.bf16 v10, v6  }
0x357: {  	v10 =	vshll.u32 v5, $0x10;
	[tilespmem:s28+$0xC30] =	vst v5;
	v5 =	vld [tilespmem:s25+$0xC10];
	v4 =	vadd.bf16 v7, v4  }
0x358: {  	[tilespmem:s28+$0xC20] =	vst v10;
	v7 =	vld [tilespmem:s25+$0xC90];
	v6 =	vadd.bf16 v9, v6  }
0x359: {  	v9 =	vld [tilespmem:s31+$0x460];
	v10 =	vshll.u32 v4, $0x10;
	[tilespmem:s16+$0x1C50] =	vst v4  }
0x35a: {  	v3 =	vadd.bf16 v3, v11;
	v4 =	vld [tilespmem:s9+$0x460];
	v11 =	vshll.u32 v6, $0x10;
	[tilespmem:s19+$0x1C30] =	vst v6  }
0x35b: {  	v6 =	vld [tilespmem:s30+$0x460];
	[tilespmem:s19+$0x1C20] =	vst v11  }
0x35c: {  	v3 =	vadd.bf16 v8, v3;
	v8 =	vld [tilespmem:s22+$0xC60];
	[tilespmem:s16+$0x1C40] =	vst v10  }
0x35d: {  	v5 =	vadd.bf16 v7, v5;
	v7 =	vld [tilespmem:s23+$0xC60]  }
0x35e: {  	v10 =	vshll.u32 v3, $0x10;
	[tilespmem:s29+$0xC30] =	vst v3;
	v3 =	vld [tilespmem:s26+$0xC10]  }
0x35f: {  	[tilespmem:s29+$0xC20] =	vst v10;
	v10 =	vld [tilespmem:s24+$0xC60]  }
0x360: {  	v11 =	vld [tilespmem:s10+$0x460];
	v4 =	vadd.bf16 v6, v4  }
0x361: {  	v6 =	vld [tilespmem:s10+$0x4E0]  }
0x362: {  	v12 =	vld [tilespmem:s11+$0x460];
	v4 =	vadd.bf16 v9, v4;
	v7 =	vadd.bf16 v7, v8  }
0x363: {  	v5 =	vadd.bf16 v3, v5;
	v9 =	vld [tilespmem:s18+$0xC70]  }
0x364: {  	v3 =	vshll.u32 v4, $0x10;
	[tilespmem:s28+$0xC50] =	vst v4;
	v4 =	vadd.bf16 v10, v7;
	v10 =	vld [tilespmem:s18+$0xCF0];
	s18 =	smov.u32 s25;
	s25 =	smov.u32 s10  }
0x365: {  	[tilespmem:s28+$0xC40] =	vst v3;
	v3 =	vshll.u32 v5, $0x10;
	v13 =	vld [tilespmem:s20+$0xC70];
	s20 =	smov.u32 s26;
	s26 =	smov.u32 s11  }
0x366: {  	v6 =	vadd.bf16 v6, v11;
	v7 =	vld [tilespmem:s9+$0x470];
	v11 =	vshll.u32 v4, $0x10;
	[tilespmem:s19+$0x1C50] =	vst v4  }
0x367: {  	v8 =	vld [tilespmem:s30+$0x470];
	[tilespmem:s19+$0x1C40] =	vst v11  }
.Ltmp0:
0x368: {  	v4 =	vadd.bf16 v12, v6;
	[tilespmem:s21+$0x1820] =	vst v3;
	v3 =	vld [tilespmem:s22+$0xC70];
	s22 =	smov.u32 s9;
	(pc) =	sbr.rel @p0 .LBB2_3-.Ltmp0, $4  }
0x369: {  	[tilespmem:s21+$0x1830] =	vst v5;
	v5 =	vld [tilespmem:s23+$0xC70];
	v6 =	vadd.bf16 v10, v9;
	s23 =	smov.u32 s30  }
0x36a: {  	v9 =	vshll.u32 v4, $0x10;
	[tilespmem:s29+$0xC50] =	vst v4;
	v10 =	vld [tilespmem:s31+$0x470]  }
0x36b: {  	[tilespmem:s29+$0xC40] =	vst v9;
	v4 =	vld [tilespmem:s24+$0xC70];
	v6 =	vadd.bf16 v13, v6;
	s24 =	smov.u32 s31  }
0x36c: {  	s7 =	sadd.s32 $0x300, s7;
	s8 =	sadd.s32 $0xC00, s8;
	v9 =	vld [tilespmem:s25+$0x470]  }
0x36d: {  	v11 =	vld [tilespmem:s25+$0x4F0];
	_ =	sdelay $0x1  }
0x36e: {  	v7 =	vadd.bf16 v8, v7;
	v50 =	vld [tilespmem:s26+$0x470];
	_ =	sdelay $0x1  }
0x36f: {  	v7 =	vadd.bf16 v10, v7  }
0x370: {  	v9 =	vadd.bf16 v11, v9  }
0x371: {  	v10 =	vshll.u32 v7, $0x10;
	[tilespmem:s28+$0xC70] =	vst v7  }
0x372: {  	[tilespmem:s28+$0xC60] =	vst v10;
	v51 =	vadd.bf16 v50, v9  }
0x373: {  	v52 =	vld [tilespmem:s22+$0x800]  }
0x374: {  	v53 =	vld [tilespmem:s23+$0x800];
	v54 =	vshll.u32 v51, $0x10;
	[tilespmem:s29+$0xC70] =	vst v51  }
0x375: {  	v55 =	vld [tilespmem:s24+$0x800];
	[tilespmem:s29+$0xC60] =	vst v54  }
0x376: {  	v10 =	vld [tilespmem:s25+$0x800]  }
0x377: {  	v56 =	vld [tilespmem:s25+$0x880];
	_ =	sdelay $0x1  }
0x378: {  	v8 =	vadd.bf16 v53, v52;
	v57 =	vld [tilespmem:s26+$0x800];
	_ =	sdelay $0x1  }
0x379: {  	v7 =	vadd.bf16 v55, v8  }
0x37a: {  	v58 =	vadd.bf16 v56, v10  }
0x37b: {  	v59 =	vshll.u32 v7, $0x10;
	[tilespmem:s28+$0x1010] =	vst v7  }
0x37c: {  	[tilespmem:s28+$0x1000] =	vst v59;
	v60 =	vadd.bf16 v57, v58  }
0x37d: {  	v61 =	vld [tilespmem:s22+$0x810]  }
0x37e: {  	v62 =	vld [tilespmem:s23+$0x810];
	v63 =	vshll.u32 v60, $0x10;
	[tilespmem:s29+$0x1010] =	vst v60  }
0x37f: {  	v12 =	vld [tilespmem:s24+$0x810];
	[tilespmem:s29+$0x1000] =	vst v63  }
0x380: {  	v10 =	vld [tilespmem:s25+$0x810]  }
0x381: {  	v13 =	vld [tilespmem:s25+$0x890];
	_ =	sdelay $0x1  }
0x382: {  	v8 =	vadd.bf16 v62, v61;
	v14 =	vld [tilespmem:s26+$0x810];
	_ =	sdelay $0x1  }
0x383: {  	v7 =	vadd.bf16 v12, v8  }
0x384: {  	v15 =	vadd.bf16 v13, v10  }
0x385: {  	v16 =	vshll.u32 v7, $0x10;
	[tilespmem:s28+$0x1030] =	vst v7  }
0x386: {  	[tilespmem:s28+$0x1020] =	vst v16;
	v17 =	vadd.bf16 v14, v15  }
0x387: {  	v18 =	vld [tilespmem:s22+$0x820]  }
0x388: {  	v19 =	vld [tilespmem:s23+$0x820];
	v20 =	vshll.u32 v17, $0x10;
	[tilespmem:s29+$0x1030] =	vst v17  }
0x389: {  	v21 =	vld [tilespmem:s24+$0x820];
	[tilespmem:s29+$0x1020] =	vst v20  }
0x38a: {  	v10 =	vld [tilespmem:s25+$0x820]  }
0x38b: {  	v22 =	vld [tilespmem:s25+$0x8A0];
	_ =	sdelay $0x1  }
0x38c: {  	v8 =	vadd.bf16 v19, v18;
	v23 =	vld [tilespmem:s26+$0x820];
	_ =	sdelay $0x1  }
0x38d: {  	v7 =	vadd.bf16 v21, v8  }
0x38e: {  	v24 =	vadd.bf16 v22, v10  }
0x38f: {  	v25 =	vshll.u32 v7, $0x10;
	[tilespmem:s28+$0x1050] =	vst v7  }
0x390: {  	[tilespmem:s28+$0x1040] =	vst v25;
	v26 =	vadd.bf16 v23, v24  }
0x391: {  	v27 =	vld [tilespmem:s22+$0x830]  }
0x392: {  	v28 =	vld [tilespmem:s23+$0x830];
	v29 =	vshll.u32 v26, $0x10;
	[tilespmem:s29+$0x1050] =	vst v26  }
0x393: {  	v30 =	vld [tilespmem:s24+$0x830];
	[tilespmem:s29+$0x1040] =	vst v29  }
0x394: {  	v10 =	vld [tilespmem:s25+$0x830]  }
0x395: {  	v31 =	vld [tilespmem:s25+$0x8B0];
	_ =	sdelay $0x1  }
0x396: {  	v8 =	vadd.bf16 v28, v27;
	v32 =	vld [tilespmem:s26+$0x830];
	_ =	sdelay $0x1  }
0x397: {  	v7 =	vadd.bf16 v30, v8  }
0x398: {  	v33 =	vadd.bf16 v31, v10  }
0x399: {  	v34 =	vshll.u32 v7, $0x10;
	[tilespmem:s28+$0x1070] =	vst v7  }
0x39a: {  	[tilespmem:s28+$0x1060] =	vst v34;
	v35 =	vadd.bf16 v32, v33  }
0x39b: {  	v36 =	vld [tilespmem:s22+$0x840]  }
0x39c: {  	v37 =	vld [tilespmem:s23+$0x840];
	v38 =	vshll.u32 v35, $0x10;
	[tilespmem:s29+$0x1070] =	vst v35  }
0x39d: {  	v39 =	vld [tilespmem:s24+$0x840];
	[tilespmem:s29+$0x1060] =	vst v38  }
0x39e: {  	v10 =	vld [tilespmem:s25+$0x840]  }
0x39f: {  	v40 =	vld [tilespmem:s25+$0x8C0];
	_ =	sdelay $0x1  }
0x3a0: {  	v8 =	vadd.bf16 v37, v36;
	v41 =	vld [tilespmem:s26+$0x840];
	_ =	sdelay $0x1  }
0x3a1: {  	v7 =	vadd.bf16 v39, v8  }
0x3a2: {  	v42 =	vadd.bf16 v40, v10  }
0x3a3: {  	v43 =	vshll.u32 v7, $0x10;
	[tilespmem:s28+$0x1410] =	vst v7  }
0x3a4: {  	[tilespmem:s28+$0x1400] =	vst v43;
	v44 =	vadd.bf16 v41, v42  }
0x3a5: {  	v45 =	vld [tilespmem:s22+$0x850]  }
0x3a6: {  	v46 =	vld [tilespmem:s23+$0x850];
	v47 =	vshll.u32 v44, $0x10;
	[tilespmem:s29+$0x1410] =	vst v44  }
0x3a7: {  	v48 =	vld [tilespmem:s24+$0x850];
	[tilespmem:s29+$0x1400] =	vst v47  }
0x3a8: {  	v10 =	vld [tilespmem:s25+$0x850]  }
0x3a9: {  	v49 =	vld [tilespmem:s25+$0x8D0];
	_ =	sdelay $0x1  }
0x3aa: {  	v8 =	vadd.bf16 v46, v45;
	v50 =	vld [tilespmem:s26+$0x850];
	_ =	sdelay $0x1  }
0x3ab: {  	v7 =	vadd.bf16 v48, v8  }
0x3ac: {  	v51 =	vadd.bf16 v49, v10  }
0x3ad: {  	v52 =	vshll.u32 v7, $0x10;
	[tilespmem:s28+$0x1430] =	vst v7  }
0x3ae: {  	[tilespmem:s28+$0x1420] =	vst v52;
	v53 =	vadd.bf16 v50, v51  }
0x3af: {  	v54 =	vld [tilespmem:s22+$0x860]  }
0x3b0: {  	v55 =	vld [tilespmem:s23+$0x860];
	v56 =	vshll.u32 v53, $0x10;
	[tilespmem:s29+$0x1430] =	vst v53  }
0x3b1: {  	v57 =	vld [tilespmem:s24+$0x860];
	[tilespmem:s29+$0x1420] =	vst v56  }
0x3b2: {  	v10 =	vld [tilespmem:s25+$0x860]  }
0x3b3: {  	v58 =	vld [tilespmem:s25+$0x8E0];
	_ =	sdelay $0x1  }
0x3b4: {  	v8 =	vadd.bf16 v55, v54;
	v59 =	vld [tilespmem:s26+$0x860];
	_ =	sdelay $0x1  }
0x3b5: {  	v7 =	vadd.bf16 v57, v8  }
0x3b6: {  	v60 =	vadd.bf16 v58, v10  }
0x3b7: {  	v61 =	vshll.u32 v7, $0x10;
	[tilespmem:s28+$0x1450] =	vst v7  }
0x3b8: {  	[tilespmem:s28+$0x1440] =	vst v61;
	v62 =	vadd.bf16 v59, v60  }
0x3b9: {  	v63 =	vld [tilespmem:s22+$0x870]  }
0x3ba: {  	v12 =	vld [tilespmem:s23+$0x870];
	v13 =	vshll.u32 v62, $0x10;
	[tilespmem:s29+$0x1450] =	vst v62  }
0x3bb: {  	v14 =	vld [tilespmem:s24+$0x870];
	[tilespmem:s29+$0x1440] =	vst v13  }
0x3bc: {  	v10 =	vld [tilespmem:s25+$0x870]  }
0x3bd: {  	v15 =	vld [tilespmem:s25+$0x8F0];
	_ =	sdelay $0x1  }
0x3be: {  	v8 =	vadd.bf16 v12, v63;
	v16 =	vld [tilespmem:s26+$0x870];
	_ =	sdelay $0x1  }
0x3bf: {  	v7 =	vadd.bf16 v14, v8  }
0x3c0: {  	v17 =	vadd.bf16 v15, v10  }
0x3c1: {  	v18 =	vshll.u32 v7, $0x10;
	[tilespmem:s28+$0x1470] =	vst v7  }
0x3c2: {  	[tilespmem:s28+$0x1460] =	vst v18;
	v19 =	vadd.bf16 v16, v17  }
0x3c3: {  	v20 =	vld [tilespmem:s22+$0xC00]  }
0x3c4: {  	v21 =	vld [tilespmem:s23+$0xC00];
	v22 =	vshll.u32 v19, $0x10;
	[tilespmem:s29+$0x1470] =	vst v19  }
0x3c5: {  	v23 =	vld [tilespmem:s24+$0xC00];
	[tilespmem:s29+$0x1460] =	vst v22  }
0x3c6: {  	v10 =	vld [tilespmem:s25+$0xC00]  }
0x3c7: {  	v24 =	vld [tilespmem:s25+$0xC80];
	_ =	sdelay $0x1  }
0x3c8: {  	v8 =	vadd.bf16 v21, v20;
	v25 =	vld [tilespmem:s26+$0xC00];
	_ =	sdelay $0x1  }
0x3c9: {  	v7 =	vadd.bf16 v23, v8  }
0x3ca: {  	v26 =	vadd.bf16 v24, v10  }
0x3cb: {  	v27 =	vshll.u32 v7, $0x10;
	[tilespmem:s28+$0x1810] =	vst v7  }
0x3cc: {  	[tilespmem:s28+$0x1800] =	vst v27;
	v28 =	vadd.bf16 v25, v26  }
0x3cd: {  	v29 =	vld [tilespmem:s22+$0xC10]  }
0x3ce: {  	v30 =	vld [tilespmem:s23+$0xC10];
	v31 =	vshll.u32 v28, $0x10;
	[tilespmem:s29+$0x1810] =	vst v28  }
0x3cf: {  	v32 =	vld [tilespmem:s24+$0xC10];
	[tilespmem:s29+$0x1800] =	vst v31  }
0x3d0: {  	v10 =	vld [tilespmem:s25+$0xC10]  }
0x3d1: {  	v33 =	vld [tilespmem:s25+$0xC90];
	_ =	sdelay $0x1  }
0x3d2: {  	v12 =	vld [tilespmem:s26+$0xC10];
	v8 =	vadd.bf16 v30, v29;
	_ =	sdelay $0x1  }
0x3d3: {  	v7 =	vadd.bf16 v32, v8  }
0x3d4: {  	v35 =	vld [tilespmem:s18+$0xC20];
	v34 =	vadd.bf16 v33, v10  }
0x3d5: {  	v36 =	vld [tilespmem:s18+$0xCA0];
	v37 =	vshll.u32 v7, $0x10;
	[tilespmem:s28+$0x1830] =	vst v7  }
0x3d6: {  	v39 =	vld [tilespmem:s20+$0xC20];
	[tilespmem:s28+$0x1820] =	vst v37;
	v38 =	vadd.bf16 v12, v34  }
0x3d7: {  	v11 =	vld [tilespmem:s22+$0xC20]  }
0x3d8: {  	v13 =	vld [tilespmem:s23+$0xC20];
	v12 =	vshll.u32 v38, $0x10;
	[tilespmem:s29+$0x1830] =	vst v38  }
0x3d9: {  	v40 =	vld [tilespmem:s24+$0xC20];
	[tilespmem:s29+$0x1820] =	vst v12  }
0x3da: {  	v41 =	vadd.bf16 v36, v35;
	v42 =	vld [tilespmem:s25+$0xC20]  }
0x3db: {  	v43 =	vld [tilespmem:s25+$0xCA0]  }
0x3dc: {  	v7 =	vadd.bf16 v39, v41  }
0x3dd: {  	v44 =	vadd.bf16 v13, v11;
	v45 =	vld [tilespmem:s26+$0xC20]  }
0x3de: {  	v46 =	vshll.u32 v7, $0x10;
	[tilespmem:s21+$0x1850] =	vst v7  }
0x3df: {  	[tilespmem:s21+$0x1840] =	vst v46;
	v47 =	vadd.bf16 v40, v44  }
0x3e0: {  	v48 =	vld [tilespmem:s18+$0xC30];
	v9 =	vadd.bf16 v43, v42  }
0x3e1: {  	v49 =	vld [tilespmem:s18+$0xCB0];
	v12 =	vshll.u32 v47, $0x10;
	[tilespmem:s28+$0x1850] =	vst v47  }
0x3e2: {  	v50 =	vld [tilespmem:s20+$0xC30];
	[tilespmem:s28+$0x1840] =	vst v12;
	v9 =	vadd.bf16 v45, v9  }
0x3e3: {  	v51 =	vld [tilespmem:s22+$0xC30]  }
0x3e4: {  	v12 =	vld [tilespmem:s23+$0xC30];
	v52 =	vshll.u32 v9, $0x10;
	[tilespmem:s29+$0x1850] =	vst v9  }
0x3e5: {  	v53 =	vld [tilespmem:s24+$0xC30];
	[tilespmem:s29+$0x1840] =	vst v52  }
0x3e6: {  	v8 =	vadd.bf16 v49, v48;
	v54 =	vld [tilespmem:s25+$0xC30]  }
0x3e7: {  	v13 =	vld [tilespmem:s25+$0xCB0]  }
0x3e8: {  	v7 =	vadd.bf16 v50, v8  }
0x3e9: {  	v55 =	vadd.bf16 v12, v51;
	v56 =	vld [tilespmem:s26+$0xC30]  }
0x3ea: {  	v57 =	vshll.u32 v7, $0x10;
	[tilespmem:s21+$0x1870] =	vst v7  }
0x3eb: {  	[tilespmem:s21+$0x1860] =	vst v57;
	v58 =	vadd.bf16 v53, v55  }
0x3ec: {  	v59 =	vld [tilespmem:s18+$0xC40];
	v60 =	vadd.bf16 v13, v54  }
0x3ed: {  	v61 =	vld [tilespmem:s18+$0xCC0];
	v62 =	vshll.u32 v58, $0x10;
	[tilespmem:s28+$0x1870] =	vst v58  }
0x3ee: {  	v63 =	vld [tilespmem:s20+$0xC40];
	[tilespmem:s28+$0x1860] =	vst v62;
	v9 =	vadd.bf16 v56, v60  }
0x3ef: {  	v16 =	vld [tilespmem:s22+$0xC40]  }
0x3f0: {  	v12 =	vld [tilespmem:s23+$0xC40];
	v17 =	vshll.u32 v9, $0x10;
	[tilespmem:s29+$0x1870] =	vst v9  }
0x3f1: {  	v18 =	vld [tilespmem:s24+$0xC40];
	[tilespmem:s29+$0x1860] =	vst v17  }
0x3f2: {  	v8 =	vadd.bf16 v61, v59;
	v19 =	vld [tilespmem:s25+$0xC40]  }
0x3f3: {  	v13 =	vld [tilespmem:s25+$0xCC0]  }
0x3f4: {  	v7 =	vadd.bf16 v63, v8  }
0x3f5: {  	v20 =	vadd.bf16 v12, v16;
	v21 =	vld [tilespmem:s26+$0xC40]  }
0x3f6: {  	v22 =	vshll.u32 v7, $0x10;
	[tilespmem:s21+$0x1C10] =	vst v7  }
0x3f7: {  	[tilespmem:s21+$0x1C00] =	vst v22;
	v23 =	vadd.bf16 v18, v20  }
0x3f8: {  	v24 =	vld [tilespmem:s18+$0xC50];
	v25 =	vadd.bf16 v13, v19  }
0x3f9: {  	v26 =	vld [tilespmem:s18+$0xCD0];
	v27 =	vshll.u32 v23, $0x10;
	[tilespmem:s28+$0x1C10] =	vst v23  }
0x3fa: {  	v28 =	vld [tilespmem:s20+$0xC50];
	[tilespmem:s28+$0x1C00] =	vst v27;
	v9 =	vadd.bf16 v21, v25  }
0x3fb: {  	v29 =	vld [tilespmem:s22+$0xC50]  }
0x3fc: {  	v12 =	vld [tilespmem:s23+$0xC50];
	v30 =	vshll.u32 v9, $0x10;
	[tilespmem:s29+$0x1C10] =	vst v9  }
0x3fd: {  	v31 =	vld [tilespmem:s24+$0xC50];
	[tilespmem:s29+$0x1C00] =	vst v30  }
0x3fe: {  	v8 =	vadd.bf16 v26, v24;
	v32 =	vld [tilespmem:s25+$0xC50]  }
0x3ff: {  	v13 =	vld [tilespmem:s25+$0xCD0]  }
0x400: {  	v7 =	vadd.bf16 v28, v8  }
0x401: {  	v33 =	vadd.bf16 v12, v29;
	v34 =	vld [tilespmem:s26+$0xC50]  }
0x402: {  	v35 =	vshll.u32 v7, $0x10;
	[tilespmem:s21+$0x1C30] =	vst v7  }
0x403: {  	[tilespmem:s21+$0x1C20] =	vst v35;
	v36 =	vadd.bf16 v31, v33  }
0x404: {  	v37 =	vld [tilespmem:s18+$0xC60];
	v38 =	vadd.bf16 v13, v32  }
0x405: {  	v39 =	vld [tilespmem:s18+$0xCE0];
	v40 =	vshll.u32 v36, $0x10;
	[tilespmem:s28+$0x1C30] =	vst v36  }
0x406: {  	v41 =	vld [tilespmem:s20+$0xC60];
	[tilespmem:s28+$0x1C20] =	vst v40;
	v9 =	vadd.bf16 v34, v38  }
0x407: {  	v42 =	vld [tilespmem:s22+$0xC60]  }
0x408: {  	v12 =	vld [tilespmem:s23+$0xC60];
	v43 =	vshll.u32 v9, $0x10;
	[tilespmem:s29+$0x1C30] =	vst v9  }
0x409: {  	v44 =	vld [tilespmem:s24+$0xC60];
	[tilespmem:s29+$0x1C20] =	vst v43  }
0x40a: {  	v8 =	vadd.bf16 v39, v37;
	v45 =	vld [tilespmem:s25+$0xC60]  }
0x40b: {  	v13 =	vld [tilespmem:s25+$0xCE0]  }
0x40c: {  	v7 =	vadd.bf16 v41, v8  }
0x40d: {  	v46 =	vadd.bf16 v12, v42;
	v47 =	vld [tilespmem:s26+$0xC60]  }
0x40e: {  	[tilespmem:s21+$0x1C50] =	vst v7;
	v7 =	vshll.u32 v7, $0x10  }
0x40f: {  	[tilespmem:s21+$0x1C40] =	vst v7;
	v48 =	vadd.bf16 v44, v46  }
0x410: {  	v49 =	vld [tilespmem:s18+$0xC70];
	v50 =	vadd.bf16 v13, v45  }
0x411: {  	v51 =	vld [tilespmem:s18+$0xCF0];
	v52 =	vshll.u32 v48, $0x10;
	[tilespmem:s28+$0x1C50] =	vst v48  }
0x412: {  	v53 =	vld [tilespmem:s20+$0xC70];
	[tilespmem:s28+$0x1C40] =	vst v52;
	v9 =	vadd.bf16 v47, v50  }
0x413: {  	v54 =	vld [tilespmem:s22+$0xC70]  }
0x414: {  	v12 =	vld [tilespmem:s23+$0xC70];
	[tilespmem:s29+$0x1C50] =	vst v9;
	v9 =	vshll.u32 v9, $0x10  }
0x415: {  	v3 =	vadd.bf16 v5, v3;
	v55 =	vld [tilespmem:s24+$0xC70];
	[tilespmem:s29+$0x1C40] =	vst v9  }
0x416: {  	v9 =	vld [tilespmem:s25+$0xC70]  }
0x417: {  	v3 =	vadd.bf16 v4, v3;
	v56 =	vld [tilespmem:s25+$0xCF0]  }
0x418: {  	[tilespmem:s16+$0x1C70] =	vst v6;
	v8 =	vadd.bf16 v51, v49  }
0x419: {  	[tilespmem:s19+$0x1C70] =	vst v3;
	v57 =	vshll.u32 v6, $0x10;
	v60 =	vld [tilespmem:s26+$0xC70]  }
0x41a: {  	[tilespmem:s16+$0x1C60] =	vst v57;
	v58 =	vshll.u32 v3, $0x10;
	v61 =	vadd.bf16 v53, v8;
	v59 =	vadd.bf16 v12, v54  }
0x41b: {  	[tilespmem:s19+$0x1C60] =	vst v58  }
0x41c: {  	v62 =	vshll.u32 v61, $0x10;
	[tilespmem:s21+$0x1C70] =	vst v61;
	v3 =	vadd.bf16 v55, v59;
	v4 =	vadd.bf16 v56, v9  }
0x41d: {  	[tilespmem:s21+$0x1C60] =	vst v62  }
0x41e: {  	v63 =	vshll.u32 v3, $0x10;
	[tilespmem:s28+$0x1C70] =	vst v3;
	v4 =	vadd.bf16 v60, v4  }
0x41f: {  	[tilespmem:s28+$0x1C60] =	vst v63  }
0x420: {  	v3 =	vshll.u32 v4, $0x10;
	[tilespmem:s29+$0x1C70] =	vst v4  }
0x421: {  	s0 =	sshll.u32 s12, $0xB;
	[tilespmem:s29+$0x1C60] =	vst v3  }
0x422: {  	p0 =	sgt.u32 s12, $0x1D;
	s1 =	sadd.s32 $0x3, s14;
	s3 =	rddreg [dreg:$0x5]  }
0x423: {  	s4 =	simm.s32 $0x0;
	s0 =	sadd.s32 s0, s3;
	s3 =	smul.u32 @!p0 $0xC0, s12  }
0x424: {  	[hbm4b:s0+s4] =	stream.linear.scatter [tilespmem:s15], [sflag:s1], $0x4000, $0x38;
	[tilespmem:$0x14600] =	vst v63  }
0x425: {  	s0 =	sshra.s32 @!p0 s3, $0x2  }
0x426: {  	v3 =	vld @!p0 [tilespmem:s0+$0x60];
	_ =	sdelay $0x4  }
0x427: {  	v4 =	vshll.u32 @!p0 v3, $0x2  }
0x428: {  	v5 =	vlaneseq.u32 @!p0;
	v3 =	vand.u32 @!p0 $0x7, v3;
	v4 =	vand.u32 @!p0 $0xFFFFFFE0, v4  }
0x429: {  	v6 =	vshrl.u32 @!p0 v5, $0x3;
	v3 =	vor.u32 @!p0 v3, v4;
	v4 =	vand.u32 @!p0 $0x7, v5  }
0x42a: {  	v6 =	vmul.u32 @!p0 $0x8, v6;
	v7 =	vperm.xlane @!p0 v3, v4;
	_ =	sdelay $0x1  }
0x42b: {  	v7 =	vadd.s32 @!p0 v6, v7  }
0x42c: {  	s1 =	smul.u32 @!p0 $0x18000, s14;
	v5 =	vor.u32 @!p0 $0x8, v5  }
0x42d: {  	v3 =	vperm.xlane @!p0 v3, v5  }
0x42e: {  	s1 =	sshrl.u32 @!p0 s1, $0x2  }
0x42f: {  	vm1 =	vmmov @!p0 $0xffff;
	s4 =	simm.s32 @!p0 $0x0;
	s3 =	sor.u32 @!p0 $0x600, s1;
	v3 =	vadd.s32 @!p0 v6, v3  }
0x430: {  	[tilespmem:s3], [sflag:s13] =	stream.indirect_vreg.gather @!p0 [hbm4b:s2+s4], $0x80, v7, vm1, $0xb8;
	[tilespmem:$0x14600] =	vst v63  }
0x431: {  	s3 =	sor.u32 @!p0 $0xE00, s1  }
0x432: {  	[tilespmem:s3], [sflag:s13] =	stream.indirect_vreg.gather @!p0 [hbm4b:s5+s4], $0x80, v7, vm1, $0xb8;
	[tilespmem:$0x14600] =	vst v63  }
0x433: {  	s3 =	sor.u32 @!p0 $0x1600, s1  }
0x434: {  	[tilespmem:s3], [sflag:s13] =	stream.indirect_vreg.gather @!p0 [hbm4b:s2+s4], $0x80, v3, vm1, $0xb8;
	[tilespmem:$0x14600] =	vst v63  }
0x435: {  	s3 =	sor.u32 @!p0 $0x1E00, s1  }
0x436: {  	[tilespmem:s3], [sflag:s13] =	stream.indirect_vreg.gather @!p0 [hbm4b:s5+s4], $0x80, v3, vm1, $0xb8;
	[tilespmem:$0x14600] =	vst v63  }
0x437: {  	v3 =	vld @!p0 [tilespmem:s0+$0x70];
	_ =	sdelay $0x4  }
0x438: {  	v7 =	vshll.u32 @!p0 v3, $0x2  }
0x439: {  	v3 =	vand.u32 @!p0 $0x7, v3;
	v7 =	vand.u32 @!p0 $0xFFFFFFE0, v7  }
0x43a: {  	v3 =	vor.u32 @!p0 v3, v7  }
0x43b: {  	v7 =	vperm.xlane @!p0 v3, v4;
	_ =	sdelay $0x1  }
0x43c: {  	v7 =	vadd.s32 @!p0 v6, v7;
	_ =	sdelay $0x1  }
0x43d: {  	v3 =	vperm.xlane @!p0 v3, v5;
	_ =	sdelay $0x1  }
0x43e: {  	s3 =	sadd.s32 @!p0 $0x2600, s1;
	v3 =	vadd.s32 @!p0 v6, v3  }
0x43f: {  	[tilespmem:s3], [sflag:s13] =	stream.indirect_vreg.gather @!p0 [hbm4b:s2+s4], $0x80, v7, vm1, $0xb8;
	[tilespmem:$0x14600] =	vst v63  }
0x440: {  	s3 =	sadd.s32 @!p0 $0x2E00, s1  }
0x441: {  	[tilespmem:s3], [sflag:s13] =	stream.indirect_vreg.gather @!p0 [hbm4b:s5+s4], $0x80, v7, vm1, $0xb8;
	[tilespmem:$0x14600] =	vst v63  }
0x442: {  	s3 =	sadd.s32 @!p0 $0x3600, s1  }
0x443: {  	[tilespmem:s3], [sflag:s13] =	stream.indirect_vreg.gather @!p0 [hbm4b:s2+s4], $0x80, v3, vm1, $0xb8;
	[tilespmem:$0x14600] =	vst v63  }
0x444: {  	s3 =	sadd.s32 @!p0 $0x3E00, s1  }
0x445: {  	[tilespmem:s3], [sflag:s13] =	stream.indirect_vreg.gather @!p0 [hbm4b:s5+s4], $0x80, v3, vm1, $0xb8;
	[tilespmem:$0x14600] =	vst v63  }
0x446: {  	v3 =	vld @!p0 [tilespmem:s0+$0x80];
	_ =	sdelay $0x4  }
0x447: {  	v7 =	vshll.u32 @!p0 v3, $0x2  }
0x448: {  	v3 =	vand.u32 @!p0 $0x7, v3;
	v7 =	vand.u32 @!p0 $0xFFFFFFE0, v7  }
0x449: {  	v3 =	vor.u32 @!p0 v3, v7  }
0x44a: {  	v4 =	vperm.xlane @!p0 v3, v4;
	_ =	sdelay $0x1  }
0x44b: {  	v4 =	vadd.s32 @!p0 v6, v4;
	_ =	sdelay $0x1  }
0x44c: {  	v3 =	vperm.xlane @!p0 v3, v5;
	_ =	sdelay $0x1  }
0x44d: {  	s0 =	sadd.s32 @!p0 $0x4600, s1;
	v3 =	vadd.s32 @!p0 v6, v3  }
0x44e: {  	[tilespmem:s0], [sflag:s13] =	stream.indirect_vreg.gather @!p0 [hbm4b:s2+s4], $0x80, v4, vm1, $0xb8;
	[tilespmem:$0x14600] =	vst v63  }
0x44f: {  	s0 =	sadd.s32 @!p0 $0x4E00, s1  }
0x450: {  	[tilespmem:s0], [sflag:s13] =	stream.indirect_vreg.gather @!p0 [hbm4b:s5+s4], $0x80, v4, vm1, $0xb8;
	[tilespmem:$0x14600] =	vst v63  }
0x451: {  	s0 =	sadd.s32 @!p0 $0x5600, s1  }
0x452: {  	[tilespmem:s0], [sflag:s13] =	stream.indirect_vreg.gather @!p0 [hbm4b:s2+s4], $0x80, v3, vm1, $0xb8;
	[tilespmem:$0x14600] =	vst v63  }
0x453: {  	s12 =	sadd.s32 $0x1, s12;
	s0 =	sadd.s32 @!p0 $0x5E00, s1  }
0x454: {  	[tilespmem:s0], [sflag:s13] =	stream.indirect_vreg.gather @!p0 [hbm4b:s5+s4], $0x80, v3, vm1, $0xb8;
	[tilespmem:$0x14600] =	vst v63  }
0x455: {  	p0 =	sne.s32 s12, $0x20  }
.Ltmp1:
0x456: {  	_ = 	snop;
	(pc) =	sbr.rel @p0 .LBB2_2-.Ltmp1, $1  }
0x457: {  	_ =	sdelay $0x3  }
0x458: {  	s0 =	simm.s32 $0x3  }
0x459: {  	_ =	swait.ge [sflag:s0], $0x4000  }
0x45a: {  	[sflag:s0] =	ssyncset.done $0x0  }
0x45b: {  	s1 =	simm.s32 $0x4;
	[sflag:s0] =	ssyncadd.s32 $0xFFFFC000  }
0x45c: {  	_ =	swait.ge [sflag:s1], $0x4000  }
0x45d: {  	s3 =	rddreg [dreg:$0x7]  }
0x45e: {  	s31 =	rddreg [dreg:$0x6];
	s3 =	sadd.s32 $0x1, s3  }
0x45f: {  	p0 =	sne.s32 s3, s31  }
.Ltmp2:
0x460: {  	_ = 	snop;
	(pc) =	sbr.rel @p0 .LBB2_1-.Ltmp2, $3  }
0x461: {  	_ =	sdelay $0x1  }
0x462: {  	[sflag:s1] =	ssyncset.done $0x0  }
0x463: {  	[sflag:s1] =	ssyncadd.s32 $0xFFFFC000  }
0x464: {  	_ =	sfence.sel $0x180000  }
0x465: {  	[bflag:$0x0] =	sbarrier.arrive $0xFFFF  }
0x466: {  	_ =	strace $0x90000047  }
0x467: {  	s0 =	stileid.u32;
	[bflag:$0x2] =	sbarrier.arrive $0xFFFF  }
0x468: {  	p0 =	sne.s32 s0, $0x0;
	s0 =	rddreg [dreg:$0x3]  }
0x469: {  	s0 =	sadd.s32 @!p0 $0x100000, s0  }
0x46a: {  	[sflag:s0] =	ssyncadd.tile.s32 @!p0 $0x1;
	_ =	shalt  }
.Lfunc_end2:
_tile_overlayer_lowered:
.L_overlay_start_2:
0x46b: {  	(tag) =	ssettag $0x2  }
0x46c: {  	s0 =	rddreg [dreg:$0x0];
	s2 =	stileid.u32  }
0x46d: {  	s1 =	rddreg [dreg:$0x1];
	p0 =	sne.s32 s2, $0x0  }
0x46e: {  	s3 =	rddreg [dreg:$0x2];
	[bflag:$0x3] =	sbarrier.arrive $0xFFFF;
	s2 =	simm.s32 @!p0 $0x1C05  }
0x46f: {  	[timem:s3], [sflag:s2] =	dma.local @!p0 [hbm:s0], s1  }
0x470: {  	s0 =	simm.s32 @!p0 $0x5  }
0x471: {  	_ =	swait.ge @!p0 [sflag:s0], s1  }
0x472: {  	s1 =	ssub.s32 @!p0 $0x0, s1;
	[sflag:s0] =	ssyncset.done @!p0 $0x0  }
0x473: {  	[sflag:s0] =	ssyncadd.s32 @!p0 s1  }
0x474: {  	[bflag:$0x3] =	sbarrier.arrive $0xFFFF  }
0x475: {  	_ =	shalt  }

</sc_bundles>
